<compile_context>
chip_gen: v7x
topology: tpu7x:2x2x1
jax: 0.10.2.dev20260603
libtpu: 0.0.44.dev20260713+nightly
codegen_flags: <defaults>
</compile_context>

<pallas_src>
import jax
import jax.numpy as jnp
from jax import lax
from jax.experimental import pallas as pl
from jax.experimental.pallas import tpu as pltpu
from jax.experimental.pallas import tpu_sc as plsc

N = 10000
E = 320000
D = 128
DH = D // 2
NC = 2
NS = 16
NW = NC * NS
CH = 128
NCHUNK = 2560
EPAD = NCHUNK * CH
CPT_A = NCHUNK // NW
CPT_B = NCHUNK // NS
CL = 16
NPAD = 10240
RPT = NPAD // NS
RB = 400


def _count_kernel():
    mesh = plsc.VectorSubcoreMesh(
        core_axis_name="c", subcore_axis_name="s",
        num_cores=NC, num_subcores=NS)

    def body(dsth, zch, och, cnt_o, dst_v, cbuf, ones_v, cnt_s, sem0):
        c = lax.axis_index("c")
        s = lax.axis_index("s")
        wid = s * NC + c

        pltpu.sync_copy(dsth.at[pl.ds(wid * CPT_A, CPT_A)], dst_v)
        pltpu.sync_copy(zch, cbuf)
        pltpu.sync_copy(cbuf, cnt_s.at[pl.ds(s * RPT, RPT)])
        pltpu.sync_copy(och, ones_v)
        plsc.subcore_barrier()

        def wave(w, carry):
            for b in range(4):
                pltpu.async_copy(
                    ones_v, cnt_s.at[dst_v.at[w * 4 + b]], sem0, add=True)
            for b in range(4):
                pltpu.make_async_copy(
                    ones_v, cnt_s.at[dst_v.at[w * 4 + b]], sem0).wait()
            return carry

        lax.fori_loop(0, CPT_A // 4, wave, 0)
        plsc.subcore_barrier()

        pltpu.sync_copy(cnt_s.at[pl.ds(s * RPT, RPT)], cbuf)
        pltpu.sync_copy(cbuf, cnt_o.at[c].at[pl.ds(s * RPT, RPT)])

    return pl.kernel(
        body,
        out_type=[jax.ShapeDtypeStruct((NC, NPAD, CL), jnp.float32)],
        mesh=mesh,
        compiler_params=pltpu.CompilerParams(use_tc_tiling_on_sc=False),
        scratch_types=[
            pltpu.VMEM((CPT_A, CH), jnp.int32),
            pltpu.VMEM((RPT, CL), jnp.float32),
            pltpu.VMEM((CH, CL), jnp.float32),
            pltpu.VMEM_SHARED((NPAD, CL), jnp.float32),
            pltpu.SemaphoreType.DMA,
        ])


def _seg_sum_kernel():
    mesh = plsc.VectorSubcoreMesh(
        core_axis_name="c", subcore_axis_name="s",
        num_cores=NC, num_subcores=NS)

    NB = 5
    LA = 3

    def body(feat, srch, dsth, zfh, agg_o, src_v, dst_v, *rest):
        bufs = tuple(rest[0:NB])
        agg_s = rest[NB]
        gsems = tuple(rest[NB + 1:NB + 1 + NB])
        ssems = tuple(rest[NB + 1 + NB:])
        c = lax.axis_index("c")
        s = lax.axis_index("s")

        pltpu.sync_copy(srch.at[c].at[pl.ds(s * CPT_B, CPT_B)], src_v)
        pltpu.sync_copy(dsth.at[pl.ds(s * CPT_B, CPT_B)], dst_v)

        pltpu.sync_copy(zfh, bufs[0])
        for k in range(RPT // CH):
            pltpu.sync_copy(bufs[0], agg_s.at[pl.ds(s * RPT + k * CH, CH)])
        plsc.subcore_barrier()

        for j0 in range(LA):
            pltpu.async_copy(feat.at[src_v.at[j0]], bufs[j0], gsems[j0])

        def step(p, carry):
            for b in range(NB):
                j = NB * p + b
                buf = bufs[b]
                pltpu.make_async_copy(
                    feat.at[src_v.at[j]], buf, gsems[b]).wait()
                pltpu.async_copy(
                    buf, agg_s.at[dst_v.at[j]], ssems[b], add=True)
                bn = (b + LA) % NB
                jw = j + LA - NB

                @pl.when(jw >= 0)
                def _():
                    pltpu.make_async_copy(
                        bufs[bn], agg_s.at[dst_v.at[jw]], ssems[bn]).wait()

                jn = j + LA

                @pl.when(jn < CPT_B)
                def _():
                    pltpu.async_copy(
                        feat.at[src_v.at[jn]], bufs[bn], gsems[bn])
            return carry

        lax.fori_loop(0, CPT_B // NB, step, 0)
        for j in range(CPT_B - CPT_B % NB, CPT_B):
            b = j % NB
            pltpu.make_async_copy(
                feat.at[src_v.at[j]], bufs[b], gsems[b]).wait()
            pltpu.async_copy(
                bufs[b], agg_s.at[dst_v.at[j]], ssems[b], add=True)
            jw = j + LA - NB
            bw = jw % NB
            pltpu.make_async_copy(
                bufs[bw], agg_s.at[dst_v.at[jw]], ssems[bw]).wait()
            jn = j + LA
            if jn < CPT_B:
                pltpu.async_copy(feat.at[src_v.at[jn]], bufs[jn % NB],
                                 gsems[jn % NB])
        for j in range(CPT_B - (NB - LA), CPT_B):
            b = j % NB
            pltpu.make_async_copy(
                bufs[b], agg_s.at[dst_v.at[j]], ssems[b]).wait()
        plsc.subcore_barrier()

        for k in range(RPT // CH):
            r0 = s * RPT + k * CH
            pltpu.sync_copy(agg_s.at[pl.ds(r0, CH)], bufs[0])
            pltpu.sync_copy(bufs[0], agg_o.at[c].at[pl.ds(r0, CH)])

    return pl.kernel(
        body,
        out_type=[jax.ShapeDtypeStruct((NC, NPAD, DH), jnp.float32)],
        mesh=mesh,
        compiler_params=pltpu.CompilerParams(use_tc_tiling_on_sc=False),
        scratch_types=[
            pltpu.VMEM((CPT_B, CH), jnp.int32),
            pltpu.VMEM((CPT_B, CH), jnp.int32),
        ] + [pltpu.VMEM((CH, DH), jnp.float32)] * NB + [
            pltpu.VMEM_SHARED((NPAD, DH), jnp.float32),
        ] + [pltpu.SemaphoreType.DMA] * (2 * NB))


def _make_dense(relu: bool):

    def body(agg_ref, cnt_ref, x_ref, wl_ref, wr_ref, b_ref, o_ref,
             o2_ref=None):
        cnt = jnp.maximum(cnt_ref[0, :, 0:1] + cnt_ref[1, :, 0:1], 1.0)
        acc = jnp.dot(agg_ref[0] / cnt, wl_ref[0:DH, :],
                      preferred_element_type=jnp.float32)
        acc = acc + jnp.dot(agg_ref[1] / cnt, wl_ref[DH:D, :],
                            preferred_element_type=jnp.float32)
        acc = acc + jnp.dot(x_ref[...], wr_ref[...],
                            preferred_element_type=jnp.float32)
        acc = acc + b_ref[...]
        if relu:
            acc = jnp.maximum(acc, 0.0)
        o_ref[...] = acc
        if o2_ref is not None:
            o2_ref[0] = acc[:, 0:DH]
            o2_ref[1] = acc[:, DH:D]

    out_specs = pl.BlockSpec((RB, D), lambda i: (i, 0))
    out_shape = jax.ShapeDtypeStruct((N, D), jnp.float32)
    if relu:
        out_specs = [out_specs, pl.BlockSpec((NC, RB, DH),
                                             lambda i: (0, i, 0))]
        out_shape = [out_shape,
                     jax.ShapeDtypeStruct((NC, N, DH), jnp.float32)]

    return pl.pallas_call(
        body,
        grid=(N // RB,),
        in_specs=[
            pl.BlockSpec((NC, RB, DH), lambda i: (0, i, 0)),
            pl.BlockSpec((NC, RB, CL), lambda i: (0, i, 0)),
            pl.BlockSpec((RB, D), lambda i: (i, 0)),
            pl.BlockSpec((D, D), lambda i: (0, 0)),
            pl.BlockSpec((D, D), lambda i: (0, 0)),
            pl.BlockSpec((1, D), lambda i: (0, 0)),
        ],
        out_specs=out_specs,
        out_shape=out_shape,
    )


_count = _count_kernel()
_seg_sum = _seg_sum_kernel()
_dense_relu = _make_dense(relu=True)
_dense = _make_dense(relu=False)


def kernel(x, edge_index, Wl1, Wr1, b1, Wl2, Wr2, b2):
    src = edge_index[0].astype(jnp.int32)
    dst = edge_index[1].astype(jnp.int32)
    pad = EPAD - E
    src2d = jnp.concatenate(
        [src, jnp.zeros((pad,), jnp.int32)]).reshape(NCHUNK, CH)
    dst2d = jnp.concatenate(
        [dst, jnp.full((pad,), N, jnp.int32)]).reshape(NCHUNK, CH)
    zf = jnp.zeros((CH, DH), jnp.float32)
    zc = jnp.zeros((RPT, CL), jnp.float32)
    oc = jnp.ones((CH, CL), jnp.float32)
    b1r = b1.reshape(1, D)
    b2r = b2.reshape(1, D)

    src2dc = jnp.stack([src2d, src2d + N])

    cnt, = _count(dst2d, zc, oc)
    x2 = jnp.concatenate([x[:, :DH], x[:, DH:]], axis=0)
    agg1, = _seg_sum(x2, src2dc, dst2d, zf)
    h, h2c = _dense_relu(agg1, cnt, x, Wl1, Wr1, b1r)
    agg2, = _seg_sum(h2c.reshape(NC * N, DH), src2dc, dst2d, zf)
    out = _dense(agg2, cnt, h, Wl2, Wr2, b2r)
    return out

# --- scband reference (transcript-rebuilt; emitter-appended) ---
"""Pipeline reference for scband-gnnencoder-6708738916582 (READ-ONLY COPY).

The authoritative reference and input builder live on the scoring server;
editing this copy changes nothing except your own understanding.
"""

import jax, jax.numpy as jnp
import numpy as np

N_NODES = 10000
N_EDGES = 320000
IN_DIM = 128
HID_DIM = 128


def _glorot(key, shape):
    fan_in, fan_out = shape[0], shape[1]
    lim = jnp.sqrt(6.0 / (fan_in + fan_out))
    return jax.random.uniform(key, shape, jnp.float32, -lim, lim)


def setup_inputs(seed: int = 0) -> dict:
    key = jax.random.key(seed)
    ks = jax.random.split(key, 8)
    x = jax.random.normal(ks[0], (N_NODES, IN_DIM), dtype=jnp.float32)
    edge_index = jax.random.randint(ks[1], (2, N_EDGES), 0, N_NODES, dtype=jnp.int64) if jax.config.jax_enable_x64 else jax.random.randint(ks[1], (2, N_EDGES), 0, N_NODES, dtype=jnp.int32)
    # conv1 params: lin_l applied to aggregated neighbors, lin_r applied to root
    Wl1 = _glorot(ks[2], (IN_DIM, HID_DIM))
    Wr1 = _glorot(ks[3], (IN_DIM, HID_DIM))
    b1 = jnp.zeros((HID_DIM,), dtype=jnp.float32)
    Wl2 = _glorot(ks[4], (HID_DIM, HID_DIM))
    Wr2 = _glorot(ks[5], (HID_DIM, HID_DIM))
    b2 = jnp.zeros((HID_DIM,), dtype=jnp.float32)
    return {"x": x, "edge_index": edge_index, "Wl1": Wl1, "Wr1": Wr1, "b1": b1, "Wl2": Wl2, "Wr2": Wr2, "b2": b2}


def _sage_conv(x, edge_index, Wl, Wr, b):
    src = edge_index[0]
    dst = edge_index[1]
    msg = jnp.take(x, src, axis=0)                       # gather  [E, d]
    agg = jax.ops.segment_sum(msg, dst, num_segments=N_NODES)   # scatter-add
    cnt = jax.ops.segment_sum(jnp.ones((msg.shape[0],), jnp.float32), dst, num_segments=N_NODES)
    mean = agg / jnp.clip(cnt, 1.0, None)[:, None]       # mean aggregation
    return mean @ Wl + x @ Wr + b


def reference(x, edge_index, Wl1, Wr1, b1, Wl2, Wr2, b2):
    h = jax.nn.relu(_sage_conv(x, edge_index, Wl1, Wr1, b1))
    out = _sage_conv(h, edge_index, Wl2, Wr2, b2)
    return out

if __name__ == "__main__":
    import jax
    _d = setup_inputs()
    print(jax.jit(kernel)(*tuple(_d.values())))

</pallas_src>

<mosaic_0001>
#map = affine_map<(d0, d1) -> (0, 0)>
#map1 = affine_map<(d0, d1) -> (0, 0, 0)>
module attributes {stable_mosaic.version = 14 : i64} {
  func.func @body(%arg0: i32, %arg1: i32, %arg2: memref<20000x64xf32, #tpu.memory_space<hbm>>, %arg3: memref<2x2560x128xi32, #tpu.memory_space<hbm>>, %arg4: memref<2560x128xi32, #tpu.memory_space<hbm>>, %arg5: memref<128x64xf32, #tpu.memory_space<hbm>>, %arg6: memref<2x10240x64xf32, #tpu.memory_space<hbm>>, %arg7: memref<160x128xi32, #tpu.memory_space<vmem>>, %arg8: memref<160x128xi32, #tpu.memory_space<vmem>>, %arg9: memref<128x64xf32, #tpu.memory_space<vmem>>, %arg10: memref<128x64xf32, #tpu.memory_space<vmem>>, %arg11: memref<128x64xf32, #tpu.memory_space<vmem>>, %arg12: memref<128x64xf32, #tpu.memory_space<vmem>>, %arg13: memref<128x64xf32, #tpu.memory_space<vmem>>, %arg14: memref<10240x64xf32, #tpu.memory_space<vmem_shared>>, %arg15: memref<!tpu.dma_semaphore, #tpu.memory_space<semaphore_mem>>, %arg16: memref<!tpu.dma_semaphore, #tpu.memory_space<semaphore_mem>>, %arg17: memref<!tpu.dma_semaphore, #tpu.memory_space<semaphore_mem>>, %arg18: memref<!tpu.dma_semaphore, #tpu.memory_space<semaphore_mem>>, %arg19: memref<!tpu.dma_semaphore, #tpu.memory_space<semaphore_mem>>, %arg20: memref<!tpu.dma_semaphore, #tpu.memory_space<semaphore_mem>>, %arg21: memref<!tpu.dma_semaphore, #tpu.memory_space<semaphore_mem>>, %arg22: memref<!tpu.dma_semaphore, #tpu.memory_space<semaphore_mem>>, %arg23: memref<!tpu.dma_semaphore, #tpu.memory_space<semaphore_mem>>, %arg24: memref<!tpu.dma_semaphore, #tpu.memory_space<semaphore_mem>>) attributes {dimension_semantics = [#tpu.dimension_semantics<core_parallel>, #tpu.dimension_semantics<subcore_parallel>], iteration_bounds = array<i64: 2, 16>, scalar_prefetch = 0 : i64, scratch_operands = 18 : i64, tpu.core_type = #tpu.core_type<sc_vector_subcore>, window_params = [{transform_indices = #map}, {transform_indices = #map1}, {transform_indices = #map}, {transform_indices = #map}, {transform_indices = #map1}]} {
    %mul3A = arith.constant 160 : i32
    %mul3A_0 = arith.muli %arg1, %mul3A : i32
    "tpu.region"() ({
      %run_scoped3A = tpu.sem_alloc : memref<!tpu.dma_semaphore, #tpu.memory_space<semaphore_mem>>
      %dma_start3A_81 = arith.constant 0 : i32
      %dma_start3A_82 = arith.constant 0 : i32
      %dma_start3A_83 = tpu.memref_slice %arg3[%arg0, %dma_start3A_81, %dma_start3A_82] : memref<2x2560x128xi32, #tpu.memory_space<hbm>> -> memref<1x2560x128xi32, #tpu.memory_space<hbm>>
      %dma_start3A_84 = tpu.memref_squeeze %dma_start3A_83 : memref<1x2560x128xi32, #tpu.memory_space<hbm>> -> memref<2560x128xi32, #tpu.memory_space<hbm>>
      %dma_start3A_85 = arith.constant 0 : i32
      %dma_start3A_86 = tpu.memref_slice %dma_start3A_84[%mul3A_0, %dma_start3A_85] : memref<2560x128xi32, #tpu.memory_space<hbm>> -> memref<160x128xi32, #tpu.memory_space<hbm>>
      %dma_start3A_87 = arith.constant 0 : i32
      %dma_start3A_88 = arith.constant 0 : i32
      %dma_start3A_89 = tpu.memref_slice %arg3[%arg0, %dma_start3A_87, %dma_start3A_88] : memref<2x2560x128xi32, #tpu.memory_space<hbm>> -> memref<1x2560x128xi32, #tpu.memory_space<hbm>>
      %dma_start3A_90 = tpu.memref_squeeze %dma_start3A_89 : memref<1x2560x128xi32, #tpu.memory_space<hbm>> -> memref<2560x128xi32, #tpu.memory_space<hbm>>
      %dma_start3A_91 = arith.constant 0 : i32
      %dma_start3A_92 = tpu.memref_slice %dma_start3A_90[%mul3A_0, %dma_start3A_91] : memref<2560x128xi32, #tpu.memory_space<hbm>> -> memref<160x128xi32, #tpu.memory_space<hbm>>
      tpu.enqueue_dma source(%dma_start3A_92 : memref<160x128xi32, #tpu.memory_space<hbm>>) target(%arg7 : memref<160x128xi32, #tpu.memory_space<vmem>>) target_semaphore(%run_scoped3A : memref<!tpu.dma_semaphore, #tpu.memory_space<semaphore_mem>>)
      %dma_wait3A_93 = arith.constant 0 : i32
      %dma_wait3A_94 = arith.constant 0 : i32
      %dma_wait3A_95 = tpu.memref_slice %arg3[%arg0, %dma_wait3A_93, %dma_wait3A_94] : memref<2x2560x128xi32, #tpu.memory_space<hbm>> -> memref<1x2560x128xi32, #tpu.memory_space<hbm>>
      %dma_wait3A_96 = tpu.memref_squeeze %dma_wait3A_95 : memref<1x2560x128xi32, #tpu.memory_space<hbm>> -> memref<2560x128xi32, #tpu.memory_space<hbm>>
      %dma_wait3A_97 = arith.constant 0 : i32
      %dma_wait3A_98 = tpu.memref_slice %dma_wait3A_96[%mul3A_0, %dma_wait3A_97] : memref<2560x128xi32, #tpu.memory_space<hbm>> -> memref<160x128xi32, #tpu.memory_space<hbm>>
      %dma_wait3A_99 = arith.constant 0 : i32
      %dma_wait3A_100 = arith.constant 0 : i32
      %dma_wait3A_101 = tpu.memref_slice %arg3[%arg0, %dma_wait3A_99, %dma_wait3A_100] : memref<2x2560x128xi32, #tpu.memory_space<hbm>> -> memref<1x2560x128xi32, #tpu.memory_space<hbm>>
      %dma_wait3A_102 = tpu.memref_squeeze %dma_wait3A_101 : memref<1x2560x128xi32, #tpu.memory_space<hbm>> -> memref<2560x128xi32, #tpu.memory_space<hbm>>
      %dma_wait3A_103 = arith.constant 0 : i32
      %dma_wait3A_104 = tpu.memref_slice %dma_wait3A_102[%mul3A_0, %dma_wait3A_103] : memref<2560x128xi32, #tpu.memory_space<hbm>> -> memref<160x128xi32, #tpu.memory_space<hbm>>
      tpu.wait_dma2 semaphore(%run_scoped3A : memref<!tpu.dma_semaphore, #tpu.memory_space<semaphore_mem>>) src(%dma_wait3A_104 : memref<160x128xi32, #tpu.memory_space<hbm>>) dst(%arg7 : memref<160x128xi32, #tpu.memory_space<vmem>>)
      tpu.yield
    }) : () -> ()
    %mul3A_1 = arith.constant 160 : i32
    %mul3A_2 = arith.muli %arg1, %mul3A_1 : i32
    "tpu.region"() ({
      %run_scoped3A = tpu.sem_alloc : memref<!tpu.dma_semaphore, #tpu.memory_space<semaphore_mem>>
      %dma_start3A_81 = arith.constant 0 : i32
      %dma_start3A_82 = tpu.memref_slice %arg4[%mul3A_2, %dma_start3A_81] : memref<2560x128xi32, #tpu.memory_space<hbm>> -> memref<160x128xi32, #tpu.memory_space<hbm>>
      %dma_start3A_83 = arith.constant 0 : i32
      %dma_start3A_84 = tpu.memref_slice %arg4[%mul3A_2, %dma_start3A_83] : memref<2560x128xi32, #tpu.memory_space<hbm>> -> memref<160x128xi32, #tpu.memory_space<hbm>>
      tpu.enqueue_dma source(%dma_start3A_84 : memref<160x128xi32, #tpu.memory_space<hbm>>) target(%arg8 : memref<160x128xi32, #tpu.memory_space<vmem>>) target_semaphore(%run_scoped3A : memref<!tpu.dma_semaphore, #tpu.memory_space<semaphore_mem>>)
      %dma_wait3A_85 = arith.constant 0 : i32
      %dma_wait3A_86 = tpu.memref_slice %arg4[%mul3A_2, %dma_wait3A_85] : memref<2560x128xi32, #tpu.memory_space<hbm>> -> memref<160x128xi32, #tpu.memory_space<hbm>>
      %dma_wait3A_87 = arith.constant 0 : i32
      %dma_wait3A_88 = tpu.memref_slice %arg4[%mul3A_2, %dma_wait3A_87] : memref<2560x128xi32, #tpu.memory_space<hbm>> -> memref<160x128xi32, #tpu.memory_space<hbm>>
      tpu.wait_dma2 semaphore(%run_scoped3A : memref<!tpu.dma_semaphore, #tpu.memory_space<semaphore_mem>>) src(%dma_wait3A_88 : memref<160x128xi32, #tpu.memory_space<hbm>>) dst(%arg8 : memref<160x128xi32, #tpu.memory_space<vmem>>)
      tpu.yield
    }) : () -> ()
    "tpu.region"() ({
      %run_scoped3A = tpu.sem_alloc : memref<!tpu.dma_semaphore, #tpu.memory_space<semaphore_mem>>
      tpu.enqueue_dma source(%arg5 : memref<128x64xf32, #tpu.memory_space<hbm>>) target(%arg9 : memref<128x64xf32, #tpu.memory_space<vmem>>) target_semaphore(%run_scoped3A : memref<!tpu.dma_semaphore, #tpu.memory_space<semaphore_mem>>)
      tpu.wait_dma2 semaphore(%run_scoped3A : memref<!tpu.dma_semaphore, #tpu.memory_space<semaphore_mem>>) src(%arg5 : memref<128x64xf32, #tpu.memory_space<hbm>>) dst(%arg9 : memref<128x64xf32, #tpu.memory_space<vmem>>)
      tpu.yield
    }) : () -> ()
    %mul3A_3 = arith.constant 640 : i32
    %mul3A_4 = arith.muli %arg1, %mul3A_3 : i32
    %add3A = arith.constant 0 : i32
    %add3A_5 = arith.addi %mul3A_4, %add3A : i32
    "tpu.region"() ({
      %run_scoped3A = tpu.sem_alloc : memref<!tpu.dma_semaphore, #tpu.memory_space<semaphore_mem>>
      %dma_start3A_81 = arith.constant 0 : i32
      %dma_start3A_82 = tpu.memref_slice %arg14[%add3A_5, %dma_start3A_81] : memref<10240x64xf32, #tpu.memory_space<vmem_shared>> -> memref<128x64xf32, #tpu.memory_space<vmem_shared>>
      %dma_start3A_83 = arith.constant 0 : i32
      %dma_start3A_84 = tpu.memref_slice %arg14[%add3A_5, %dma_start3A_83] : memref<10240x64xf32, #tpu.memory_space<vmem_shared>> -> memref<128x64xf32, #tpu.memory_space<vmem_shared>>
      tpu.enqueue_dma source(%arg9 : memref<128x64xf32, #tpu.memory_space<vmem>>) target(%dma_start3A_84 : memref<128x64xf32, #tpu.memory_space<vmem_shared>>) target_semaphore(%run_scoped3A : memref<!tpu.dma_semaphore, #tpu.memory_space<semaphore_mem>>)
      %dma_wait3A_85 = arith.constant 0 : i32
      %dma_wait3A_86 = tpu.memref_slice %arg14[%add3A_5, %dma_wait3A_85] : memref<10240x64xf32, #tpu.memory_space<vmem_shared>> -> memref<128x64xf32, #tpu.memory_space<vmem_shared>>
      %dma_wait3A_87 = arith.constant 0 : i32
      %dma_wait3A_88 = tpu.memref_slice %arg14[%add3A_5, %dma_wait3A_87] : memref<10240x64xf32, #tpu.memory_space<vmem_shared>> -> memref<128x64xf32, #tpu.memory_space<vmem_shared>>
      tpu.wait_dma2 semaphore(%run_scoped3A : memref<!tpu.dma_semaphore, #tpu.memory_space<semaphore_mem>>) src(%arg9 : memref<128x64xf32, #tpu.memory_space<vmem>>) dst(%dma_wait3A_88 : memref<128x64xf32, #tpu.memory_space<vmem_shared>>)
      tpu.yield
    }) : () -> ()
    %mul3A_6 = arith.constant 640 : i32
    %mul3A_7 = arith.muli %arg1, %mul3A_6 : i32
    %add3A_8 = arith.constant 128 : i32
    %add3A_9 = arith.addi %mul3A_7, %add3A_8 : i32
    "tpu.region"() ({
      %run_scoped3A = tpu.sem_alloc : memref<!tpu.dma_semaphore, #tpu.memory_space<semaphore_mem>>
      %dma_start3A_81 = arith.constant 0 : i32
      %dma_start3A_82 = tpu.memref_slice %arg14[%add3A_9, %dma_start3A_81] : memref<10240x64xf32, #tpu.memory_space<vmem_shared>> -> memref<128x64xf32, #tpu.memory_space<vmem_shared>>
      %dma_start3A_83 = arith.constant 0 : i32
      %dma_start3A_84 = tpu.memref_slice %arg14[%add3A_9, %dma_start3A_83] : memref<10240x64xf32, #tpu.memory_space<vmem_shared>> -> memref<128x64xf32, #tpu.memory_space<vmem_shared>>
      tpu.enqueue_dma source(%arg9 : memref<128x64xf32, #tpu.memory_space<vmem>>) target(%dma_start3A_84 : memref<128x64xf32, #tpu.memory_space<vmem_shared>>) target_semaphore(%run_scoped3A : memref<!tpu.dma_semaphore, #tpu.memory_space<semaphore_mem>>)
      %dma_wait3A_85 = arith.constant 0 : i32
      %dma_wait3A_86 = tpu.memref_slice %arg14[%add3A_9, %dma_wait3A_85] : memref<10240x64xf32, #tpu.memory_space<vmem_shared>> -> memref<128x64xf32, #tpu.memory_space<vmem_shared>>
      %dma_wait3A_87 = arith.constant 0 : i32
      %dma_wait3A_88 = tpu.memref_slice %arg14[%add3A_9, %dma_wait3A_87] : memref<10240x64xf32, #tpu.memory_space<vmem_shared>> -> memref<128x64xf32, #tpu.memory_space<vmem_shared>>
      tpu.wait_dma2 semaphore(%run_scoped3A : memref<!tpu.dma_semaphore, #tpu.memory_space<semaphore_mem>>) src(%arg9 : memref<128x64xf32, #tpu.memory_space<vmem>>) dst(%dma_wait3A_88 : memref<128x64xf32, #tpu.memory_space<vmem_shared>>)
      tpu.yield
    }) : () -> ()
    %mul3A_10 = arith.constant 640 : i32
    %mul3A_11 = arith.muli %arg1, %mul3A_10 : i32
    %add3A_12 = arith.constant 256 : i32
    %add3A_13 = arith.addi %mul3A_11, %add3A_12 : i32
    "tpu.region"() ({
      %run_scoped3A = tpu.sem_alloc : memref<!tpu.dma_semaphore, #tpu.memory_space<semaphore_mem>>
      %dma_start3A_81 = arith.constant 0 : i32
      %dma_start3A_82 = tpu.memref_slice %arg14[%add3A_13, %dma_start3A_81] : memref<10240x64xf32, #tpu.memory_space<vmem_shared>> -> memref<128x64xf32, #tpu.memory_space<vmem_shared>>
      %dma_start3A_83 = arith.constant 0 : i32
      %dma_start3A_84 = tpu.memref_slice %arg14[%add3A_13, %dma_start3A_83] : memref<10240x64xf32, #tpu.memory_space<vmem_shared>> -> memref<128x64xf32, #tpu.memory_space<vmem_shared>>
      tpu.enqueue_dma source(%arg9 : memref<128x64xf32, #tpu.memory_space<vmem>>) target(%dma_start3A_84 : memref<128x64xf32, #tpu.memory_space<vmem_shared>>) target_semaphore(%run_scoped3A : memref<!tpu.dma_semaphore, #tpu.memory_space<semaphore_mem>>)
      %dma_wait3A_85 = arith.constant 0 : i32
      %dma_wait3A_86 = tpu.memref_slice %arg14[%add3A_13, %dma_wait3A_85] : memref<10240x64xf32, #tpu.memory_space<vmem_shared>> -> memref<128x64xf32, #tpu.memory_space<vmem_shared>>
      %dma_wait3A_87 = arith.constant 0 : i32
      %dma_wait3A_88 = tpu.memref_slice %arg14[%add3A_13, %dma_wait3A_87] : memref<10240x64xf32, #tpu.memory_space<vmem_shared>> -> memref<128x64xf32, #tpu.memory_space<vmem_shared>>
      tpu.wait_dma2 semaphore(%run_scoped3A : memref<!tpu.dma_semaphore, #tpu.memory_space<semaphore_mem>>) src(%arg9 : memref<128x64xf32, #tpu.memory_space<vmem>>) dst(%dma_wait3A_88 : memref<128x64xf32, #tpu.memory_space<vmem_shared>>)
      tpu.yield
    }) : () -> ()
    %mul3A_14 = arith.constant 640 : i32
    %mul3A_15 = arith.muli %arg1, %mul3A_14 : i32
    %add3A_16 = arith.constant 384 : i32
    %add3A_17 = arith.addi %mul3A_15, %add3A_16 : i32
    "tpu.region"() ({
      %run_scoped3A = tpu.sem_alloc : memref<!tpu.dma_semaphore, #tpu.memory_space<semaphore_mem>>
      %dma_start3A_81 = arith.constant 0 : i32
      %dma_start3A_82 = tpu.memref_slice %arg14[%add3A_17, %dma_start3A_81] : memref<10240x64xf32, #tpu.memory_space<vmem_shared>> -> memref<128x64xf32, #tpu.memory_space<vmem_shared>>
      %dma_start3A_83 = arith.constant 0 : i32
      %dma_start3A_84 = tpu.memref_slice %arg14[%add3A_17, %dma_start3A_83] : memref<10240x64xf32, #tpu.memory_space<vmem_shared>> -> memref<128x64xf32, #tpu.memory_space<vmem_shared>>
      tpu.enqueue_dma source(%arg9 : memref<128x64xf32, #tpu.memory_space<vmem>>) target(%dma_start3A_84 : memref<128x64xf32, #tpu.memory_space<vmem_shared>>) target_semaphore(%run_scoped3A : memref<!tpu.dma_semaphore, #tpu.memory_space<semaphore_mem>>)
      %dma_wait3A_85 = arith.constant 0 : i32
      %dma_wait3A_86 = tpu.memref_slice %arg14[%add3A_17, %dma_wait3A_85] : memref<10240x64xf32, #tpu.memory_space<vmem_shared>> -> memref<128x64xf32, #tpu.memory_space<vmem_shared>>
      %dma_wait3A_87 = arith.constant 0 : i32
      %dma_wait3A_88 = tpu.memref_slice %arg14[%add3A_17, %dma_wait3A_87] : memref<10240x64xf32, #tpu.memory_space<vmem_shared>> -> memref<128x64xf32, #tpu.memory_space<vmem_shared>>
      tpu.wait_dma2 semaphore(%run_scoped3A : memref<!tpu.dma_semaphore, #tpu.memory_space<semaphore_mem>>) src(%arg9 : memref<128x64xf32, #tpu.memory_space<vmem>>) dst(%dma_wait3A_88 : memref<128x64xf32, #tpu.memory_space<vmem_shared>>)
      tpu.yield
    }) : () -> ()
    %mul3A_18 = arith.constant 640 : i32
    %mul3A_19 = arith.muli %arg1, %mul3A_18 : i32
    %add3A_20 = arith.constant 512 : i32
    %add3A_21 = arith.addi %mul3A_19, %add3A_20 : i32
    "tpu.region"() ({
      %run_scoped3A = tpu.sem_alloc : memref<!tpu.dma_semaphore, #tpu.memory_space<semaphore_mem>>
      %dma_start3A_81 = arith.constant 0 : i32
      %dma_start3A_82 = tpu.memref_slice %arg14[%add3A_21, %dma_start3A_81] : memref<10240x64xf32, #tpu.memory_space<vmem_shared>> -> memref<128x64xf32, #tpu.memory_space<vmem_shared>>
      %dma_start3A_83 = arith.constant 0 : i32
      %dma_start3A_84 = tpu.memref_slice %arg14[%add3A_21, %dma_start3A_83] : memref<10240x64xf32, #tpu.memory_space<vmem_shared>> -> memref<128x64xf32, #tpu.memory_space<vmem_shared>>
      tpu.enqueue_dma source(%arg9 : memref<128x64xf32, #tpu.memory_space<vmem>>) target(%dma_start3A_84 : memref<128x64xf32, #tpu.memory_space<vmem_shared>>) target_semaphore(%run_scoped3A : memref<!tpu.dma_semaphore, #tpu.memory_space<semaphore_mem>>)
      %dma_wait3A_85 = arith.constant 0 : i32
      %dma_wait3A_86 = tpu.memref_slice %arg14[%add3A_21, %dma_wait3A_85] : memref<10240x64xf32, #tpu.memory_space<vmem_shared>> -> memref<128x64xf32, #tpu.memory_space<vmem_shared>>
      %dma_wait3A_87 = arith.constant 0 : i32
      %dma_wait3A_88 = tpu.memref_slice %arg14[%add3A_21, %dma_wait3A_87] : memref<10240x64xf32, #tpu.memory_space<vmem_shared>> -> memref<128x64xf32, #tpu.memory_space<vmem_shared>>
      tpu.wait_dma2 semaphore(%run_scoped3A : memref<!tpu.dma_semaphore, #tpu.memory_space<semaphore_mem>>) src(%arg9 : memref<128x64xf32, #tpu.memory_space<vmem>>) dst(%dma_wait3A_88 : memref<128x64xf32, #tpu.memory_space<vmem_shared>>)
      tpu.yield
    }) : () -> ()
    %barrier3A = arith.constant 0 : index
    tpu.barrier barrier_id(%barrier3A)
    %dma_start3A = arith.constant 0 : i32
    %dma_start3A_22 = arith.constant 0 : i32
    %dma_start3A_23 = tpu.memref_slice %arg7[%dma_start3A, %dma_start3A_22] : memref<160x128xi32, #tpu.memory_space<vmem>> -> memref<1x128xi32, #tpu.memory_space<vmem>>
    %dma_start3A_24 = tpu.memref_squeeze %dma_start3A_23 : memref<1x128xi32, #tpu.memory_space<vmem>> -> memref<128xi32, #tpu.memory_space<vmem>>
    %dma_start3A_25 = arith.constant 0 : i32
    %dma_start3A_26 = arith.constant 0 : i32
    %dma_start3A_27 = tpu.memref_slice %arg2[%dma_start3A_25, %dma_start3A_26] : memref<20000x64xf32, #tpu.memory_space<hbm>> -> memref<20000x64xf32, #tpu.memory_space<hbm>>
    tpu.enqueue_indirect_dma source(%dma_start3A_27 : memref<20000x64xf32, #tpu.memory_space<hbm>>) target(%arg9 : memref<128x64xf32, #tpu.memory_space<vmem>>) offsets(%dma_start3A_24 : memref<128xi32, #tpu.memory_space<vmem>>) semaphore(%arg15 : memref<!tpu.dma_semaphore, #tpu.memory_space<semaphore_mem>>)
    %dma_start3A_28 = arith.constant 1 : i32
    %dma_start3A_29 = arith.constant 0 : i32
    %dma_start3A_30 = tpu.memref_slice %arg7[%dma_start3A_28, %dma_start3A_29] : memref<160x128xi32, #tpu.memory_space<vmem>> -> memref<1x128xi32, #tpu.memory_space<vmem>>
    %dma_start3A_31 = tpu.memref_squeeze %dma_start3A_30 : memref<1x128xi32, #tpu.memory_space<vmem>> -> memref<128xi32, #tpu.memory_space<vmem>>
    %dma_start3A_32 = arith.constant 0 : i32
    %dma_start3A_33 = arith.constant 0 : i32
    %dma_start3A_34 = tpu.memref_slice %arg2[%dma_start3A_32, %dma_start3A_33] : memref<20000x64xf32, #tpu.memory_space<hbm>> -> memref<20000x64xf32, #tpu.memory_space<hbm>>
    tpu.enqueue_indirect_dma source(%dma_start3A_34 : memref<20000x64xf32, #tpu.memory_space<hbm>>) target(%arg10 : memref<128x64xf32, #tpu.memory_space<vmem>>) offsets(%dma_start3A_31 : memref<128xi32, #tpu.memory_space<vmem>>) semaphore(%arg16 : memref<!tpu.dma_semaphore, #tpu.memory_space<semaphore_mem>>)
    %dma_start3A_35 = arith.constant 2 : i32
    %dma_start3A_36 = arith.constant 0 : i32
    %dma_start3A_37 = tpu.memref_slice %arg7[%dma_start3A_35, %dma_start3A_36] : memref<160x128xi32, #tpu.memory_space<vmem>> -> memref<1x128xi32, #tpu.memory_space<vmem>>
    %dma_start3A_38 = tpu.memref_squeeze %dma_start3A_37 : memref<1x128xi32, #tpu.memory_space<vmem>> -> memref<128xi32, #tpu.memory_space<vmem>>
    %dma_start3A_39 = arith.constant 0 : i32
    %dma_start3A_40 = arith.constant 0 : i32
    %dma_start3A_41 = tpu.memref_slice %arg2[%dma_start3A_39, %dma_start3A_40] : memref<20000x64xf32, #tpu.memory_space<hbm>> -> memref<20000x64xf32, #tpu.memory_space<hbm>>
    tpu.enqueue_indirect_dma source(%dma_start3A_41 : memref<20000x64xf32, #tpu.memory_space<hbm>>) target(%arg11 : memref<128x64xf32, #tpu.memory_space<vmem>>) offsets(%dma_start3A_38 : memref<128xi32, #tpu.memory_space<vmem>>) semaphore(%arg17 : memref<!tpu.dma_semaphore, #tpu.memory_space<semaphore_mem>>)
    %scan3A = arith.constant 0 : i32
    %scan3A_42 = arith.constant 0 : i32
    %scan3A_43 = arith.constant 32 : i32
    %scan3A_44 = arith.addi %scan3A_42, %scan3A_43 : i32
    %scan3A_45 = arith.constant 1 : i32
    scf.for %scan3A_81 = %scan3A_42 to %scan3A_44 step %scan3A_45  : i32 {
      %mul3A_82 = arith.constant 5 : i32
      %mul3A_83 = arith.muli %mul3A_82, %scan3A_81 : i32
      %add3A_84 = arith.constant 0 : i32
      %add3A_85 = arith.addi %mul3A_83, %add3A_84 : i32
      %dma_wait3A_86 = arith.constant 0 : i32
      %dma_wait3A_87 = tpu.memref_slice %arg7[%add3A_85, %dma_wait3A_86] : memref<160x128xi32, #tpu.memory_space<vmem>> -> memref<1x128xi32, #tpu.memory_space<vmem>>
      %dma_wait3A_88 = tpu.memref_squeeze %dma_wait3A_87 : memref<1x128xi32, #tpu.memory_space<vmem>> -> memref<128xi32, #tpu.memory_space<vmem>>
      %dma_wait3A_89 = arith.constant 0 : i32
      %dma_wait3A_90 = arith.constant 0 : i32
      %dma_wait3A_91 = tpu.memref_slice %arg2[%dma_wait3A_89, %dma_wait3A_90] : memref<20000x64xf32, #tpu.memory_space<hbm>> -> memref<20000x64xf32, #tpu.memory_space<hbm>>
      tpu.wait_indirect_dma semaphore(%arg15 : memref<!tpu.dma_semaphore, #tpu.memory_space<semaphore_mem>>) src(%dma_wait3A_91 : memref<20000x64xf32, #tpu.memory_space<hbm>>) dst(%arg9 : memref<128x64xf32, #tpu.memory_space<vmem>>)
      %dma_start3A_92 = arith.constant 0 : i32
      %dma_start3A_93 = tpu.memref_slice %arg8[%add3A_85, %dma_start3A_92] : memref<160x128xi32, #tpu.memory_space<vmem>> -> memref<1x128xi32, #tpu.memory_space<vmem>>
      %dma_start3A_94 = tpu.memref_squeeze %dma_start3A_93 : memref<1x128xi32, #tpu.memory_space<vmem>> -> memref<128xi32, #tpu.memory_space<vmem>>
      %dma_start3A_95 = arith.constant 0 : i32
      %dma_start3A_96 = arith.constant 0 : i32
      %dma_start3A_97 = tpu.memref_slice %arg14[%dma_start3A_95, %dma_start3A_96] : memref<10240x64xf32, #tpu.memory_space<vmem_shared>> -> memref<10240x64xf32, #tpu.memory_space<vmem_shared>>
      tpu.enqueue_indirect_dma source(%arg9 : memref<128x64xf32, #tpu.memory_space<vmem>>) target(%dma_start3A_97 : memref<10240x64xf32, #tpu.memory_space<vmem_shared>>) offsets(%dma_start3A_94 : memref<128xi32, #tpu.memory_space<vmem>>) semaphore(%arg20 : memref<!tpu.dma_semaphore, #tpu.memory_space<semaphore_mem>>) {add = true}
      %add3A_98 = arith.constant 3 : i32
      %add3A_99 = arith.addi %add3A_85, %add3A_98 : i32
      %sub3A = arith.constant 5 : i32
      %sub3A_100 = arith.subi %add3A_99, %sub3A : i32
      %ge3A = arith.constant 0 : i32
      %ge3A_101 = arith.cmpi sge, %sub3A_100, %ge3A : i32
      %convert_element_type3A = arith.extui %ge3A_101 : i1 to i32
      %cond3A = arith.constant 0 : i32
      %cond3A_102 = arith.cmpi ne, %convert_element_type3A, %cond3A : i32
      scf.if %cond3A_102 {
        %dma_wait3A_237 = arith.constant 0 : i32
        %dma_wait3A_238 = tpu.memref_slice %arg8[%sub3A_100, %dma_wait3A_237] : memref<160x128xi32, #tpu.memory_space<vmem>> -> memref<1x128xi32, #tpu.memory_space<vmem>>
        %dma_wait3A_239 = tpu.memref_squeeze %dma_wait3A_238 : memref<1x128xi32, #tpu.memory_space<vmem>> -> memref<128xi32, #tpu.memory_space<vmem>>
        %dma_wait3A_240 = arith.constant 0 : i32
        %dma_wait3A_241 = arith.constant 0 : i32
        %dma_wait3A_242 = tpu.memref_slice %arg14[%dma_wait3A_240, %dma_wait3A_241] : memref<10240x64xf32, #tpu.memory_space<vmem_shared>> -> memref<10240x64xf32, #tpu.memory_space<vmem_shared>>
        tpu.wait_indirect_dma semaphore(%arg23 : memref<!tpu.dma_semaphore, #tpu.memory_space<semaphore_mem>>) src(%arg12 : memref<128x64xf32, #tpu.memory_space<vmem>>) dst(%dma_wait3A_242 : memref<10240x64xf32, #tpu.memory_space<vmem_shared>>)
      } else {
      }
      %add3A_103 = arith.constant 3 : i32
      %add3A_104 = arith.addi %add3A_85, %add3A_103 : i32
      %lt3A = arith.constant 160 : i32
      %lt3A_105 = arith.cmpi slt, %add3A_104, %lt3A : i32
      %convert_element_type3A_106 = arith.extui %lt3A_105 : i1 to i32
      %cond3A_107 = arith.constant 0 : i32
      %cond3A_108 = arith.cmpi ne, %convert_element_type3A_106, %cond3A_107 : i32
      scf.if %cond3A_108 {
        %dma_start3A_237 = arith.constant 0 : i32
        %dma_start3A_238 = tpu.memref_slice %arg7[%add3A_104, %dma_start3A_237] : memref<160x128xi32, #tpu.memory_space<vmem>> -> memref<1x128xi32, #tpu.memory_space<vmem>>
        %dma_start3A_239 = tpu.memref_squeeze %dma_start3A_238 : memref<1x128xi32, #tpu.memory_space<vmem>> -> memref<128xi32, #tpu.memory_space<vmem>>
        %dma_start3A_240 = arith.constant 0 : i32
        %dma_start3A_241 = arith.constant 0 : i32
        %dma_start3A_242 = tpu.memref_slice %arg2[%dma_start3A_240, %dma_start3A_241] : memref<20000x64xf32, #tpu.memory_space<hbm>> -> memref<20000x64xf32, #tpu.memory_space<hbm>>
        tpu.enqueue_indirect_dma source(%dma_start3A_242 : memref<20000x64xf32, #tpu.memory_space<hbm>>) target(%arg12 : memref<128x64xf32, #tpu.memory_space<vmem>>) offsets(%dma_start3A_239 : memref<128xi32, #tpu.memory_space<vmem>>) semaphore(%arg18 : memref<!tpu.dma_semaphore, #tpu.memory_space<semaphore_mem>>)
      } else {
      }
      %mul3A_109 = arith.constant 5 : i32
      %mul3A_110 = arith.muli %mul3A_109, %scan3A_81 : i32
      %add3A_111 = arith.constant 1 : i32
      %add3A_112 = arith.addi %mul3A_110, %add3A_111 : i32
      %dma_wait3A_113 = arith.constant 0 : i32
      %dma_wait3A_114 = tpu.memref_slice %arg7[%add3A_112, %dma_wait3A_113] : memref<160x128xi32, #tpu.memory_space<vmem>> -> memref<1x128xi32, #tpu.memory_space<vmem>>
      %dma_wait3A_115 = tpu.memref_squeeze %dma_wait3A_114 : memref<1x128xi32, #tpu.memory_space<vmem>> -> memref<128xi32, #tpu.memory_space<vmem>>
      %dma_wait3A_116 = arith.constant 0 : i32
      %dma_wait3A_117 = arith.constant 0 : i32
      %dma_wait3A_118 = tpu.memref_slice %arg2[%dma_wait3A_116, %dma_wait3A_117] : memref<20000x64xf32, #tpu.memory_space<hbm>> -> memref<20000x64xf32, #tpu.memory_space<hbm>>
      tpu.wait_indirect_dma semaphore(%arg16 : memref<!tpu.dma_semaphore, #tpu.memory_space<semaphore_mem>>) src(%dma_wait3A_118 : memref<20000x64xf32, #tpu.memory_space<hbm>>) dst(%arg10 : memref<128x64xf32, #tpu.memory_space<vmem>>)
      %dma_start3A_119 = arith.constant 0 : i32
      %dma_start3A_120 = tpu.memref_slice %arg8[%add3A_112, %dma_start3A_119] : memref<160x128xi32, #tpu.memory_space<vmem>> -> memref<1x128xi32, #tpu.memory_space<vmem>>
      %dma_start3A_121 = tpu.memref_squeeze %dma_start3A_120 : memref<1x128xi32, #tpu.memory_space<vmem>> -> memref<128xi32, #tpu.memory_space<vmem>>
      %dma_start3A_122 = arith.constant 0 : i32
      %dma_start3A_123 = arith.constant 0 : i32
      %dma_start3A_124 = tpu.memref_slice %arg14[%dma_start3A_122, %dma_start3A_123] : memref<10240x64xf32, #tpu.memory_space<vmem_shared>> -> memref<10240x64xf32, #tpu.memory_space<vmem_shared>>
      tpu.enqueue_indirect_dma source(%arg10 : memref<128x64xf32, #tpu.memory_space<vmem>>) target(%dma_start3A_124 : memref<10240x64xf32, #tpu.memory_space<vmem_shared>>) offsets(%dma_start3A_121 : memref<128xi32, #tpu.memory_space<vmem>>) semaphore(%arg21 : memref<!tpu.dma_semaphore, #tpu.memory_space<semaphore_mem>>) {add = true}
      %add3A_125 = arith.constant 3 : i32
      %add3A_126 = arith.addi %add3A_112, %add3A_125 : i32
      %sub3A_127 = arith.constant 5 : i32
      %sub3A_128 = arith.subi %add3A_126, %sub3A_127 : i32
      %ge3A_129 = arith.constant 0 : i32
      %ge3A_130 = arith.cmpi sge, %sub3A_128, %ge3A_129 : i32
      %convert_element_type3A_131 = arith.extui %ge3A_130 : i1 to i32
      %cond3A_132 = arith.constant 0 : i32
      %cond3A_133 = arith.cmpi ne, %convert_element_type3A_131, %cond3A_132 : i32
      scf.if %cond3A_133 {
        %dma_wait3A_237 = arith.constant 0 : i32
        %dma_wait3A_238 = tpu.memref_slice %arg8[%sub3A_128, %dma_wait3A_237] : memref<160x128xi32, #tpu.memory_space<vmem>> -> memref<1x128xi32, #tpu.memory_space<vmem>>
        %dma_wait3A_239 = tpu.memref_squeeze %dma_wait3A_238 : memref<1x128xi32, #tpu.memory_space<vmem>> -> memref<128xi32, #tpu.memory_space<vmem>>
        %dma_wait3A_240 = arith.constant 0 : i32
        %dma_wait3A_241 = arith.constant 0 : i32
        %dma_wait3A_242 = tpu.memref_slice %arg14[%dma_wait3A_240, %dma_wait3A_241] : memref<10240x64xf32, #tpu.memory_space<vmem_shared>> -> memref<10240x64xf32, #tpu.memory_space<vmem_shared>>
        tpu.wait_indirect_dma semaphore(%arg24 : memref<!tpu.dma_semaphore, #tpu.memory_space<semaphore_mem>>) src(%arg13 : memref<128x64xf32, #tpu.memory_space<vmem>>) dst(%dma_wait3A_242 : memref<10240x64xf32, #tpu.memory_space<vmem_shared>>)
      } else {
      }
      %add3A_134 = arith.constant 3 : i32
      %add3A_135 = arith.addi %add3A_112, %add3A_134 : i32
      %lt3A_136 = arith.constant 160 : i32
      %lt3A_137 = arith.cmpi slt, %add3A_135, %lt3A_136 : i32
      %convert_element_type3A_138 = arith.extui %lt3A_137 : i1 to i32
      %cond3A_139 = arith.constant 0 : i32
      %cond3A_140 = arith.cmpi ne, %convert_element_type3A_138, %cond3A_139 : i32
      scf.if %cond3A_140 {
        %dma_start3A_237 = arith.constant 0 : i32
        %dma_start3A_238 = tpu.memref_slice %arg7[%add3A_135, %dma_start3A_237] : memref<160x128xi32, #tpu.memory_space<vmem>> -> memref<1x128xi32, #tpu.memory_space<vmem>>
        %dma_start3A_239 = tpu.memref_squeeze %dma_start3A_238 : memref<1x128xi32, #tpu.memory_space<vmem>> -> memref<128xi32, #tpu.memory_space<vmem>>
        %dma_start3A_240 = arith.constant 0 : i32
        %dma_start3A_241 = arith.constant 0 : i32
        %dma_start3A_242 = tpu.memref_slice %arg2[%dma_start3A_240, %dma_start3A_241] : memref<20000x64xf32, #tpu.memory_space<hbm>> -> memref<20000x64xf32, #tpu.memory_space<hbm>>
        tpu.enqueue_indirect_dma source(%dma_start3A_242 : memref<20000x64xf32, #tpu.memory_space<hbm>>) target(%arg13 : memref<128x64xf32, #tpu.memory_space<vmem>>) offsets(%dma_start3A_239 : memref<128xi32, #tpu.memory_space<vmem>>) semaphore(%arg19 : memref<!tpu.dma_semaphore, #tpu.memory_space<semaphore_mem>>)
      } else {
      }
      %mul3A_141 = arith.constant 5 : i32
      %mul3A_142 = arith.muli %mul3A_141, %scan3A_81 : i32
      %add3A_143 = arith.constant 2 : i32
      %add3A_144 = arith.addi %mul3A_142, %add3A_143 : i32
      %dma_wait3A_145 = arith.constant 0 : i32
      %dma_wait3A_146 = tpu.memref_slice %arg7[%add3A_144, %dma_wait3A_145] : memref<160x128xi32, #tpu.memory_space<vmem>> -> memref<1x128xi32, #tpu.memory_space<vmem>>
      %dma_wait3A_147 = tpu.memref_squeeze %dma_wait3A_146 : memref<1x128xi32, #tpu.memory_space<vmem>> -> memref<128xi32, #tpu.memory_space<vmem>>
      %dma_wait3A_148 = arith.constant 0 : i32
      %dma_wait3A_149 = arith.constant 0 : i32
      %dma_wait3A_150 = tpu.memref_slice %arg2[%dma_wait3A_148, %dma_wait3A_149] : memref<20000x64xf32, #tpu.memory_space<hbm>> -> memref<20000x64xf32, #tpu.memory_space<hbm>>
      tpu.wait_indirect_dma semaphore(%arg17 : memref<!tpu.dma_semaphore, #tpu.memory_space<semaphore_mem>>) src(%dma_wait3A_150 : memref<20000x64xf32, #tpu.memory_space<hbm>>) dst(%arg11 : memref<128x64xf32, #tpu.memory_space<vmem>>)
      %dma_start3A_151 = arith.constant 0 : i32
      %dma_start3A_152 = tpu.memref_slice %arg8[%add3A_144, %dma_start3A_151] : memref<160x128xi32, #tpu.memory_space<vmem>> -> memref<1x128xi32, #tpu.memory_space<vmem>>
      %dma_start3A_153 = tpu.memref_squeeze %dma_start3A_152 : memref<1x128xi32, #tpu.memory_space<vmem>> -> memref<128xi32, #tpu.memory_space<vmem>>
      %dma_start3A_154 = arith.constant 0 : i32
      %dma_start3A_155 = arith.constant 0 : i32
      %dma_start3A_156 = tpu.memref_slice %arg14[%dma_start3A_154, %dma_start3A_155] : memref<10240x64xf32, #tpu.memory_space<vmem_shared>> -> memref<10240x64xf32, #tpu.memory_space<vmem_shared>>
      tpu.enqueue_indirect_dma source(%arg11 : memref<128x64xf32, #tpu.memory_space<vmem>>) target(%dma_start3A_156 : memref<10240x64xf32, #tpu.memory_space<vmem_shared>>) offsets(%dma_start3A_153 : memref<128xi32, #tpu.memory_space<vmem>>) semaphore(%arg22 : memref<!tpu.dma_semaphore, #tpu.memory_space<semaphore_mem>>) {add = true}
      %add3A_157 = arith.constant 3 : i32
      %add3A_158 = arith.addi %add3A_144, %add3A_157 : i32
      %sub3A_159 = arith.constant 5 : i32
      %sub3A_160 = arith.subi %add3A_158, %sub3A_159 : i32
      %ge3A_161 = arith.constant 0 : i32
      %ge3A_162 = arith.cmpi sge, %sub3A_160, %ge3A_161 : i32
      %convert_element_type3A_163 = arith.extui %ge3A_162 : i1 to i32
      %cond3A_164 = arith.constant 0 : i32
      %cond3A_165 = arith.cmpi ne, %convert_element_type3A_163, %cond3A_164 : i32
      scf.if %cond3A_165 {
        %dma_wait3A_237 = arith.constant 0 : i32
        %dma_wait3A_238 = tpu.memref_slice %arg8[%sub3A_160, %dma_wait3A_237] : memref<160x128xi32, #tpu.memory_space<vmem>> -> memref<1x128xi32, #tpu.memory_space<vmem>>
        %dma_wait3A_239 = tpu.memref_squeeze %dma_wait3A_238 : memref<1x128xi32, #tpu.memory_space<vmem>> -> memref<128xi32, #tpu.memory_space<vmem>>
        %dma_wait3A_240 = arith.constant 0 : i32
        %dma_wait3A_241 = arith.constant 0 : i32
        %dma_wait3A_242 = tpu.memref_slice %arg14[%dma_wait3A_240, %dma_wait3A_241] : memref<10240x64xf32, #tpu.memory_space<vmem_shared>> -> memref<10240x64xf32, #tpu.memory_space<vmem_shared>>
        tpu.wait_indirect_dma semaphore(%arg20 : memref<!tpu.dma_semaphore, #tpu.memory_space<semaphore_mem>>) src(%arg9 : memref<128x64xf32, #tpu.memory_space<vmem>>) dst(%dma_wait3A_242 : memref<10240x64xf32, #tpu.memory_space<vmem_shared>>)
      } else {
      }
      %add3A_166 = arith.constant 3 : i32
      %add3A_167 = arith.addi %add3A_144, %add3A_166 : i32
      %lt3A_168 = arith.constant 160 : i32
      %lt3A_169 = arith.cmpi slt, %add3A_167, %lt3A_168 : i32
      %convert_element_type3A_170 = arith.extui %lt3A_169 : i1 to i32
      %cond3A_171 = arith.constant 0 : i32
      %cond3A_172 = arith.cmpi ne, %convert_element_type3A_170, %cond3A_171 : i32
      scf.if %cond3A_172 {
        %dma_start3A_237 = arith.constant 0 : i32
        %dma_start3A_238 = tpu.memref_slice %arg7[%add3A_167, %dma_start3A_237] : memref<160x128xi32, #tpu.memory_space<vmem>> -> memref<1x128xi32, #tpu.memory_space<vmem>>
        %dma_start3A_239 = tpu.memref_squeeze %dma_start3A_238 : memref<1x128xi32, #tpu.memory_space<vmem>> -> memref<128xi32, #tpu.memory_space<vmem>>
        %dma_start3A_240 = arith.constant 0 : i32
        %dma_start3A_241 = arith.constant 0 : i32
        %dma_start3A_242 = tpu.memref_slice %arg2[%dma_start3A_240, %dma_start3A_241] : memref<20000x64xf32, #tpu.memory_space<hbm>> -> memref<20000x64xf32, #tpu.memory_space<hbm>>
        tpu.enqueue_indirect_dma source(%dma_start3A_242 : memref<20000x64xf32, #tpu.memory_space<hbm>>) target(%arg9 : memref<128x64xf32, #tpu.memory_space<vmem>>) offsets(%dma_start3A_239 : memref<128xi32, #tpu.memory_space<vmem>>) semaphore(%arg15 : memref<!tpu.dma_semaphore, #tpu.memory_space<semaphore_mem>>)
      } else {
      }
      %mul3A_173 = arith.constant 5 : i32
      %mul3A_174 = arith.muli %mul3A_173, %scan3A_81 : i32
      %add3A_175 = arith.constant 3 : i32
      %add3A_176 = arith.addi %mul3A_174, %add3A_175 : i32
      %dma_wait3A_177 = arith.constant 0 : i32
      %dma_wait3A_178 = tpu.memref_slice %arg7[%add3A_176, %dma_wait3A_177] : memref<160x128xi32, #tpu.memory_space<vmem>> -> memref<1x128xi32, #tpu.memory_space<vmem>>
      %dma_wait3A_179 = tpu.memref_squeeze %dma_wait3A_178 : memref<1x128xi32, #tpu.memory_space<vmem>> -> memref<128xi32, #tpu.memory_space<vmem>>
      %dma_wait3A_180 = arith.constant 0 : i32
      %dma_wait3A_181 = arith.constant 0 : i32
      %dma_wait3A_182 = tpu.memref_slice %arg2[%dma_wait3A_180, %dma_wait3A_181] : memref<20000x64xf32, #tpu.memory_space<hbm>> -> memref<20000x64xf32, #tpu.memory_space<hbm>>
      tpu.wait_indirect_dma semaphore(%arg18 : memref<!tpu.dma_semaphore, #tpu.memory_space<semaphore_mem>>) src(%dma_wait3A_182 : memref<20000x64xf32, #tpu.memory_space<hbm>>) dst(%arg12 : memref<128x64xf32, #tpu.memory_space<vmem>>)
      %dma_start3A_183 = arith.constant 0 : i32
      %dma_start3A_184 = tpu.memref_slice %arg8[%add3A_176, %dma_start3A_183] : memref<160x128xi32, #tpu.memory_space<vmem>> -> memref<1x128xi32, #tpu.memory_space<vmem>>
      %dma_start3A_185 = tpu.memref_squeeze %dma_start3A_184 : memref<1x128xi32, #tpu.memory_space<vmem>> -> memref<128xi32, #tpu.memory_space<vmem>>
      %dma_start3A_186 = arith.constant 0 : i32
      %dma_start3A_187 = arith.constant 0 : i32
      %dma_start3A_188 = tpu.memref_slice %arg14[%dma_start3A_186, %dma_start3A_187] : memref<10240x64xf32, #tpu.memory_space<vmem_shared>> -> memref<10240x64xf32, #tpu.memory_space<vmem_shared>>
      tpu.enqueue_indirect_dma source(%arg12 : memref<128x64xf32, #tpu.memory_space<vmem>>) target(%dma_start3A_188 : memref<10240x64xf32, #tpu.memory_space<vmem_shared>>) offsets(%dma_start3A_185 : memref<128xi32, #tpu.memory_space<vmem>>) semaphore(%arg23 : memref<!tpu.dma_semaphore, #tpu.memory_space<semaphore_mem>>) {add = true}
      %add3A_189 = arith.constant 3 : i32
      %add3A_190 = arith.addi %add3A_176, %add3A_189 : i32
      %sub3A_191 = arith.constant 5 : i32
      %sub3A_192 = arith.subi %add3A_190, %sub3A_191 : i32
      %ge3A_193 = arith.constant 0 : i32
      %ge3A_194 = arith.cmpi sge, %sub3A_192, %ge3A_193 : i32
      %convert_element_type3A_195 = arith.extui %ge3A_194 : i1 to i32
      %cond3A_196 = arith.constant 0 : i32
      %cond3A_197 = arith.cmpi ne, %convert_element_type3A_195, %cond3A_196 : i32
      scf.if %cond3A_197 {
        %dma_wait3A_237 = arith.constant 0 : i32
        %dma_wait3A_238 = tpu.memref_slice %arg8[%sub3A_192, %dma_wait3A_237] : memref<160x128xi32, #tpu.memory_space<vmem>> -> memref<1x128xi32, #tpu.memory_space<vmem>>
        %dma_wait3A_239 = tpu.memref_squeeze %dma_wait3A_238 : memref<1x128xi32, #tpu.memory_space<vmem>> -> memref<128xi32, #tpu.memory_space<vmem>>
        %dma_wait3A_240 = arith.constant 0 : i32
        %dma_wait3A_241 = arith.constant 0 : i32
        %dma_wait3A_242 = tpu.memref_slice %arg14[%dma_wait3A_240, %dma_wait3A_241] : memref<10240x64xf32, #tpu.memory_space<vmem_shared>> -> memref<10240x64xf32, #tpu.memory_space<vmem_shared>>
        tpu.wait_indirect_dma semaphore(%arg21 : memref<!tpu.dma_semaphore, #tpu.memory_space<semaphore_mem>>) src(%arg10 : memref<128x64xf32, #tpu.memory_space<vmem>>) dst(%dma_wait3A_242 : memref<10240x64xf32, #tpu.memory_space<vmem_shared>>)
      } else {
      }
      %add3A_198 = arith.constant 3 : i32
      %add3A_199 = arith.addi %add3A_176, %add3A_198 : i32
      %lt3A_200 = arith.constant 160 : i32
      %lt3A_201 = arith.cmpi slt, %add3A_199, %lt3A_200 : i32
      %convert_element_type3A_202 = arith.extui %lt3A_201 : i1 to i32
      %cond3A_203 = arith.constant 0 : i32
      %cond3A_204 = arith.cmpi ne, %convert_element_type3A_202, %cond3A_203 : i32
      scf.if %cond3A_204 {
        %dma_start3A_237 = arith.constant 0 : i32
        %dma_start3A_238 = tpu.memref_slice %arg7[%add3A_199, %dma_start3A_237] : memref<160x128xi32, #tpu.memory_space<vmem>> -> memref<1x128xi32, #tpu.memory_space<vmem>>
        %dma_start3A_239 = tpu.memref_squeeze %dma_start3A_238 : memref<1x128xi32, #tpu.memory_space<vmem>> -> memref<128xi32, #tpu.memory_space<vmem>>
        %dma_start3A_240 = arith.constant 0 : i32
        %dma_start3A_241 = arith.constant 0 : i32
        %dma_start3A_242 = tpu.memref_slice %arg2[%dma_start3A_240, %dma_start3A_241] : memref<20000x64xf32, #tpu.memory_space<hbm>> -> memref<20000x64xf32, #tpu.memory_space<hbm>>
        tpu.enqueue_indirect_dma source(%dma_start3A_242 : memref<20000x64xf32, #tpu.memory_space<hbm>>) target(%arg10 : memref<128x64xf32, #tpu.memory_space<vmem>>) offsets(%dma_start3A_239 : memref<128xi32, #tpu.memory_space<vmem>>) semaphore(%arg16 : memref<!tpu.dma_semaphore, #tpu.memory_space<semaphore_mem>>)
      } else {
      }
      %mul3A_205 = arith.constant 5 : i32
      %mul3A_206 = arith.muli %mul3A_205, %scan3A_81 : i32
      %add3A_207 = arith.constant 4 : i32
      %add3A_208 = arith.addi %mul3A_206, %add3A_207 : i32
      %dma_wait3A_209 = arith.constant 0 : i32
      %dma_wait3A_210 = tpu.memref_slice %arg7[%add3A_208, %dma_wait3A_209] : memref<160x128xi32, #tpu.memory_space<vmem>> -> memref<1x128xi32, #tpu.memory_space<vmem>>
      %dma_wait3A_211 = tpu.memref_squeeze %dma_wait3A_210 : memref<1x128xi32, #tpu.memory_space<vmem>> -> memref<128xi32, #tpu.memory_space<vmem>>
      %dma_wait3A_212 = arith.constant 0 : i32
      %dma_wait3A_213 = arith.constant 0 : i32
      %dma_wait3A_214 = tpu.memref_slice %arg2[%dma_wait3A_212, %dma_wait3A_213] : memref<20000x64xf32, #tpu.memory_space<hbm>> -> memref<20000x64xf32, #tpu.memory_space<hbm>>
      tpu.wait_indirect_dma semaphore(%arg19 : memref<!tpu.dma_semaphore, #tpu.memory_space<semaphore_mem>>) src(%dma_wait3A_214 : memref<20000x64xf32, #tpu.memory_space<hbm>>) dst(%arg13 : memref<128x64xf32, #tpu.memory_space<vmem>>)
      %dma_start3A_215 = arith.constant 0 : i32
      %dma_start3A_216 = tpu.memref_slice %arg8[%add3A_208, %dma_start3A_215] : memref<160x128xi32, #tpu.memory_space<vmem>> -> memref<1x128xi32, #tpu.memory_space<vmem>>
      %dma_start3A_217 = tpu.memref_squeeze %dma_start3A_216 : memref<1x128xi32, #tpu.memory_space<vmem>> -> memref<128xi32, #tpu.memory_space<vmem>>
      %dma_start3A_218 = arith.constant 0 : i32
      %dma_start3A_219 = arith.constant 0 : i32
      %dma_start3A_220 = tpu.memref_slice %arg14[%dma_start3A_218, %dma_start3A_219] : memref<10240x64xf32, #tpu.memory_space<vmem_shared>> -> memref<10240x64xf32, #tpu.memory_space<vmem_shared>>
      tpu.enqueue_indirect_dma source(%arg13 : memref<128x64xf32, #tpu.memory_space<vmem>>) target(%dma_start3A_220 : memref<10240x64xf32, #tpu.memory_space<vmem_shared>>) offsets(%dma_start3A_217 : memref<128xi32, #tpu.memory_space<vmem>>) semaphore(%arg24 : memref<!tpu.dma_semaphore, #tpu.memory_space<semaphore_mem>>) {add = true}
      %add3A_221 = arith.constant 3 : i32
      %add3A_222 = arith.addi %add3A_208, %add3A_221 : i32
      %sub3A_223 = arith.constant 5 : i32
      %sub3A_224 = arith.subi %add3A_222, %sub3A_223 : i32
      %ge3A_225 = arith.constant 0 : i32
      %ge3A_226 = arith.cmpi sge, %sub3A_224, %ge3A_225 : i32
      %convert_element_type3A_227 = arith.extui %ge3A_226 : i1 to i32
      %cond3A_228 = arith.constant 0 : i32
      %cond3A_229 = arith.cmpi ne, %convert_element_type3A_227, %cond3A_228 : i32
      scf.if %cond3A_229 {
        %dma_wait3A_237 = arith.constant 0 : i32
        %dma_wait3A_238 = tpu.memref_slice %arg8[%sub3A_224, %dma_wait3A_237] : memref<160x128xi32, #tpu.memory_space<vmem>> -> memref<1x128xi32, #tpu.memory_space<vmem>>
        %dma_wait3A_239 = tpu.memref_squeeze %dma_wait3A_238 : memref<1x128xi32, #tpu.memory_space<vmem>> -> memref<128xi32, #tpu.memory_space<vmem>>
        %dma_wait3A_240 = arith.constant 0 : i32
        %dma_wait3A_241 = arith.constant 0 : i32
        %dma_wait3A_242 = tpu.memref_slice %arg14[%dma_wait3A_240, %dma_wait3A_241] : memref<10240x64xf32, #tpu.memory_space<vmem_shared>> -> memref<10240x64xf32, #tpu.memory_space<vmem_shared>>
        tpu.wait_indirect_dma semaphore(%arg22 : memref<!tpu.dma_semaphore, #tpu.memory_space<semaphore_mem>>) src(%arg11 : memref<128x64xf32, #tpu.memory_space<vmem>>) dst(%dma_wait3A_242 : memref<10240x64xf32, #tpu.memory_space<vmem_shared>>)
      } else {
      }
      %add3A_230 = arith.constant 3 : i32
      %add3A_231 = arith.addi %add3A_208, %add3A_230 : i32
      %lt3A_232 = arith.constant 160 : i32
      %lt3A_233 = arith.cmpi slt, %add3A_231, %lt3A_232 : i32
      %convert_element_type3A_234 = arith.extui %lt3A_233 : i1 to i32
      %cond3A_235 = arith.constant 0 : i32
      %cond3A_236 = arith.cmpi ne, %convert_element_type3A_234, %cond3A_235 : i32
      scf.if %cond3A_236 {
        %dma_start3A_237 = arith.constant 0 : i32
        %dma_start3A_238 = tpu.memref_slice %arg7[%add3A_231, %dma_start3A_237] : memref<160x128xi32, #tpu.memory_space<vmem>> -> memref<1x128xi32, #tpu.memory_space<vmem>>
        %dma_start3A_239 = tpu.memref_squeeze %dma_start3A_238 : memref<1x128xi32, #tpu.memory_space<vmem>> -> memref<128xi32, #tpu.memory_space<vmem>>
        %dma_start3A_240 = arith.constant 0 : i32
        %dma_start3A_241 = arith.constant 0 : i32
        %dma_start3A_242 = tpu.memref_slice %arg2[%dma_start3A_240, %dma_start3A_241] : memref<20000x64xf32, #tpu.memory_space<hbm>> -> memref<20000x64xf32, #tpu.memory_space<hbm>>
        tpu.enqueue_indirect_dma source(%dma_start3A_242 : memref<20000x64xf32, #tpu.memory_space<hbm>>) target(%arg11 : memref<128x64xf32, #tpu.memory_space<vmem>>) offsets(%dma_start3A_239 : memref<128xi32, #tpu.memory_space<vmem>>) semaphore(%arg17 : memref<!tpu.dma_semaphore, #tpu.memory_space<semaphore_mem>>)
      } else {
      }
    }
    %scan3A_46 = arith.constant 32 : i32
    %dma_wait3A = arith.constant 158 : i32
    %dma_wait3A_47 = arith.constant 0 : i32
    %dma_wait3A_48 = tpu.memref_slice %arg8[%dma_wait3A, %dma_wait3A_47] : memref<160x128xi32, #tpu.memory_space<vmem>> -> memref<1x128xi32, #tpu.memory_space<vmem>>
    %dma_wait3A_49 = tpu.memref_squeeze %dma_wait3A_48 : memref<1x128xi32, #tpu.memory_space<vmem>> -> memref<128xi32, #tpu.memory_space<vmem>>
    %dma_wait3A_50 = arith.constant 0 : i32
    %dma_wait3A_51 = arith.constant 0 : i32
    %dma_wait3A_52 = tpu.memref_slice %arg14[%dma_wait3A_50, %dma_wait3A_51] : memref<10240x64xf32, #tpu.memory_space<vmem_shared>> -> memref<10240x64xf32, #tpu.memory_space<vmem_shared>>
    tpu.wait_indirect_dma semaphore(%arg23 : memref<!tpu.dma_semaphore, #tpu.memory_space<semaphore_mem>>) src(%arg12 : memref<128x64xf32, #tpu.memory_space<vmem>>) dst(%dma_wait3A_52 : memref<10240x64xf32, #tpu.memory_space<vmem_shared>>)
    %dma_wait3A_53 = arith.constant 159 : i32
    %dma_wait3A_54 = arith.constant 0 : i32
    %dma_wait3A_55 = tpu.memref_slice %arg8[%dma_wait3A_53, %dma_wait3A_54] : memref<160x128xi32, #tpu.memory_space<vmem>> -> memref<1x128xi32, #tpu.memory_space<vmem>>
    %dma_wait3A_56 = tpu.memref_squeeze %dma_wait3A_55 : memref<1x128xi32, #tpu.memory_space<vmem>> -> memref<128xi32, #tpu.memory_space<vmem>>
    %dma_wait3A_57 = arith.constant 0 : i32
    %dma_wait3A_58 = arith.constant 0 : i32
    %dma_wait3A_59 = tpu.memref_slice %arg14[%dma_wait3A_57, %dma_wait3A_58] : memref<10240x64xf32, #tpu.memory_space<vmem_shared>> -> memref<10240x64xf32, #tpu.memory_space<vmem_shared>>
    tpu.wait_indirect_dma semaphore(%arg24 : memref<!tpu.dma_semaphore, #tpu.memory_space<semaphore_mem>>) src(%arg13 : memref<128x64xf32, #tpu.memory_space<vmem>>) dst(%dma_wait3A_59 : memref<10240x64xf32, #tpu.memory_space<vmem_shared>>)
    %barrier3A_60 = arith.constant 0 : index
    tpu.barrier barrier_id(%barrier3A_60)
    %mul3A_61 = arith.constant 640 : i32
    %mul3A_62 = arith.muli %arg1, %mul3A_61 : i32
    %add3A_63 = arith.constant 0 : i32
    %add3A_64 = arith.addi %mul3A_62, %add3A_63 : i32
    "tpu.region"() ({
      %run_scoped3A = tpu.sem_alloc : memref<!tpu.dma_semaphore, #tpu.memory_space<semaphore_mem>>
      %dma_start3A_81 = arith.constant 0 : i32
      %dma_start3A_82 = tpu.memref_slice %arg14[%add3A_64, %dma_start3A_81] : memref<10240x64xf32, #tpu.memory_space<vmem_shared>> -> memref<128x64xf32, #tpu.memory_space<vmem_shared>>
      %dma_start3A_83 = arith.constant 0 : i32
      %dma_start3A_84 = tpu.memref_slice %arg14[%add3A_64, %dma_start3A_83] : memref<10240x64xf32, #tpu.memory_space<vmem_shared>> -> memref<128x64xf32, #tpu.memory_space<vmem_shared>>
      tpu.enqueue_dma source(%dma_start3A_84 : memref<128x64xf32, #tpu.memory_space<vmem_shared>>) target(%arg9 : memref<128x64xf32, #tpu.memory_space<vmem>>) target_semaphore(%run_scoped3A : memref<!tpu.dma_semaphore, #tpu.memory_space<semaphore_mem>>)
      %dma_wait3A_85 = arith.constant 0 : i32
      %dma_wait3A_86 = tpu.memref_slice %arg14[%add3A_64, %dma_wait3A_85] : memref<10240x64xf32, #tpu.memory_space<vmem_shared>> -> memref<128x64xf32, #tpu.memory_space<vmem_shared>>
      %dma_wait3A_87 = arith.constant 0 : i32
      %dma_wait3A_88 = tpu.memref_slice %arg14[%add3A_64, %dma_wait3A_87] : memref<10240x64xf32, #tpu.memory_space<vmem_shared>> -> memref<128x64xf32, #tpu.memory_space<vmem_shared>>
      tpu.wait_dma2 semaphore(%run_scoped3A : memref<!tpu.dma_semaphore, #tpu.memory_space<semaphore_mem>>) src(%dma_wait3A_88 : memref<128x64xf32, #tpu.memory_space<vmem_shared>>) dst(%arg9 : memref<128x64xf32, #tpu.memory_space<vmem>>)
      tpu.yield
    }) : () -> ()
    "tpu.region"() ({
      %run_scoped3A = tpu.sem_alloc : memref<!tpu.dma_semaphore, #tpu.memory_space<semaphore_mem>>
      %dma_start3A_81 = arith.constant 0 : i32
      %dma_start3A_82 = arith.constant 0 : i32
      %dma_start3A_83 = tpu.memref_slice %arg6[%arg0, %dma_start3A_81, %dma_start3A_82] : memref<2x10240x64xf32, #tpu.memory_space<hbm>> -> memref<1x10240x64xf32, #tpu.memory_space<hbm>>
      %dma_start3A_84 = tpu.memref_squeeze %dma_start3A_83 : memref<1x10240x64xf32, #tpu.memory_space<hbm>> -> memref<10240x64xf32, #tpu.memory_space<hbm>>
      %dma_start3A_85 = arith.constant 0 : i32
      %dma_start3A_86 = tpu.memref_slice %dma_start3A_84[%add3A_64, %dma_start3A_85] : memref<10240x64xf32, #tpu.memory_space<hbm>> -> memref<128x64xf32, #tpu.memory_space<hbm>>
      %dma_start3A_87 = arith.constant 0 : i32
      %dma_start3A_88 = arith.constant 0 : i32
      %dma_start3A_89 = tpu.memref_slice %arg6[%arg0, %dma_start3A_87, %dma_start3A_88] : memref<2x10240x64xf32, #tpu.memory_space<hbm>> -> memref<1x10240x64xf32, #tpu.memory_space<hbm>>
      %dma_start3A_90 = tpu.memref_squeeze %dma_start3A_89 : memref<1x10240x64xf32, #tpu.memory_space<hbm>> -> memref<10240x64xf32, #tpu.memory_space<hbm>>
      %dma_start3A_91 = arith.constant 0 : i32
      %dma_start3A_92 = tpu.memref_slice %dma_start3A_90[%add3A_64, %dma_start3A_91] : memref<10240x64xf32, #tpu.memory_space<hbm>> -> memref<128x64xf32, #tpu.memory_space<hbm>>
      tpu.enqueue_dma source(%arg9 : memref<128x64xf32, #tpu.memory_space<vmem>>) target(%dma_start3A_92 : memref<128x64xf32, #tpu.memory_space<hbm>>) target_semaphore(%run_scoped3A : memref<!tpu.dma_semaphore, #tpu.memory_space<semaphore_mem>>)
      %dma_wait3A_93 = arith.constant 0 : i32
      %dma_wait3A_94 = arith.constant 0 : i32
      %dma_wait3A_95 = tpu.memref_slice %arg6[%arg0, %dma_wait3A_93, %dma_wait3A_94] : memref<2x10240x64xf32, #tpu.memory_space<hbm>> -> memref<1x10240x64xf32, #tpu.memory_space<hbm>>
      %dma_wait3A_96 = tpu.memref_squeeze %dma_wait3A_95 : memref<1x10240x64xf32, #tpu.memory_space<hbm>> -> memref<10240x64xf32, #tpu.memory_space<hbm>>
      %dma_wait3A_97 = arith.constant 0 : i32
      %dma_wait3A_98 = tpu.memref_slice %dma_wait3A_96[%add3A_64, %dma_wait3A_97] : memref<10240x64xf32, #tpu.memory_space<hbm>> -> memref<128x64xf32, #tpu.memory_space<hbm>>
      %dma_wait3A_99 = arith.constant 0 : i32
      %dma_wait3A_100 = arith.constant 0 : i32
      %dma_wait3A_101 = tpu.memref_slice %arg6[%arg0, %dma_wait3A_99, %dma_wait3A_100] : memref<2x10240x64xf32, #tpu.memory_space<hbm>> -> memref<1x10240x64xf32, #tpu.memory_space<hbm>>
      %dma_wait3A_102 = tpu.memref_squeeze %dma_wait3A_101 : memref<1x10240x64xf32, #tpu.memory_space<hbm>> -> memref<10240x64xf32, #tpu.memory_space<hbm>>
      %dma_wait3A_103 = arith.constant 0 : i32
      %dma_wait3A_104 = tpu.memref_slice %dma_wait3A_102[%add3A_64, %dma_wait3A_103] : memref<10240x64xf32, #tpu.memory_space<hbm>> -> memref<128x64xf32, #tpu.memory_space<hbm>>
      tpu.wait_dma2 semaphore(%run_scoped3A : memref<!tpu.dma_semaphore, #tpu.memory_space<semaphore_mem>>) src(%arg9 : memref<128x64xf32, #tpu.memory_space<vmem>>) dst(%dma_wait3A_104 : memref<128x64xf32, #tpu.memory_space<hbm>>)
      tpu.yield
    }) : () -> ()
    %mul3A_65 = arith.constant 640 : i32
    %mul3A_66 = arith.muli %arg1, %mul3A_65 : i32
    %add3A_67 = arith.constant 128 : i32
    %add3A_68 = arith.addi %mul3A_66, %add3A_67 : i32
    "tpu.region"() ({
      %run_scoped3A = tpu.sem_alloc : memref<!tpu.dma_semaphore, #tpu.memory_space<semaphore_mem>>
      %dma_start3A_81 = arith.constant 0 : i32
      %dma_start3A_82 = tpu.memref_slice %arg14[%add3A_68, %dma_start3A_81] : memref<10240x64xf32, #tpu.memory_space<vmem_shared>> -> memref<128x64xf32, #tpu.memory_space<vmem_shared>>
      %dma_start3A_83 = arith.constant 0 : i32
      %dma_start3A_84 = tpu.memref_slice %arg14[%add3A_68, %dma_start3A_83] : memref<10240x64xf32, #tpu.memory_space<vmem_shared>> -> memref<128x64xf32, #tpu.memory_space<vmem_shared>>
      tpu.enqueue_dma source(%dma_start3A_84 : memref<128x64xf32, #tpu.memory_space<vmem_shared>>) target(%arg9 : memref<128x64xf32, #tpu.memory_space<vmem>>) target_semaphore(%run_scoped3A : memref<!tpu.dma_semaphore, #tpu.memory_space<semaphore_mem>>)
      %dma_wait3A_85 = arith.constant 0 : i32
      %dma_wait3A_86 = tpu.memref_slice %arg14[%add3A_68, %dma_wait3A_85] : memref<10240x64xf32, #tpu.memory_space<vmem_shared>> -> memref<128x64xf32, #tpu.memory_space<vmem_shared>>
      %dma_wait3A_87 = arith.constant 0 : i32
      %dma_wait3A_88 = tpu.memref_slice %arg14[%add3A_68, %dma_wait3A_87] : memref<10240x64xf32, #tpu.memory_space<vmem_shared>> -> memref<128x64xf32, #tpu.memory_space<vmem_shared>>
      tpu.wait_dma2 semaphore(%run_scoped3A : memref<!tpu.dma_semaphore, #tpu.memory_space<semaphore_mem>>) src(%dma_wait3A_88 : memref<128x64xf32, #tpu.memory_space<vmem_shared>>) dst(%arg9 : memref<128x64xf32, #tpu.memory_space<vmem>>)
      tpu.yield
    }) : () -> ()
    "tpu.region"() ({
      %run_scoped3A = tpu.sem_alloc : memref<!tpu.dma_semaphore, #tpu.memory_space<semaphore_mem>>
      %dma_start3A_81 = arith.constant 0 : i32
      %dma_start3A_82 = arith.constant 0 : i32
      %dma_start3A_83 = tpu.memref_slice %arg6[%arg0, %dma_start3A_81, %dma_start3A_82] : memref<2x10240x64xf32, #tpu.memory_space<hbm>> -> memref<1x10240x64xf32, #tpu.memory_space<hbm>>
      %dma_start3A_84 = tpu.memref_squeeze %dma_start3A_83 : memref<1x10240x64xf32, #tpu.memory_space<hbm>> -> memref<10240x64xf32, #tpu.memory_space<hbm>>
      %dma_start3A_85 = arith.constant 0 : i32
      %dma_start3A_86 = tpu.memref_slice %dma_start3A_84[%add3A_68, %dma_start3A_85] : memref<10240x64xf32, #tpu.memory_space<hbm>> -> memref<128x64xf32, #tpu.memory_space<hbm>>
      %dma_start3A_87 = arith.constant 0 : i32
      %dma_start3A_88 = arith.constant 0 : i32
      %dma_start3A_89 = tpu.memref_slice %arg6[%arg0, %dma_start3A_87, %dma_start3A_88] : memref<2x10240x64xf32, #tpu.memory_space<hbm>> -> memref<1x10240x64xf32, #tpu.memory_space<hbm>>
      %dma_start3A_90 = tpu.memref_squeeze %dma_start3A_89 : memref<1x10240x64xf32, #tpu.memory_space<hbm>> -> memref<10240x64xf32, #tpu.memory_space<hbm>>
      %dma_start3A_91 = arith.constant 0 : i32
      %dma_start3A_92 = tpu.memref_slice %dma_start3A_90[%add3A_68, %dma_start3A_91] : memref<10240x64xf32, #tpu.memory_space<hbm>> -> memref<128x64xf32, #tpu.memory_space<hbm>>
      tpu.enqueue_dma source(%arg9 : memref<128x64xf32, #tpu.memory_space<vmem>>) target(%dma_start3A_92 : memref<128x64xf32, #tpu.memory_space<hbm>>) target_semaphore(%run_scoped3A : memref<!tpu.dma_semaphore, #tpu.memory_space<semaphore_mem>>)
      %dma_wait3A_93 = arith.constant 0 : i32
      %dma_wait3A_94 = arith.constant 0 : i32
      %dma_wait3A_95 = tpu.memref_slice %arg6[%arg0, %dma_wait3A_93, %dma_wait3A_94] : memref<2x10240x64xf32, #tpu.memory_space<hbm>> -> memref<1x10240x64xf32, #tpu.memory_space<hbm>>
      %dma_wait3A_96 = tpu.memref_squeeze %dma_wait3A_95 : memref<1x10240x64xf32, #tpu.memory_space<hbm>> -> memref<10240x64xf32, #tpu.memory_space<hbm>>
      %dma_wait3A_97 = arith.constant 0 : i32
      %dma_wait3A_98 = tpu.memref_slice %dma_wait3A_96[%add3A_68, %dma_wait3A_97] : memref<10240x64xf32, #tpu.memory_space<hbm>> -> memref<128x64xf32, #tpu.memory_space<hbm>>
      %dma_wait3A_99 = arith.constant 0 : i32
      %dma_wait3A_100 = arith.constant 0 : i32
      %dma_wait3A_101 = tpu.memref_slice %arg6[%arg0, %dma_wait3A_99, %dma_wait3A_100] : memref<2x10240x64xf32, #tpu.memory_space<hbm>> -> memref<1x10240x64xf32, #tpu.memory_space<hbm>>
      %dma_wait3A_102 = tpu.memref_squeeze %dma_wait3A_101 : memref<1x10240x64xf32, #tpu.memory_space<hbm>> -> memref<10240x64xf32, #tpu.memory_space<hbm>>
      %dma_wait3A_103 = arith.constant 0 : i32
      %dma_wait3A_104 = tpu.memref_slice %dma_wait3A_102[%add3A_68, %dma_wait3A_103] : memref<10240x64xf32, #tpu.memory_space<hbm>> -> memref<128x64xf32, #tpu.memory_space<hbm>>
      tpu.wait_dma2 semaphore(%run_scoped3A : memref<!tpu.dma_semaphore, #tpu.memory_space<semaphore_mem>>) src(%arg9 : memref<128x64xf32, #tpu.memory_space<vmem>>) dst(%dma_wait3A_104 : memref<128x64xf32, #tpu.memory_space<hbm>>)
      tpu.yield
    }) : () -> ()
    %mul3A_69 = arith.constant 640 : i32
    %mul3A_70 = arith.muli %arg1, %mul3A_69 : i32
    %add3A_71 = arith.constant 256 : i32
    %add3A_72 = arith.addi %mul3A_70, %add3A_71 : i32
    "tpu.region"() ({
      %run_scoped3A = tpu.sem_alloc : memref<!tpu.dma_semaphore, #tpu.memory_space<semaphore_mem>>
      %dma_start3A_81 = arith.constant 0 : i32
      %dma_start3A_82 = tpu.memref_slice %arg14[%add3A_72, %dma_start3A_81] : memref<10240x64xf32, #tpu.memory_space<vmem_shared>> -> memref<128x64xf32, #tpu.memory_space<vmem_shared>>
      %dma_start3A_83 = arith.constant 0 : i32
      %dma_start3A_84 = tpu.memref_slice %arg14[%add3A_72, %dma_start3A_83] : memref<10240x64xf32, #tpu.memory_space<vmem_shared>> -> memref<128x64xf32, #tpu.memory_space<vmem_shared>>
      tpu.enqueue_dma source(%dma_start3A_84 : memref<128x64xf32, #tpu.memory_space<vmem_shared>>) target(%arg9 : memref<128x64xf32, #tpu.memory_space<vmem>>) target_semaphore(%run_scoped3A : memref<!tpu.dma_semaphore, #tpu.memory_space<semaphore_mem>>)
      %dma_wait3A_85 = arith.constant 0 : i32
      %dma_wait3A_86 = tpu.memref_slice %arg14[%add3A_72, %dma_wait3A_85] : memref<10240x64xf32, #tpu.memory_space<vmem_shared>> -> memref<128x64xf32, #tpu.memory_space<vmem_shared>>
      %dma_wait3A_87 = arith.constant 0 : i32
      %dma_wait3A_88 = tpu.memref_slice %arg14[%add3A_72, %dma_wait3A_87] : memref<10240x64xf32, #tpu.memory_space<vmem_shared>> -> memref<128x64xf32, #tpu.memory_space<vmem_shared>>
      tpu.wait_dma2 semaphore(%run_scoped3A : memref<!tpu.dma_semaphore, #tpu.memory_space<semaphore_mem>>) src(%dma_wait3A_88 : memref<128x64xf32, #tpu.memory_space<vmem_shared>>) dst(%arg9 : memref<128x64xf32, #tpu.memory_space<vmem>>)
      tpu.yield
    }) : () -> ()
    "tpu.region"() ({
      %run_scoped3A = tpu.sem_alloc : memref<!tpu.dma_semaphore, #tpu.memory_space<semaphore_mem>>
      %dma_start3A_81 = arith.constant 0 : i32
      %dma_start3A_82 = arith.constant 0 : i32
      %dma_start3A_83 = tpu.memref_slice %arg6[%arg0, %dma_start3A_81, %dma_start3A_82] : memref<2x10240x64xf32, #tpu.memory_space<hbm>> -> memref<1x10240x64xf32, #tpu.memory_space<hbm>>
      %dma_start3A_84 = tpu.memref_squeeze %dma_start3A_83 : memref<1x10240x64xf32, #tpu.memory_space<hbm>> -> memref<10240x64xf32, #tpu.memory_space<hbm>>
      %dma_start3A_85 = arith.constant 0 : i32
      %dma_start3A_86 = tpu.memref_slice %dma_start3A_84[%add3A_72, %dma_start3A_85] : memref<10240x64xf32, #tpu.memory_space<hbm>> -> memref<128x64xf32, #tpu.memory_space<hbm>>
      %dma_start3A_87 = arith.constant 0 : i32
      %dma_start3A_88 = arith.constant 0 : i32
      %dma_start3A_89 = tpu.memref_slice %arg6[%arg0, %dma_start3A_87, %dma_start3A_88] : memref<2x10240x64xf32, #tpu.memory_space<hbm>> -> memref<1x10240x64xf32, #tpu.memory_space<hbm>>
      %dma_start3A_90 = tpu.memref_squeeze %dma_start3A_89 : memref<1x10240x64xf32, #tpu.memory_space<hbm>> -> memref<10240x64xf32, #tpu.memory_space<hbm>>
      %dma_start3A_91 = arith.constant 0 : i32
      %dma_start3A_92 = tpu.memref_slice %dma_start3A_90[%add3A_72, %dma_start3A_91] : memref<10240x64xf32, #tpu.memory_space<hbm>> -> memref<128x64xf32, #tpu.memory_space<hbm>>
      tpu.enqueue_dma source(%arg9 : memref<128x64xf32, #tpu.memory_space<vmem>>) target(%dma_start3A_92 : memref<128x64xf32, #tpu.memory_space<hbm>>) target_semaphore(%run_scoped3A : memref<!tpu.dma_semaphore, #tpu.memory_space<semaphore_mem>>)
      %dma_wait3A_93 = arith.constant 0 : i32
      %dma_wait3A_94 = arith.constant 0 : i32
      %dma_wait3A_95 = tpu.memref_slice %arg6[%arg0, %dma_wait3A_93, %dma_wait3A_94] : memref<2x10240x64xf32, #tpu.memory_space<hbm>> -> memref<1x10240x64xf32, #tpu.memory_space<hbm>>
      %dma_wait3A_96 = tpu.memref_squeeze %dma_wait3A_95 : memref<1x10240x64xf32, #tpu.memory_space<hbm>> -> memref<10240x64xf32, #tpu.memory_space<hbm>>
      %dma_wait3A_97 = arith.constant 0 : i32
      %dma_wait3A_98 = tpu.memref_slice %dma_wait3A_96[%add3A_72, %dma_wait3A_97] : memref<10240x64xf32, #tpu.memory_space<hbm>> -> memref<128x64xf32, #tpu.memory_space<hbm>>
      %dma_wait3A_99 = arith.constant 0 : i32
      %dma_wait3A_100 = arith.constant 0 : i32
      %dma_wait3A_101 = tpu.memref_slice %arg6[%arg0, %dma_wait3A_99, %dma_wait3A_100] : memref<2x10240x64xf32, #tpu.memory_space<hbm>> -> memref<1x10240x64xf32, #tpu.memory_space<hbm>>
      %dma_wait3A_102 = tpu.memref_squeeze %dma_wait3A_101 : memref<1x10240x64xf32, #tpu.memory_space<hbm>> -> memref<10240x64xf32, #tpu.memory_space<hbm>>
      %dma_wait3A_103 = arith.constant 0 : i32
      %dma_wait3A_104 = tpu.memref_slice %dma_wait3A_102[%add3A_72, %dma_wait3A_103] : memref<10240x64xf32, #tpu.memory_space<hbm>> -> memref<128x64xf32, #tpu.memory_space<hbm>>
      tpu.wait_dma2 semaphore(%run_scoped3A : memref<!tpu.dma_semaphore, #tpu.memory_space<semaphore_mem>>) src(%arg9 : memref<128x64xf32, #tpu.memory_space<vmem>>) dst(%dma_wait3A_104 : memref<128x64xf32, #tpu.memory_space<hbm>>)
      tpu.yield
    }) : () -> ()
    %mul3A_73 = arith.constant 640 : i32
    %mul3A_74 = arith.muli %arg1, %mul3A_73 : i32
    %add3A_75 = arith.constant 384 : i32
    %add3A_76 = arith.addi %mul3A_74, %add3A_75 : i32
    "tpu.region"() ({
      %run_scoped3A = tpu.sem_alloc : memref<!tpu.dma_semaphore, #tpu.memory_space<semaphore_mem>>
      %dma_start3A_81 = arith.constant 0 : i32
      %dma_start3A_82 = tpu.memref_slice %arg14[%add3A_76, %dma_start3A_81] : memref<10240x64xf32, #tpu.memory_space<vmem_shared>> -> memref<128x64xf32, #tpu.memory_space<vmem_shared>>
      %dma_start3A_83 = arith.constant 0 : i32
      %dma_start3A_84 = tpu.memref_slice %arg14[%add3A_76, %dma_start3A_83] : memref<10240x64xf32, #tpu.memory_space<vmem_shared>> -> memref<128x64xf32, #tpu.memory_space<vmem_shared>>
      tpu.enqueue_dma source(%dma_start3A_84 : memref<128x64xf32, #tpu.memory_space<vmem_shared>>) target(%arg9 : memref<128x64xf32, #tpu.memory_space<vmem>>) target_semaphore(%run_scoped3A : memref<!tpu.dma_semaphore, #tpu.memory_space<semaphore_mem>>)
      %dma_wait3A_85 = arith.constant 0 : i32
      %dma_wait3A_86 = tpu.memref_slice %arg14[%add3A_76, %dma_wait3A_85] : memref<10240x64xf32, #tpu.memory_space<vmem_shared>> -> memref<128x64xf32, #tpu.memory_space<vmem_shared>>
      %dma_wait3A_87 = arith.constant 0 : i32
      %dma_wait3A_88 = tpu.memref_slice %arg14[%add3A_76, %dma_wait3A_87] : memref<10240x64xf32, #tpu.memory_space<vmem_shared>> -> memref<128x64xf32, #tpu.memory_space<vmem_shared>>
      tpu.wait_dma2 semaphore(%run_scoped3A : memref<!tpu.dma_semaphore, #tpu.memory_space<semaphore_mem>>) src(%dma_wait3A_88 : memref<128x64xf32, #tpu.memory_space<vmem_shared>>) dst(%arg9 : memref<128x64xf32, #tpu.memory_space<vmem>>)
      tpu.yield
    }) : () -> ()
    "tpu.region"() ({
      %run_scoped3A = tpu.sem_alloc : memref<!tpu.dma_semaphore, #tpu.memory_space<semaphore_mem>>
      %dma_start3A_81 = arith.constant 0 : i32
      %dma_start3A_82 = arith.constant 0 : i32
      %dma_start3A_83 = tpu.memref_slice %arg6[%arg0, %dma_start3A_81, %dma_start3A_82] : memref<2x10240x64xf32, #tpu.memory_space<hbm>> -> memref<1x10240x64xf32, #tpu.memory_space<hbm>>
      %dma_start3A_84 = tpu.memref_squeeze %dma_start3A_83 : memref<1x10240x64xf32, #tpu.memory_space<hbm>> -> memref<10240x64xf32, #tpu.memory_space<hbm>>
      %dma_start3A_85 = arith.constant 0 : i32
      %dma_start3A_86 = tpu.memref_slice %dma_start3A_84[%add3A_76, %dma_start3A_85] : memref<10240x64xf32, #tpu.memory_space<hbm>> -> memref<128x64xf32, #tpu.memory_space<hbm>>
      %dma_start3A_87 = arith.constant 0 : i32
      %dma_start3A_88 = arith.constant 0 : i32
      %dma_start3A_89 = tpu.memref_slice %arg6[%arg0, %dma_start3A_87, %dma_start3A_88] : memref<2x10240x64xf32, #tpu.memory_space<hbm>> -> memref<1x10240x64xf32, #tpu.memory_space<hbm>>
      %dma_start3A_90 = tpu.memref_squeeze %dma_start3A_89 : memref<1x10240x64xf32, #tpu.memory_space<hbm>> -> memref<10240x64xf32, #tpu.memory_space<hbm>>
      %dma_start3A_91 = arith.constant 0 : i32
      %dma_start3A_92 = tpu.memref_slice %dma_start3A_90[%add3A_76, %dma_start3A_91] : memref<10240x64xf32, #tpu.memory_space<hbm>> -> memref<128x64xf32, #tpu.memory_space<hbm>>
      tpu.enqueue_dma source(%arg9 : memref<128x64xf32, #tpu.memory_space<vmem>>) target(%dma_start3A_92 : memref<128x64xf32, #tpu.memory_space<hbm>>) target_semaphore(%run_scoped3A : memref<!tpu.dma_semaphore, #tpu.memory_space<semaphore_mem>>)
      %dma_wait3A_93 = arith.constant 0 : i32
      %dma_wait3A_94 = arith.constant 0 : i32
      %dma_wait3A_95 = tpu.memref_slice %arg6[%arg0, %dma_wait3A_93, %dma_wait3A_94] : memref<2x10240x64xf32, #tpu.memory_space<hbm>> -> memref<1x10240x64xf32, #tpu.memory_space<hbm>>
      %dma_wait3A_96 = tpu.memref_squeeze %dma_wait3A_95 : memref<1x10240x64xf32, #tpu.memory_space<hbm>> -> memref<10240x64xf32, #tpu.memory_space<hbm>>
      %dma_wait3A_97 = arith.constant 0 : i32
      %dma_wait3A_98 = tpu.memref_slice %dma_wait3A_96[%add3A_76, %dma_wait3A_97] : memref<10240x64xf32, #tpu.memory_space<hbm>> -> memref<128x64xf32, #tpu.memory_space<hbm>>
      %dma_wait3A_99 = arith.constant 0 : i32
      %dma_wait3A_100 = arith.constant 0 : i32
      %dma_wait3A_101 = tpu.memref_slice %arg6[%arg0, %dma_wait3A_99, %dma_wait3A_100] : memref<2x10240x64xf32, #tpu.memory_space<hbm>> -> memref<1x10240x64xf32, #tpu.memory_space<hbm>>
      %dma_wait3A_102 = tpu.memref_squeeze %dma_wait3A_101 : memref<1x10240x64xf32, #tpu.memory_space<hbm>> -> memref<10240x64xf32, #tpu.memory_space<hbm>>
      %dma_wait3A_103 = arith.constant 0 : i32
      %dma_wait3A_104 = tpu.memref_slice %dma_wait3A_102[%add3A_76, %dma_wait3A_103] : memref<10240x64xf32, #tpu.memory_space<hbm>> -> memref<128x64xf32, #tpu.memory_space<hbm>>
      tpu.wait_dma2 semaphore(%run_scoped3A : memref<!tpu.dma_semaphore, #tpu.memory_space<semaphore_mem>>) src(%arg9 : memref<128x64xf32, #tpu.memory_space<vmem>>) dst(%dma_wait3A_104 : memref<128x64xf32, #tpu.memory_space<hbm>>)
      tpu.yield
    }) : () -> ()
    %mul3A_77 = arith.constant 640 : i32
    %mul3A_78 = arith.muli %arg1, %mul3A_77 : i32
    %add3A_79 = arith.constant 512 : i32
    %add3A_80 = arith.addi %mul3A_78, %add3A_79 : i32
    "tpu.region"() ({
      %run_scoped3A = tpu.sem_alloc : memref<!tpu.dma_semaphore, #tpu.memory_space<semaphore_mem>>
      %dma_start3A_81 = arith.constant 0 : i32
      %dma_start3A_82 = tpu.memref_slice %arg14[%add3A_80, %dma_start3A_81] : memref<10240x64xf32, #tpu.memory_space<vmem_shared>> -> memref<128x64xf32, #tpu.memory_space<vmem_shared>>
      %dma_start3A_83 = arith.constant 0 : i32
      %dma_start3A_84 = tpu.memref_slice %arg14[%add3A_80, %dma_start3A_83] : memref<10240x64xf32, #tpu.memory_space<vmem_shared>> -> memref<128x64xf32, #tpu.memory_space<vmem_shared>>
      tpu.enqueue_dma source(%dma_start3A_84 : memref<128x64xf32, #tpu.memory_space<vmem_shared>>) target(%arg9 : memref<128x64xf32, #tpu.memory_space<vmem>>) target_semaphore(%run_scoped3A : memref<!tpu.dma_semaphore, #tpu.memory_space<semaphore_mem>>)
      %dma_wait3A_85 = arith.constant 0 : i32
      %dma_wait3A_86 = tpu.memref_slice %arg14[%add3A_80, %dma_wait3A_85] : memref<10240x64xf32, #tpu.memory_space<vmem_shared>> -> memref<128x64xf32, #tpu.memory_space<vmem_shared>>
      %dma_wait3A_87 = arith.constant 0 : i32
      %dma_wait3A_88 = tpu.memref_slice %arg14[%add3A_80, %dma_wait3A_87] : memref<10240x64xf32, #tpu.memory_space<vmem_shared>> -> memref<128x64xf32, #tpu.memory_space<vmem_shared>>
      tpu.wait_dma2 semaphore(%run_scoped3A : memref<!tpu.dma_semaphore, #tpu.memory_space<semaphore_mem>>) src(%dma_wait3A_88 : memref<128x64xf32, #tpu.memory_space<vmem_shared>>) dst(%arg9 : memref<128x64xf32, #tpu.memory_space<vmem>>)
      tpu.yield
    }) : () -> ()
    "tpu.region"() ({
      %run_scoped3A = tpu.sem_alloc : memref<!tpu.dma_semaphore, #tpu.memory_space<semaphore_mem>>
      %dma_start3A_81 = arith.constant 0 : i32
      %dma_start3A_82 = arith.constant 0 : i32
      %dma_start3A_83 = tpu.memref_slice %arg6[%arg0, %dma_start3A_81, %dma_start3A_82] : memref<2x10240x64xf32, #tpu.memory_space<hbm>> -> memref<1x10240x64xf32, #tpu.memory_space<hbm>>
      %dma_start3A_84 = tpu.memref_squeeze %dma_start3A_83 : memref<1x10240x64xf32, #tpu.memory_space<hbm>> -> memref<10240x64xf32, #tpu.memory_space<hbm>>
      %dma_start3A_85 = arith.constant 0 : i32
      %dma_start3A_86 = tpu.memref_slice %dma_start3A_84[%add3A_80, %dma_start3A_85] : memref<10240x64xf32, #tpu.memory_space<hbm>> -> memref<128x64xf32, #tpu.memory_space<hbm>>
      %dma_start3A_87 = arith.constant 0 : i32
      %dma_start3A_88 = arith.constant 0 : i32
      %dma_start3A_89 = tpu.memref_slice %arg6[%arg0, %dma_start3A_87, %dma_start3A_88] : memref<2x10240x64xf32, #tpu.memory_space<hbm>> -> memref<1x10240x64xf32, #tpu.memory_space<hbm>>
      %dma_start3A_90 = tpu.memref_squeeze %dma_start3A_89 : memref<1x10240x64xf32, #tpu.memory_space<hbm>> -> memref<10240x64xf32, #tpu.memory_space<hbm>>
      %dma_start3A_91 = arith.constant 0 : i32
      %dma_start3A_92 = tpu.memref_slice %dma_start3A_90[%add3A_80, %dma_start3A_91] : memref<10240x64xf32, #tpu.memory_space<hbm>> -> memref<128x64xf32, #tpu.memory_space<hbm>>
      tpu.enqueue_dma source(%arg9 : memref<128x64xf32, #tpu.memory_space<vmem>>) target(%dma_start3A_92 : memref<128x64xf32, #tpu.memory_space<hbm>>) target_semaphore(%run_scoped3A : memref<!tpu.dma_semaphore, #tpu.memory_space<semaphore_mem>>)
      %dma_wait3A_93 = arith.constant 0 : i32
      %dma_wait3A_94 = arith.constant 0 : i32
      %dma_wait3A_95 = tpu.memref_slice %arg6[%arg0, %dma_wait3A_93, %dma_wait3A_94] : memref<2x10240x64xf32, #tpu.memory_space<hbm>> -> memref<1x10240x64xf32, #tpu.memory_space<hbm>>
      %dma_wait3A_96 = tpu.memref_squeeze %dma_wait3A_95 : memref<1x10240x64xf32, #tpu.memory_space<hbm>> -> memref<10240x64xf32, #tpu.memory_space<hbm>>
      %dma_wait3A_97 = arith.constant 0 : i32
      %dma_wait3A_98 = tpu.memref_slice %dma_wait3A_96[%add3A_80, %dma_wait3A_97] : memref<10240x64xf32, #tpu.memory_space<hbm>> -> memref<128x64xf32, #tpu.memory_space<hbm>>
      %dma_wait3A_99 = arith.constant 0 : i32
      %dma_wait3A_100 = arith.constant 0 : i32
      %dma_wait3A_101 = tpu.memref_slice %arg6[%arg0, %dma_wait3A_99, %dma_wait3A_100] : memref<2x10240x64xf32, #tpu.memory_space<hbm>> -> memref<1x10240x64xf32, #tpu.memory_space<hbm>>
      %dma_wait3A_102 = tpu.memref_squeeze %dma_wait3A_101 : memref<1x10240x64xf32, #tpu.memory_space<hbm>> -> memref<10240x64xf32, #tpu.memory_space<hbm>>
      %dma_wait3A_103 = arith.constant 0 : i32
      %dma_wait3A_104 = tpu.memref_slice %dma_wait3A_102[%add3A_80, %dma_wait3A_103] : memref<10240x64xf32, #tpu.memory_space<hbm>> -> memref<128x64xf32, #tpu.memory_space<hbm>>
      tpu.wait_dma2 semaphore(%run_scoped3A : memref<!tpu.dma_semaphore, #tpu.memory_space<semaphore_mem>>) src(%arg9 : memref<128x64xf32, #tpu.memory_space<vmem>>) dst(%dma_wait3A_104 : memref<128x64xf32, #tpu.memory_space<hbm>>)
      tpu.yield
    }) : () -> ()
    return
  }
}

#map = affine_map<(d0, d1) -> (0, 0)>
#map1 = affine_map<(d0, d1) -> (0, 0, 0)>
module attributes {stable_mosaic.version = 14 : i64} {
  func.func @body(%arg0: i32, %arg1: i32, %arg2: memref<2560x128xi32, #tpu.memory_space<hbm>>, %arg3: memref<640x16xf32, #tpu.memory_space<hbm>>, %arg4: memref<128x16xf32, #tpu.memory_space<hbm>>, %arg5: memref<2x10240x16xf32, #tpu.memory_space<hbm>>, %arg6: memref<80x128xi32, #tpu.memory_space<vmem>>, %arg7: memref<640x16xf32, #tpu.memory_space<vmem>>, %arg8: memref<128x16xf32, #tpu.memory_space<vmem>>, %arg9: memref<10240x16xf32, #tpu.memory_space<vmem_shared>>, %arg10: memref<!tpu.dma_semaphore, #tpu.memory_space<semaphore_mem>>) attributes {dimension_semantics = [#tpu.dimension_semantics<core_parallel>, #tpu.dimension_semantics<subcore_parallel>], iteration_bounds = array<i64: 2, 16>, scalar_prefetch = 0 : i64, scratch_operands = 5 : i64, tpu.core_type = #tpu.core_type<sc_vector_subcore>, window_params = [{transform_indices = #map}, {transform_indices = #map}, {transform_indices = #map}, {transform_indices = #map1}]} {
    %mul3A = arith.constant 2 : i32
    %mul3A_0 = arith.muli %arg1, %mul3A : i32
    %add3A = arith.addi %mul3A_0, %arg0 : i32
    %mul3A_1 = arith.constant 80 : i32
    %mul3A_2 = arith.muli %add3A, %mul3A_1 : i32
    "tpu.region"() ({
      %run_scoped3A = tpu.sem_alloc : memref<!tpu.dma_semaphore, #tpu.memory_space<semaphore_mem>>
      %dma_start3A = arith.constant 0 : i32
      %dma_start3A_15 = tpu.memref_slice %arg2[%mul3A_2, %dma_start3A] : memref<2560x128xi32, #tpu.memory_space<hbm>> -> memref<80x128xi32, #tpu.memory_space<hbm>>
      %dma_start3A_16 = arith.constant 0 : i32
      %dma_start3A_17 = tpu.memref_slice %arg2[%mul3A_2, %dma_start3A_16] : memref<2560x128xi32, #tpu.memory_space<hbm>> -> memref<80x128xi32, #tpu.memory_space<hbm>>
      tpu.enqueue_dma source(%dma_start3A_17 : memref<80x128xi32, #tpu.memory_space<hbm>>) target(%arg6 : memref<80x128xi32, #tpu.memory_space<vmem>>) target_semaphore(%run_scoped3A : memref<!tpu.dma_semaphore, #tpu.memory_space<semaphore_mem>>)
      %dma_wait3A = arith.constant 0 : i32
      %dma_wait3A_18 = tpu.memref_slice %arg2[%mul3A_2, %dma_wait3A] : memref<2560x128xi32, #tpu.memory_space<hbm>> -> memref<80x128xi32, #tpu.memory_space<hbm>>
      %dma_wait3A_19 = arith.constant 0 : i32
      %dma_wait3A_20 = tpu.memref_slice %arg2[%mul3A_2, %dma_wait3A_19] : memref<2560x128xi32, #tpu.memory_space<hbm>> -> memref<80x128xi32, #tpu.memory_space<hbm>>
      tpu.wait_dma2 semaphore(%run_scoped3A : memref<!tpu.dma_semaphore, #tpu.memory_space<semaphore_mem>>) src(%dma_wait3A_20 : memref<80x128xi32, #tpu.memory_space<hbm>>) dst(%arg6 : memref<80x128xi32, #tpu.memory_space<vmem>>)
      tpu.yield
    }) : () -> ()
    "tpu.region"() ({
      %run_scoped3A = tpu.sem_alloc : memref<!tpu.dma_semaphore, #tpu.memory_space<semaphore_mem>>
      tpu.enqueue_dma source(%arg3 : memref<640x16xf32, #tpu.memory_space<hbm>>) target(%arg7 : memref<640x16xf32, #tpu.memory_space<vmem>>) target_semaphore(%run_scoped3A : memref<!tpu.dma_semaphore, #tpu.memory_space<semaphore_mem>>)
      tpu.wait_dma2 semaphore(%run_scoped3A : memref<!tpu.dma_semaphore, #tpu.memory_space<semaphore_mem>>) src(%arg3 : memref<640x16xf32, #tpu.memory_space<hbm>>) dst(%arg7 : memref<640x16xf32, #tpu.memory_space<vmem>>)
      tpu.yield
    }) : () -> ()
    %mul3A_3 = arith.constant 640 : i32
    %mul3A_4 = arith.muli %arg1, %mul3A_3 : i32
    "tpu.region"() ({
      %run_scoped3A = tpu.sem_alloc : memref<!tpu.dma_semaphore, #tpu.memory_space<semaphore_mem>>
      %dma_start3A = arith.constant 0 : i32
      %dma_start3A_15 = tpu.memref_slice %arg9[%mul3A_4, %dma_start3A] : memref<10240x16xf32, #tpu.memory_space<vmem_shared>> -> memref<640x16xf32, #tpu.memory_space<vmem_shared>>
      %dma_start3A_16 = arith.constant 0 : i32
      %dma_start3A_17 = tpu.memref_slice %arg9[%mul3A_4, %dma_start3A_16] : memref<10240x16xf32, #tpu.memory_space<vmem_shared>> -> memref<640x16xf32, #tpu.memory_space<vmem_shared>>
      tpu.enqueue_dma source(%arg7 : memref<640x16xf32, #tpu.memory_space<vmem>>) target(%dma_start3A_17 : memref<640x16xf32, #tpu.memory_space<vmem_shared>>) target_semaphore(%run_scoped3A : memref<!tpu.dma_semaphore, #tpu.memory_space<semaphore_mem>>)
      %dma_wait3A = arith.constant 0 : i32
      %dma_wait3A_18 = tpu.memref_slice %arg9[%mul3A_4, %dma_wait3A] : memref<10240x16xf32, #tpu.memory_space<vmem_shared>> -> memref<640x16xf32, #tpu.memory_space<vmem_shared>>
      %dma_wait3A_19 = arith.constant 0 : i32
      %dma_wait3A_20 = tpu.memref_slice %arg9[%mul3A_4, %dma_wait3A_19] : memref<10240x16xf32, #tpu.memory_space<vmem_shared>> -> memref<640x16xf32, #tpu.memory_space<vmem_shared>>
      tpu.wait_dma2 semaphore(%run_scoped3A : memref<!tpu.dma_semaphore, #tpu.memory_space<semaphore_mem>>) src(%arg7 : memref<640x16xf32, #tpu.memory_space<vmem>>) dst(%dma_wait3A_20 : memref<640x16xf32, #tpu.memory_space<vmem_shared>>)
      tpu.yield
    }) : () -> ()
    "tpu.region"() ({
      %run_scoped3A = tpu.sem_alloc : memref<!tpu.dma_semaphore, #tpu.memory_space<semaphore_mem>>
      tpu.enqueue_dma source(%arg4 : memref<128x16xf32, #tpu.memory_space<hbm>>) target(%arg8 : memref<128x16xf32, #tpu.memory_space<vmem>>) target_semaphore(%run_scoped3A : memref<!tpu.dma_semaphore, #tpu.memory_space<semaphore_mem>>)
      tpu.wait_dma2 semaphore(%run_scoped3A : memref<!tpu.dma_semaphore, #tpu.memory_space<semaphore_mem>>) src(%arg4 : memref<128x16xf32, #tpu.memory_space<hbm>>) dst(%arg8 : memref<128x16xf32, #tpu.memory_space<vmem>>)
      tpu.yield
    }) : () -> ()
    %barrier3A = arith.constant 0 : index
    tpu.barrier barrier_id(%barrier3A)
    %scan3A = arith.constant 0 : i32
    %scan3A_5 = arith.constant 0 : i32
    %scan3A_6 = arith.constant 20 : i32
    %scan3A_7 = arith.addi %scan3A_5, %scan3A_6 : i32
    %scan3A_8 = arith.constant 1 : i32
    scf.for %scan3A_15 = %scan3A_5 to %scan3A_7 step %scan3A_8  : i32 {
      %mul3A_16 = arith.constant 4 : i32
      %mul3A_17 = arith.muli %scan3A_15, %mul3A_16 : i32
      %add3A_18 = arith.constant 0 : i32
      %add3A_19 = arith.addi %mul3A_17, %add3A_18 : i32
      %dma_start3A = arith.constant 0 : i32
      %dma_start3A_20 = tpu.memref_slice %arg6[%add3A_19, %dma_start3A] : memref<80x128xi32, #tpu.memory_space<vmem>> -> memref<1x128xi32, #tpu.memory_space<vmem>>
      %dma_start3A_21 = tpu.memref_squeeze %dma_start3A_20 : memref<1x128xi32, #tpu.memory_space<vmem>> -> memref<128xi32, #tpu.memory_space<vmem>>
      %dma_start3A_22 = arith.constant 0 : i32
      %dma_start3A_23 = arith.constant 0 : i32
      %dma_start3A_24 = tpu.memref_slice %arg9[%dma_start3A_22, %dma_start3A_23] : memref<10240x16xf32, #tpu.memory_space<vmem_shared>> -> memref<10240x16xf32, #tpu.memory_space<vmem_shared>>
      tpu.enqueue_indirect_dma source(%arg8 : memref<128x16xf32, #tpu.memory_space<vmem>>) target(%dma_start3A_24 : memref<10240x16xf32, #tpu.memory_space<vmem_shared>>) offsets(%dma_start3A_21 : memref<128xi32, #tpu.memory_space<vmem>>) semaphore(%arg10 : memref<!tpu.dma_semaphore, #tpu.memory_space<semaphore_mem>>) {add = true}
      %mul3A_25 = arith.constant 4 : i32
      %mul3A_26 = arith.muli %scan3A_15, %mul3A_25 : i32
      %add3A_27 = arith.constant 1 : i32
      %add3A_28 = arith.addi %mul3A_26, %add3A_27 : i32
      %dma_start3A_29 = arith.constant 0 : i32
      %dma_start3A_30 = tpu.memref_slice %arg6[%add3A_28, %dma_start3A_29] : memref<80x128xi32, #tpu.memory_space<vmem>> -> memref<1x128xi32, #tpu.memory_space<vmem>>
      %dma_start3A_31 = tpu.memref_squeeze %dma_start3A_30 : memref<1x128xi32, #tpu.memory_space<vmem>> -> memref<128xi32, #tpu.memory_space<vmem>>
      %dma_start3A_32 = arith.constant 0 : i32
      %dma_start3A_33 = arith.constant 0 : i32
      %dma_start3A_34 = tpu.memref_slice %arg9[%dma_start3A_32, %dma_start3A_33] : memref<10240x16xf32, #tpu.memory_space<vmem_shared>> -> memref<10240x16xf32, #tpu.memory_space<vmem_shared>>
      tpu.enqueue_indirect_dma source(%arg8 : memref<128x16xf32, #tpu.memory_space<vmem>>) target(%dma_start3A_34 : memref<10240x16xf32, #tpu.memory_space<vmem_shared>>) offsets(%dma_start3A_31 : memref<128xi32, #tpu.memory_space<vmem>>) semaphore(%arg10 : memref<!tpu.dma_semaphore, #tpu.memory_space<semaphore_mem>>) {add = true}
      %mul3A_35 = arith.constant 4 : i32
      %mul3A_36 = arith.muli %scan3A_15, %mul3A_35 : i32
      %add3A_37 = arith.constant 2 : i32
      %add3A_38 = arith.addi %mul3A_36, %add3A_37 : i32
      %dma_start3A_39 = arith.constant 0 : i32
      %dma_start3A_40 = tpu.memref_slice %arg6[%add3A_38, %dma_start3A_39] : memref<80x128xi32, #tpu.memory_space<vmem>> -> memref<1x128xi32, #tpu.memory_space<vmem>>
      %dma_start3A_41 = tpu.memref_squeeze %dma_start3A_40 : memref<1x128xi32, #tpu.memory_space<vmem>> -> memref<128xi32, #tpu.memory_space<vmem>>
      %dma_start3A_42 = arith.constant 0 : i32
      %dma_start3A_43 = arith.constant 0 : i32
      %dma_start3A_44 = tpu.memref_slice %arg9[%dma_start3A_42, %dma_start3A_43] : memref<10240x16xf32, #tpu.memory_space<vmem_shared>> -> memref<10240x16xf32, #tpu.memory_space<vmem_shared>>
      tpu.enqueue_indirect_dma source(%arg8 : memref<128x16xf32, #tpu.memory_space<vmem>>) target(%dma_start3A_44 : memref<10240x16xf32, #tpu.memory_space<vmem_shared>>) offsets(%dma_start3A_41 : memref<128xi32, #tpu.memory_space<vmem>>) semaphore(%arg10 : memref<!tpu.dma_semaphore, #tpu.memory_space<semaphore_mem>>) {add = true}
      %mul3A_45 = arith.constant 4 : i32
      %mul3A_46 = arith.muli %scan3A_15, %mul3A_45 : i32
      %add3A_47 = arith.constant 3 : i32
      %add3A_48 = arith.addi %mul3A_46, %add3A_47 : i32
      %dma_start3A_49 = arith.constant 0 : i32
      %dma_start3A_50 = tpu.memref_slice %arg6[%add3A_48, %dma_start3A_49] : memref<80x128xi32, #tpu.memory_space<vmem>> -> memref<1x128xi32, #tpu.memory_space<vmem>>
      %dma_start3A_51 = tpu.memref_squeeze %dma_start3A_50 : memref<1x128xi32, #tpu.memory_space<vmem>> -> memref<128xi32, #tpu.memory_space<vmem>>
      %dma_start3A_52 = arith.constant 0 : i32
      %dma_start3A_53 = arith.constant 0 : i32
      %dma_start3A_54 = tpu.memref_slice %arg9[%dma_start3A_52, %dma_start3A_53] : memref<10240x16xf32, #tpu.memory_space<vmem_shared>> -> memref<10240x16xf32, #tpu.memory_space<vmem_shared>>
      tpu.enqueue_indirect_dma source(%arg8 : memref<128x16xf32, #tpu.memory_space<vmem>>) target(%dma_start3A_54 : memref<10240x16xf32, #tpu.memory_space<vmem_shared>>) offsets(%dma_start3A_51 : memref<128xi32, #tpu.memory_space<vmem>>) semaphore(%arg10 : memref<!tpu.dma_semaphore, #tpu.memory_space<semaphore_mem>>) {add = true}
      %mul3A_55 = arith.constant 4 : i32
      %mul3A_56 = arith.muli %scan3A_15, %mul3A_55 : i32
      %add3A_57 = arith.constant 0 : i32
      %add3A_58 = arith.addi %mul3A_56, %add3A_57 : i32
      %dma_wait3A = arith.constant 0 : i32
      %dma_wait3A_59 = tpu.memref_slice %arg6[%add3A_58, %dma_wait3A] : memref<80x128xi32, #tpu.memory_space<vmem>> -> memref<1x128xi32, #tpu.memory_space<vmem>>
      %dma_wait3A_60 = tpu.memref_squeeze %dma_wait3A_59 : memref<1x128xi32, #tpu.memory_space<vmem>> -> memref<128xi32, #tpu.memory_space<vmem>>
      %dma_wait3A_61 = arith.constant 0 : i32
      %dma_wait3A_62 = arith.constant 0 : i32
      %dma_wait3A_63 = tpu.memref_slice %arg9[%dma_wait3A_61, %dma_wait3A_62] : memref<10240x16xf32, #tpu.memory_space<vmem_shared>> -> memref<10240x16xf32, #tpu.memory_space<vmem_shared>>
      tpu.wait_indirect_dma semaphore(%arg10 : memref<!tpu.dma_semaphore, #tpu.memory_space<semaphore_mem>>) src(%arg8 : memref<128x16xf32, #tpu.memory_space<vmem>>) dst(%dma_wait3A_63 : memref<10240x16xf32, #tpu.memory_space<vmem_shared>>)
      %mul3A_64 = arith.constant 4 : i32
      %mul3A_65 = arith.muli %scan3A_15, %mul3A_64 : i32
      %add3A_66 = arith.constant 1 : i32
      %add3A_67 = arith.addi %mul3A_65, %add3A_66 : i32
      %dma_wait3A_68 = arith.constant 0 : i32
      %dma_wait3A_69 = tpu.memref_slice %arg6[%add3A_67, %dma_wait3A_68] : memref<80x128xi32, #tpu.memory_space<vmem>> -> memref<1x128xi32, #tpu.memory_space<vmem>>
      %dma_wait3A_70 = tpu.memref_squeeze %dma_wait3A_69 : memref<1x128xi32, #tpu.memory_space<vmem>> -> memref<128xi32, #tpu.memory_space<vmem>>
      %dma_wait3A_71 = arith.constant 0 : i32
      %dma_wait3A_72 = arith.constant 0 : i32
      %dma_wait3A_73 = tpu.memref_slice %arg9[%dma_wait3A_71, %dma_wait3A_72] : memref<10240x16xf32, #tpu.memory_space<vmem_shared>> -> memref<10240x16xf32, #tpu.memory_space<vmem_shared>>
      tpu.wait_indirect_dma semaphore(%arg10 : memref<!tpu.dma_semaphore, #tpu.memory_space<semaphore_mem>>) src(%arg8 : memref<128x16xf32, #tpu.memory_space<vmem>>) dst(%dma_wait3A_73 : memref<10240x16xf32, #tpu.memory_space<vmem_shared>>)
      %mul3A_74 = arith.constant 4 : i32
      %mul3A_75 = arith.muli %scan3A_15, %mul3A_74 : i32
      %add3A_76 = arith.constant 2 : i32
      %add3A_77 = arith.addi %mul3A_75, %add3A_76 : i32
      %dma_wait3A_78 = arith.constant 0 : i32
      %dma_wait3A_79 = tpu.memref_slice %arg6[%add3A_77, %dma_wait3A_78] : memref<80x128xi32, #tpu.memory_space<vmem>> -> memref<1x128xi32, #tpu.memory_space<vmem>>
      %dma_wait3A_80 = tpu.memref_squeeze %dma_wait3A_79 : memref<1x128xi32, #tpu.memory_space<vmem>> -> memref<128xi32, #tpu.memory_space<vmem>>
      %dma_wait3A_81 = arith.constant 0 : i32
      %dma_wait3A_82 = arith.constant 0 : i32
      %dma_wait3A_83 = tpu.memref_slice %arg9[%dma_wait3A_81, %dma_wait3A_82] : memref<10240x16xf32, #tpu.memory_space<vmem_shared>> -> memref<10240x16xf32, #tpu.memory_space<vmem_shared>>
      tpu.wait_indirect_dma semaphore(%arg10 : memref<!tpu.dma_semaphore, #tpu.memory_space<semaphore_mem>>) src(%arg8 : memref<128x16xf32, #tpu.memory_space<vmem>>) dst(%dma_wait3A_83 : memref<10240x16xf32, #tpu.memory_space<vmem_shared>>)
      %mul3A_84 = arith.constant 4 : i32
      %mul3A_85 = arith.muli %scan3A_15, %mul3A_84 : i32
      %add3A_86 = arith.constant 3 : i32
      %add3A_87 = arith.addi %mul3A_85, %add3A_86 : i32
      %dma_wait3A_88 = arith.constant 0 : i32
      %dma_wait3A_89 = tpu.memref_slice %arg6[%add3A_87, %dma_wait3A_88] : memref<80x128xi32, #tpu.memory_space<vmem>> -> memref<1x128xi32, #tpu.memory_space<vmem>>
      %dma_wait3A_90 = tpu.memref_squeeze %dma_wait3A_89 : memref<1x128xi32, #tpu.memory_space<vmem>> -> memref<128xi32, #tpu.memory_space<vmem>>
      %dma_wait3A_91 = arith.constant 0 : i32
      %dma_wait3A_92 = arith.constant 0 : i32
      %dma_wait3A_93 = tpu.memref_slice %arg9[%dma_wait3A_91, %dma_wait3A_92] : memref<10240x16xf32, #tpu.memory_space<vmem_shared>> -> memref<10240x16xf32, #tpu.memory_space<vmem_shared>>
      tpu.wait_indirect_dma semaphore(%arg10 : memref<!tpu.dma_semaphore, #tpu.memory_space<semaphore_mem>>) src(%arg8 : memref<128x16xf32, #tpu.memory_space<vmem>>) dst(%dma_wait3A_93 : memref<10240x16xf32, #tpu.memory_space<vmem_shared>>)
    }
    %scan3A_9 = arith.constant 20 : i32
    %barrier3A_10 = arith.constant 0 : index
    tpu.barrier barrier_id(%barrier3A_10)
    %mul3A_11 = arith.constant 640 : i32
    %mul3A_12 = arith.muli %arg1, %mul3A_11 : i32
    "tpu.region"() ({
      %run_scoped3A = tpu.sem_alloc : memref<!tpu.dma_semaphore, #tpu.memory_space<semaphore_mem>>
      %dma_start3A = arith.constant 0 : i32
      %dma_start3A_15 = tpu.memref_slice %arg9[%mul3A_12, %dma_start3A] : memref<10240x16xf32, #tpu.memory_space<vmem_shared>> -> memref<640x16xf32, #tpu.memory_space<vmem_shared>>
      %dma_start3A_16 = arith.constant 0 : i32
      %dma_start3A_17 = tpu.memref_slice %arg9[%mul3A_12, %dma_start3A_16] : memref<10240x16xf32, #tpu.memory_space<vmem_shared>> -> memref<640x16xf32, #tpu.memory_space<vmem_shared>>
      tpu.enqueue_dma source(%dma_start3A_17 : memref<640x16xf32, #tpu.memory_space<vmem_shared>>) target(%arg7 : memref<640x16xf32, #tpu.memory_space<vmem>>) target_semaphore(%run_scoped3A : memref<!tpu.dma_semaphore, #tpu.memory_space<semaphore_mem>>)
      %dma_wait3A = arith.constant 0 : i32
      %dma_wait3A_18 = tpu.memref_slice %arg9[%mul3A_12, %dma_wait3A] : memref<10240x16xf32, #tpu.memory_space<vmem_shared>> -> memref<640x16xf32, #tpu.memory_space<vmem_shared>>
      %dma_wait3A_19 = arith.constant 0 : i32
      %dma_wait3A_20 = tpu.memref_slice %arg9[%mul3A_12, %dma_wait3A_19] : memref<10240x16xf32, #tpu.memory_space<vmem_shared>> -> memref<640x16xf32, #tpu.memory_space<vmem_shared>>
      tpu.wait_dma2 semaphore(%run_scoped3A : memref<!tpu.dma_semaphore, #tpu.memory_space<semaphore_mem>>) src(%dma_wait3A_20 : memref<640x16xf32, #tpu.memory_space<vmem_shared>>) dst(%arg7 : memref<640x16xf32, #tpu.memory_space<vmem>>)
      tpu.yield
    }) : () -> ()
    %mul3A_13 = arith.constant 640 : i32
    %mul3A_14 = arith.muli %arg1, %mul3A_13 : i32
    "tpu.region"() ({
      %run_scoped3A = tpu.sem_alloc : memref<!tpu.dma_semaphore, #tpu.memory_space<semaphore_mem>>
      %dma_start3A = arith.constant 0 : i32
      %dma_start3A_15 = arith.constant 0 : i32
      %dma_start3A_16 = tpu.memref_slice %arg5[%arg0, %dma_start3A, %dma_start3A_15] : memref<2x10240x16xf32, #tpu.memory_space<hbm>> -> memref<1x10240x16xf32, #tpu.memory_space<hbm>>
      %dma_start3A_17 = tpu.memref_squeeze %dma_start3A_16 : memref<1x10240x16xf32, #tpu.memory_space<hbm>> -> memref<10240x16xf32, #tpu.memory_space<hbm>>
      %dma_start3A_18 = arith.constant 0 : i32
      %dma_start3A_19 = tpu.memref_slice %dma_start3A_17[%mul3A_14, %dma_start3A_18] : memref<10240x16xf32, #tpu.memory_space<hbm>> -> memref<640x16xf32, #tpu.memory_space<hbm>>
      %dma_start3A_20 = arith.constant 0 : i32
      %dma_start3A_21 = arith.constant 0 : i32
      %dma_start3A_22 = tpu.memref_slice %arg5[%arg0, %dma_start3A_20, %dma_start3A_21] : memref<2x10240x16xf32, #tpu.memory_space<hbm>> -> memref<1x10240x16xf32, #tpu.memory_space<hbm>>
      %dma_start3A_23 = tpu.memref_squeeze %dma_start3A_22 : memref<1x10240x16xf32, #tpu.memory_space<hbm>> -> memref<10240x16xf32, #tpu.memory_space<hbm>>
      %dma_start3A_24 = arith.constant 0 : i32
      %dma_start3A_25 = tpu.memref_slice %dma_start3A_23[%mul3A_14, %dma_start3A_24] : memref<10240x16xf32, #tpu.memory_space<hbm>> -> memref<640x16xf32, #tpu.memory_space<hbm>>
      tpu.enqueue_dma source(%arg7 : memref<640x16xf32, #tpu.memory_space<vmem>>) target(%dma_start3A_25 : memref<640x16xf32, #tpu.memory_space<hbm>>) target_semaphore(%run_scoped3A : memref<!tpu.dma_semaphore, #tpu.memory_space<semaphore_mem>>)
      %dma_wait3A = arith.constant 0 : i32
      %dma_wait3A_26 = arith.constant 0 : i32
      %dma_wait3A_27 = tpu.memref_slice %arg5[%arg0, %dma_wait3A, %dma_wait3A_26] : memref<2x10240x16xf32, #tpu.memory_space<hbm>> -> memref<1x10240x16xf32, #tpu.memory_space<hbm>>
      %dma_wait3A_28 = tpu.memref_squeeze %dma_wait3A_27 : memref<1x10240x16xf32, #tpu.memory_space<hbm>> -> memref<10240x16xf32, #tpu.memory_space<hbm>>
      %dma_wait3A_29 = arith.constant 0 : i32
      %dma_wait3A_30 = tpu.memref_slice %dma_wait3A_28[%mul3A_14, %dma_wait3A_29] : memref<10240x16xf32, #tpu.memory_space<hbm>> -> memref<640x16xf32, #tpu.memory_space<hbm>>
      %dma_wait3A_31 = arith.constant 0 : i32
      %dma_wait3A_32 = arith.constant 0 : i32
      %dma_wait3A_33 = tpu.memref_slice %arg5[%arg0, %dma_wait3A_31, %dma_wait3A_32] : memref<2x10240x16xf32, #tpu.memory_space<hbm>> -> memref<1x10240x16xf32, #tpu.memory_space<hbm>>
      %dma_wait3A_34 = tpu.memref_squeeze %dma_wait3A_33 : memref<1x10240x16xf32, #tpu.memory_space<hbm>> -> memref<10240x16xf32, #tpu.memory_space<hbm>>
      %dma_wait3A_35 = arith.constant 0 : i32
      %dma_wait3A_36 = tpu.memref_slice %dma_wait3A_34[%mul3A_14, %dma_wait3A_35] : memref<10240x16xf32, #tpu.memory_space<hbm>> -> memref<640x16xf32, #tpu.memory_space<hbm>>
      tpu.wait_dma2 semaphore(%run_scoped3A : memref<!tpu.dma_semaphore, #tpu.memory_space<semaphore_mem>>) src(%arg7 : memref<640x16xf32, #tpu.memory_space<vmem>>) dst(%dma_wait3A_36 : memref<640x16xf32, #tpu.memory_space<hbm>>)
      tpu.yield
    }) : () -> ()
    return
  }
}

#map = affine_map<(d0, d1) -> (0, 0)>
#map1 = affine_map<(d0, d1) -> (0, 0, 0)>
module attributes {stable_mosaic.version = 14 : i64} {
  func.func @body(%arg0: i32, %arg1: i32, %arg2: memref<20000x64xf32, #tpu.memory_space<hbm>>, %arg3: memref<2x2560x128xi32, #tpu.memory_space<hbm>>, %arg4: memref<2560x128xi32, #tpu.memory_space<hbm>>, %arg5: memref<128x64xf32, #tpu.memory_space<hbm>>, %arg6: memref<2x10240x64xf32, #tpu.memory_space<hbm>>, %arg7: memref<160x128xi32, #tpu.memory_space<vmem>>, %arg8: memref<160x128xi32, #tpu.memory_space<vmem>>, %arg9: memref<128x64xf32, #tpu.memory_space<vmem>>, %arg10: memref<128x64xf32, #tpu.memory_space<vmem>>, %arg11: memref<128x64xf32, #tpu.memory_space<vmem>>, %arg12: memref<128x64xf32, #tpu.memory_space<vmem>>, %arg13: memref<128x64xf32, #tpu.memory_space<vmem>>, %arg14: memref<10240x64xf32, #tpu.memory_space<vmem_shared>>, %arg15: memref<!tpu.dma_semaphore, #tpu.memory_space<semaphore_mem>>, %arg16: memref<!tpu.dma_semaphore, #tpu.memory_space<semaphore_mem>>, %arg17: memref<!tpu.dma_semaphore, #tpu.memory_space<semaphore_mem>>, %arg18: memref<!tpu.dma_semaphore, #tpu.memory_space<semaphore_mem>>, %arg19: memref<!tpu.dma_semaphore, #tpu.memory_space<semaphore_mem>>, %arg20: memref<!tpu.dma_semaphore, #tpu.memory_space<semaphore_mem>>, %arg21: memref<!tpu.dma_semaphore, #tpu.memory_space<semaphore_mem>>, %arg22: memref<!tpu.dma_semaphore, #tpu.memory_space<semaphore_mem>>, %arg23: memref<!tpu.dma_semaphore, #tpu.memory_space<semaphore_mem>>, %arg24: memref<!tpu.dma_semaphore, #tpu.memory_space<semaphore_mem>>) attributes {dimension_semantics = [#tpu.dimension_semantics<core_parallel>, #tpu.dimension_semantics<subcore_parallel>], iteration_bounds = array<i64: 2, 16>, scalar_prefetch = 0 : i64, scratch_operands = 18 : i64, tpu.core_type = #tpu.core_type<sc_vector_subcore>, window_params = [{transform_indices = #map}, {transform_indices = #map1}, {transform_indices = #map}, {transform_indices = #map}, {transform_indices = #map1}]} {
    %mul3A = arith.constant 160 : i32
    %mul3A_0 = arith.muli %arg1, %mul3A : i32
    "tpu.region"() ({
      %run_scoped3A = tpu.sem_alloc : memref<!tpu.dma_semaphore, #tpu.memory_space<semaphore_mem>>
      %dma_start3A_81 = arith.constant 0 : i32
      %dma_start3A_82 = arith.constant 0 : i32
      %dma_start3A_83 = tpu.memref_slice %arg3[%arg0, %dma_start3A_81, %dma_start3A_82] : memref<2x2560x128xi32, #tpu.memory_space<hbm>> -> memref<1x2560x128xi32, #tpu.memory_space<hbm>>
      %dma_start3A_84 = tpu.memref_squeeze %dma_start3A_83 : memref<1x2560x128xi32, #tpu.memory_space<hbm>> -> memref<2560x128xi32, #tpu.memory_space<hbm>>
      %dma_start3A_85 = arith.constant 0 : i32
      %dma_start3A_86 = tpu.memref_slice %dma_start3A_84[%mul3A_0, %dma_start3A_85] : memref<2560x128xi32, #tpu.memory_space<hbm>> -> memref<160x128xi32, #tpu.memory_space<hbm>>
      %dma_start3A_87 = arith.constant 0 : i32
      %dma_start3A_88 = arith.constant 0 : i32
      %dma_start3A_89 = tpu.memref_slice %arg3[%arg0, %dma_start3A_87, %dma_start3A_88] : memref<2x2560x128xi32, #tpu.memory_space<hbm>> -> memref<1x2560x128xi32, #tpu.memory_space<hbm>>
      %dma_start3A_90 = tpu.memref_squeeze %dma_start3A_89 : memref<1x2560x128xi32, #tpu.memory_space<hbm>> -> memref<2560x128xi32, #tpu.memory_space<hbm>>
      %dma_start3A_91 = arith.constant 0 : i32
      %dma_start3A_92 = tpu.memref_slice %dma_start3A_90[%mul3A_0, %dma_start3A_91] : memref<2560x128xi32, #tpu.memory_space<hbm>> -> memref<160x128xi32, #tpu.memory_space<hbm>>
      tpu.enqueue_dma source(%dma_start3A_92 : memref<160x128xi32, #tpu.memory_space<hbm>>) target(%arg7 : memref<160x128xi32, #tpu.memory_space<vmem>>) target_semaphore(%run_scoped3A : memref<!tpu.dma_semaphore, #tpu.memory_space<semaphore_mem>>)
      %dma_wait3A_93 = arith.constant 0 : i32
      %dma_wait3A_94 = arith.constant 0 : i32
      %dma_wait3A_95 = tpu.memref_slice %arg3[%arg0, %dma_wait3A_93, %dma_wait3A_94] : memref<2x2560x128xi32, #tpu.memory_space<hbm>> -> memref<1x2560x128xi32, #tpu.memory_space<hbm>>
      %dma_wait3A_96 = tpu.memref_squeeze %dma_wait3A_95 : memref<1x2560x128xi32, #tpu.memory_space<hbm>> -> memref<2560x128xi32, #tpu.memory_space<hbm>>
      %dma_wait3A_97 = arith.constant 0 : i32
      %dma_wait3A_98 = tpu.memref_slice %dma_wait3A_96[%mul3A_0, %dma_wait3A_97] : memref<2560x128xi32, #tpu.memory_space<hbm>> -> memref<160x128xi32, #tpu.memory_space<hbm>>
      %dma_wait3A_99 = arith.constant 0 : i32
      %dma_wait3A_100 = arith.constant 0 : i32
      %dma_wait3A_101 = tpu.memref_slice %arg3[%arg0, %dma_wait3A_99, %dma_wait3A_100] : memref<2x2560x128xi32, #tpu.memory_space<hbm>> -> memref<1x2560x128xi32, #tpu.memory_space<hbm>>
      %dma_wait3A_102 = tpu.memref_squeeze %dma_wait3A_101 : memref<1x2560x128xi32, #tpu.memory_space<hbm>> -> memref<2560x128xi32, #tpu.memory_space<hbm>>
      %dma_wait3A_103 = arith.constant 0 : i32
      %dma_wait3A_104 = tpu.memref_slice %dma_wait3A_102[%mul3A_0, %dma_wait3A_103] : memref<2560x128xi32, #tpu.memory_space<hbm>> -> memref<160x128xi32, #tpu.memory_space<hbm>>
      tpu.wait_dma2 semaphore(%run_scoped3A : memref<!tpu.dma_semaphore, #tpu.memory_space<semaphore_mem>>) src(%dma_wait3A_104 : memref<160x128xi32, #tpu.memory_space<hbm>>) dst(%arg7 : memref<160x128xi32, #tpu.memory_space<vmem>>)
      tpu.yield
    }) : () -> ()
    %mul3A_1 = arith.constant 160 : i32
    %mul3A_2 = arith.muli %arg1, %mul3A_1 : i32
    "tpu.region"() ({
      %run_scoped3A = tpu.sem_alloc : memref<!tpu.dma_semaphore, #tpu.memory_space<semaphore_mem>>
      %dma_start3A_81 = arith.constant 0 : i32
      %dma_start3A_82 = tpu.memref_slice %arg4[%mul3A_2, %dma_start3A_81] : memref<2560x128xi32, #tpu.memory_space<hbm>> -> memref<160x128xi32, #tpu.memory_space<hbm>>
      %dma_start3A_83 = arith.constant 0 : i32
      %dma_start3A_84 = tpu.memref_slice %arg4[%mul3A_2, %dma_start3A_83] : memref<2560x128xi32, #tpu.memory_space<hbm>> -> memref<160x128xi32, #tpu.memory_space<hbm>>
      tpu.enqueue_dma source(%dma_start3A_84 : memref<160x128xi32, #tpu.memory_space<hbm>>) target(%arg8 : memref<160x128xi32, #tpu.memory_space<vmem>>) target_semaphore(%run_scoped3A : memref<!tpu.dma_semaphore, #tpu.memory_space<semaphore_mem>>)
      %dma_wait3A_85 = arith.constant 0 : i32
      %dma_wait3A_86 = tpu.memref_slice %arg4[%mul3A_2, %dma_wait3A_85] : memref<2560x128xi32, #tpu.memory_space<hbm>> -> memref<160x128xi32, #tpu.memory_space<hbm>>
      %dma_wait3A_87 = arith.constant 0 : i32
      %dma_wait3A_88 = tpu.memref_slice %arg4[%mul3A_2, %dma_wait3A_87] : memref<2560x128xi32, #tpu.memory_space<hbm>> -> memref<160x128xi32, #tpu.memory_space<hbm>>
      tpu.wait_dma2 semaphore(%run_scoped3A : memref<!tpu.dma_semaphore, #tpu.memory_space<semaphore_mem>>) src(%dma_wait3A_88 : memref<160x128xi32, #tpu.memory_space<hbm>>) dst(%arg8 : memref<160x128xi32, #tpu.memory_space<vmem>>)
      tpu.yield
    }) : () -> ()
    "tpu.region"() ({
      %run_scoped3A = tpu.sem_alloc : memref<!tpu.dma_semaphore, #tpu.memory_space<semaphore_mem>>
      tpu.enqueue_dma source(%arg5 : memref<128x64xf32, #tpu.memory_space<hbm>>) target(%arg9 : memref<128x64xf32, #tpu.memory_space<vmem>>) target_semaphore(%run_scoped3A : memref<!tpu.dma_semaphore, #tpu.memory_space<semaphore_mem>>)
      tpu.wait_dma2 semaphore(%run_scoped3A : memref<!tpu.dma_semaphore, #tpu.memory_space<semaphore_mem>>) src(%arg5 : memref<128x64xf32, #tpu.memory_space<hbm>>) dst(%arg9 : memref<128x64xf32, #tpu.memory_space<vmem>>)
      tpu.yield
    }) : () -> ()
    %mul3A_3 = arith.constant 640 : i32
    %mul3A_4 = arith.muli %arg1, %mul3A_3 : i32
    %add3A = arith.constant 0 : i32
    %add3A_5 = arith.addi %mul3A_4, %add3A : i32
    "tpu.region"() ({
      %run_scoped3A = tpu.sem_alloc : memref<!tpu.dma_semaphore, #tpu.memory_space<semaphore_mem>>
      %dma_start3A_81 = arith.constant 0 : i32
      %dma_start3A_82 = tpu.memref_slice %arg14[%add3A_5, %dma_start3A_81] : memref<10240x64xf32, #tpu.memory_space<vmem_shared>> -> memref<128x64xf32, #tpu.memory_space<vmem_shared>>
      %dma_start3A_83 = arith.constant 0 : i32
      %dma_start3A_84 = tpu.memref_slice %arg14[%add3A_5, %dma_start3A_83] : memref<10240x64xf32, #tpu.memory_space<vmem_shared>> -> memref<128x64xf32, #tpu.memory_space<vmem_shared>>
      tpu.enqueue_dma source(%arg9 : memref<128x64xf32, #tpu.memory_space<vmem>>) target(%dma_start3A_84 : memref<128x64xf32, #tpu.memory_space<vmem_shared>>) target_semaphore(%run_scoped3A : memref<!tpu.dma_semaphore, #tpu.memory_space<semaphore_mem>>)
      %dma_wait3A_85 = arith.constant 0 : i32
      %dma_wait3A_86 = tpu.memref_slice %arg14[%add3A_5, %dma_wait3A_85] : memref<10240x64xf32, #tpu.memory_space<vmem_shared>> -> memref<128x64xf32, #tpu.memory_space<vmem_shared>>
      %dma_wait3A_87 = arith.constant 0 : i32
      %dma_wait3A_88 = tpu.memref_slice %arg14[%add3A_5, %dma_wait3A_87] : memref<10240x64xf32, #tpu.memory_space<vmem_shared>> -> memref<128x64xf32, #tpu.memory_space<vmem_shared>>
      tpu.wait_dma2 semaphore(%run_scoped3A : memref<!tpu.dma_semaphore, #tpu.memory_space<semaphore_mem>>) src(%arg9 : memref<128x64xf32, #tpu.memory_space<vmem>>) dst(%dma_wait3A_88 : memref<128x64xf32, #tpu.memory_space<vmem_shared>>)
      tpu.yield
    }) : () -> ()
    %mul3A_6 = arith.constant 640 : i32
    %mul3A_7 = arith.muli %arg1, %mul3A_6 : i32
    %add3A_8 = arith.constant 128 : i32
    %add3A_9 = arith.addi %mul3A_7, %add3A_8 : i32
    "tpu.region"() ({
      %run_scoped3A = tpu.sem_alloc : memref<!tpu.dma_semaphore, #tpu.memory_space<semaphore_mem>>
      %dma_start3A_81 = arith.constant 0 : i32
      %dma_start3A_82 = tpu.memref_slice %arg14[%add3A_9, %dma_start3A_81] : memref<10240x64xf32, #tpu.memory_space<vmem_shared>> -> memref<128x64xf32, #tpu.memory_space<vmem_shared>>
      %dma_start3A_83 = arith.constant 0 : i32
      %dma_start3A_84 = tpu.memref_slice %arg14[%add3A_9, %dma_start3A_83] : memref<10240x64xf32, #tpu.memory_space<vmem_shared>> -> memref<128x64xf32, #tpu.memory_space<vmem_shared>>
      tpu.enqueue_dma source(%arg9 : memref<128x64xf32, #tpu.memory_space<vmem>>) target(%dma_start3A_84 : memref<128x64xf32, #tpu.memory_space<vmem_shared>>) target_semaphore(%run_scoped3A : memref<!tpu.dma_semaphore, #tpu.memory_space<semaphore_mem>>)
      %dma_wait3A_85 = arith.constant 0 : i32
      %dma_wait3A_86 = tpu.memref_slice %arg14[%add3A_9, %dma_wait3A_85] : memref<10240x64xf32, #tpu.memory_space<vmem_shared>> -> memref<128x64xf32, #tpu.memory_space<vmem_shared>>
      %dma_wait3A_87 = arith.constant 0 : i32
      %dma_wait3A_88 = tpu.memref_slice %arg14[%add3A_9, %dma_wait3A_87] : memref<10240x64xf32, #tpu.memory_space<vmem_shared>> -> memref<128x64xf32, #tpu.memory_space<vmem_shared>>
      tpu.wait_dma2 semaphore(%run_scoped3A : memref<!tpu.dma_semaphore, #tpu.memory_space<semaphore_mem>>) src(%arg9 : memref<128x64xf32, #tpu.memory_space<vmem>>) dst(%dma_wait3A_88 : memref<128x64xf32, #tpu.memory_space<vmem_shared>>)
      tpu.yield
    }) : () -> ()
    %mul3A_10 = arith.constant 640 : i32
    %mul3A_11 = arith.muli %arg1, %mul3A_10 : i32
    %add3A_12 = arith.constant 256 : i32
    %add3A_13 = arith.addi %mul3A_11, %add3A_12 : i32
    "tpu.region"() ({
      %run_scoped3A = tpu.sem_alloc : memref<!tpu.dma_semaphore, #tpu.memory_space<semaphore_mem>>
      %dma_start3A_81 = arith.constant 0 : i32
      %dma_start3A_82 = tpu.memref_slice %arg14[%add3A_13, %dma_start3A_81] : memref<10240x64xf32, #tpu.memory_space<vmem_shared>> -> memref<128x64xf32, #tpu.memory_space<vmem_shared>>
      %dma_start3A_83 = arith.constant 0 : i32
      %dma_start3A_84 = tpu.memref_slice %arg14[%add3A_13, %dma_start3A_83] : memref<10240x64xf32, #tpu.memory_space<vmem_shared>> -> memref<128x64xf32, #tpu.memory_space<vmem_shared>>
      tpu.enqueue_dma source(%arg9 : memref<128x64xf32, #tpu.memory_space<vmem>>) target(%dma_start3A_84 : memref<128x64xf32, #tpu.memory_space<vmem_shared>>) target_semaphore(%run_scoped3A : memref<!tpu.dma_semaphore, #tpu.memory_space<semaphore_mem>>)
      %dma_wait3A_85 = arith.constant 0 : i32
      %dma_wait3A_86 = tpu.memref_slice %arg14[%add3A_13, %dma_wait3A_85] : memref<10240x64xf32, #tpu.memory_space<vmem_shared>> -> memref<128x64xf32, #tpu.memory_space<vmem_shared>>
      %dma_wait3A_87 = arith.constant 0 : i32
      %dma_wait3A_88 = tpu.memref_slice %arg14[%add3A_13, %dma_wait3A_87] : memref<10240x64xf32, #tpu.memory_space<vmem_shared>> -> memref<128x64xf32, #tpu.memory_space<vmem_shared>>
      tpu.wait_dma2 semaphore(%run_scoped3A : memref<!tpu.dma_semaphore, #tpu.memory_space<semaphore_mem>>) src(%arg9 : memref<128x64xf32, #tpu.memory_space<vmem>>) dst(%dma_wait3A_88 : memref<128x64xf32, #tpu.memory_space<vmem_shared>>)
      tpu.yield
    }) : () -> ()
    %mul3A_14 = arith.constant 640 : i32
    %mul3A_15 = arith.muli %arg1, %mul3A_14 : i32
    %add3A_16 = arith.constant 384 : i32
    %add3A_17 = arith.addi %mul3A_15, %add3A_16 : i32
    "tpu.region"() ({
      %run_scoped3A = tpu.sem_alloc : memref<!tpu.dma_semaphore, #tpu.memory_space<semaphore_mem>>
      %dma_start3A_81 = arith.constant 0 : i32
      %dma_start3A_82 = tpu.memref_slice %arg14[%add3A_17, %dma_start3A_81] : memref<10240x64xf32, #tpu.memory_space<vmem_shared>> -> memref<128x64xf32, #tpu.memory_space<vmem_shared>>
      %dma_start3A_83 = arith.constant 0 : i32
      %dma_start3A_84 = tpu.memref_slice %arg14[%add3A_17, %dma_start3A_83] : memref<10240x64xf32, #tpu.memory_space<vmem_shared>> -> memref<128x64xf32, #tpu.memory_space<vmem_shared>>
      tpu.enqueue_dma source(%arg9 : memref<128x64xf32, #tpu.memory_space<vmem>>) target(%dma_start3A_84 : memref<128x64xf32, #tpu.memory_space<vmem_shared>>) target_semaphore(%run_scoped3A : memref<!tpu.dma_semaphore, #tpu.memory_space<semaphore_mem>>)
      %dma_wait3A_85 = arith.constant 0 : i32
      %dma_wait3A_86 = tpu.memref_slice %arg14[%add3A_17, %dma_wait3A_85] : memref<10240x64xf32, #tpu.memory_space<vmem_shared>> -> memref<128x64xf32, #tpu.memory_space<vmem_shared>>
      %dma_wait3A_87 = arith.constant 0 : i32
      %dma_wait3A_88 = tpu.memref_slice %arg14[%add3A_17, %dma_wait3A_87] : memref<10240x64xf32, #tpu.memory_space<vmem_shared>> -> memref<128x64xf32, #tpu.memory_space<vmem_shared>>
      tpu.wait_dma2 semaphore(%run_scoped3A : memref<!tpu.dma_semaphore, #tpu.memory_space<semaphore_mem>>) src(%arg9 : memref<128x64xf32, #tpu.memory_space<vmem>>) dst(%dma_wait3A_88 : memref<128x64xf32, #tpu.memory_space<vmem_shared>>)
      tpu.yield
    }) : () -> ()
    %mul3A_18 = arith.constant 640 : i32
    %mul3A_19 = arith.muli %arg1, %mul3A_18 : i32
    %add3A_20 = arith.constant 512 : i32
    %add3A_21 = arith.addi %mul3A_19, %add3A_20 : i32
    "tpu.region"() ({
      %run_scoped3A = tpu.sem_alloc : memref<!tpu.dma_semaphore, #tpu.memory_space<semaphore_mem>>
      %dma_start3A_81 = arith.constant 0 : i32
      %dma_start3A_82 = tpu.memref_slice %arg14[%add3A_21, %dma_start3A_81] : memref<10240x64xf32, #tpu.memory_space<vmem_shared>> -> memref<128x64xf32, #tpu.memory_space<vmem_shared>>
      %dma_start3A_83 = arith.constant 0 : i32
      %dma_start3A_84 = tpu.memref_slice %arg14[%add3A_21, %dma_start3A_83] : memref<10240x64xf32, #tpu.memory_space<vmem_shared>> -> memref<128x64xf32, #tpu.memory_space<vmem_shared>>
      tpu.enqueue_dma source(%arg9 : memref<128x64xf32, #tpu.memory_space<vmem>>) target(%dma_start3A_84 : memref<128x64xf32, #tpu.memory_space<vmem_shared>>) target_semaphore(%run_scoped3A : memref<!tpu.dma_semaphore, #tpu.memory_space<semaphore_mem>>)
      %dma_wait3A_85 = arith.constant 0 : i32
      %dma_wait3A_86 = tpu.memref_slice %arg14[%add3A_21, %dma_wait3A_85] : memref<10240x64xf32, #tpu.memory_space<vmem_shared>> -> memref<128x64xf32, #tpu.memory_space<vmem_shared>>
      %dma_wait3A_87 = arith.constant 0 : i32
      %dma_wait3A_88 = tpu.memref_slice %arg14[%add3A_21, %dma_wait3A_87] : memref<10240x64xf32, #tpu.memory_space<vmem_shared>> -> memref<128x64xf32, #tpu.memory_space<vmem_shared>>
      tpu.wait_dma2 semaphore(%run_scoped3A : memref<!tpu.dma_semaphore, #tpu.memory_space<semaphore_mem>>) src(%arg9 : memref<128x64xf32, #tpu.memory_space<vmem>>) dst(%dma_wait3A_88 : memref<128x64xf32, #tpu.memory_space<vmem_shared>>)
      tpu.yield
    }) : () -> ()
    %barrier3A = arith.constant 0 : index
    tpu.barrier barrier_id(%barrier3A)
    %dma_start3A = arith.constant 0 : i32
    %dma_start3A_22 = arith.constant 0 : i32
    %dma_start3A_23 = tpu.memref_slice %arg7[%dma_start3A, %dma_start3A_22] : memref<160x128xi32, #tpu.memory_space<vmem>> -> memref<1x128xi32, #tpu.memory_space<vmem>>
    %dma_start3A_24 = tpu.memref_squeeze %dma_start3A_23 : memref<1x128xi32, #tpu.memory_space<vmem>> -> memref<128xi32, #tpu.memory_space<vmem>>
    %dma_start3A_25 = arith.constant 0 : i32
    %dma_start3A_26 = arith.constant 0 : i32
    %dma_start3A_27 = tpu.memref_slice %arg2[%dma_start3A_25, %dma_start3A_26] : memref<20000x64xf32, #tpu.memory_space<hbm>> -> memref<20000x64xf32, #tpu.memory_space<hbm>>
    tpu.enqueue_indirect_dma source(%dma_start3A_27 : memref<20000x64xf32, #tpu.memory_space<hbm>>) target(%arg9 : memref<128x64xf32, #tpu.memory_space<vmem>>) offsets(%dma_start3A_24 : memref<128xi32, #tpu.memory_space<vmem>>) semaphore(%arg15 : memref<!tpu.dma_semaphore, #tpu.memory_space<semaphore_mem>>)
    %dma_start3A_28 = arith.constant 1 : i32
    %dma_start3A_29 = arith.constant 0 : i32
    %dma_start3A_30 = tpu.memref_slice %arg7[%dma_start3A_28, %dma_start3A_29] : memref<160x128xi32, #tpu.memory_space<vmem>> -> memref<1x128xi32, #tpu.memory_space<vmem>>
    %dma_start3A_31 = tpu.memref_squeeze %dma_start3A_30 : memref<1x128xi32, #tpu.memory_space<vmem>> -> memref<128xi32, #tpu.memory_space<vmem>>
    %dma_start3A_32 = arith.constant 0 : i32
    %dma_start3A_33 = arith.constant 0 : i32
    %dma_start3A_34 = tpu.memref_slice %arg2[%dma_start3A_32, %dma_start3A_33] : memref<20000x64xf32, #tpu.memory_space<hbm>> -> memref<20000x64xf32, #tpu.memory_space<hbm>>
    tpu.enqueue_indirect_dma source(%dma_start3A_34 : memref<20000x64xf32, #tpu.memory_space<hbm>>) target(%arg10 : memref<128x64xf32, #tpu.memory_space<vmem>>) offsets(%dma_start3A_31 : memref<128xi32, #tpu.memory_space<vmem>>) semaphore(%arg16 : memref<!tpu.dma_semaphore, #tpu.memory_space<semaphore_mem>>)
    %dma_start3A_35 = arith.constant 2 : i32
    %dma_start3A_36 = arith.constant 0 : i32
    %dma_start3A_37 = tpu.memref_slice %arg7[%dma_start3A_35, %dma_start3A_36] : memref<160x128xi32, #tpu.memory_space<vmem>> -> memref<1x128xi32, #tpu.memory_space<vmem>>
    %dma_start3A_38 = tpu.memref_squeeze %dma_start3A_37 : memref<1x128xi32, #tpu.memory_space<vmem>> -> memref<128xi32, #tpu.memory_space<vmem>>
    %dma_start3A_39 = arith.constant 0 : i32
    %dma_start3A_40 = arith.constant 0 : i32
    %dma_start3A_41 = tpu.memref_slice %arg2[%dma_start3A_39, %dma_start3A_40] : memref<20000x64xf32, #tpu.memory_space<hbm>> -> memref<20000x64xf32, #tpu.memory_space<hbm>>
    tpu.enqueue_indirect_dma source(%dma_start3A_41 : memref<20000x64xf32, #tpu.memory_space<hbm>>) target(%arg11 : memref<128x64xf32, #tpu.memory_space<vmem>>) offsets(%dma_start3A_38 : memref<128xi32, #tpu.memory_space<vmem>>) semaphore(%arg17 : memref<!tpu.dma_semaphore, #tpu.memory_space<semaphore_mem>>)
    %scan3A = arith.constant 0 : i32
    %scan3A_42 = arith.constant 0 : i32
    %scan3A_43 = arith.constant 32 : i32
    %scan3A_44 = arith.addi %scan3A_42, %scan3A_43 : i32
    %scan3A_45 = arith.constant 1 : i32
    scf.for %scan3A_81 = %scan3A_42 to %scan3A_44 step %scan3A_45  : i32 {
      %mul3A_82 = arith.constant 5 : i32
      %mul3A_83 = arith.muli %mul3A_82, %scan3A_81 : i32
      %add3A_84 = arith.constant 0 : i32
      %add3A_85 = arith.addi %mul3A_83, %add3A_84 : i32
      %dma_wait3A_86 = arith.constant 0 : i32
      %dma_wait3A_87 = tpu.memref_slice %arg7[%add3A_85, %dma_wait3A_86] : memref<160x128xi32, #tpu.memory_space<vmem>> -> memref<1x128xi32, #tpu.memory_space<vmem>>
      %dma_wait3A_88 = tpu.memref_squeeze %dma_wait3A_87 : memref<1x128xi32, #tpu.memory_space<vmem>> -> memref<128xi32, #tpu.memory_space<vmem>>
      %dma_wait3A_89 = arith.constant 0 : i32
      %dma_wait3A_90 = arith.constant 0 : i32
      %dma_wait3A_91 = tpu.memref_slice %arg2[%dma_wait3A_89, %dma_wait3A_90] : memref<20000x64xf32, #tpu.memory_space<hbm>> -> memref<20000x64xf32, #tpu.memory_space<hbm>>
      tpu.wait_indirect_dma semaphore(%arg15 : memref<!tpu.dma_semaphore, #tpu.memory_space<semaphore_mem>>) src(%dma_wait3A_91 : memref<20000x64xf32, #tpu.memory_space<hbm>>) dst(%arg9 : memref<128x64xf32, #tpu.memory_space<vmem>>)
      %dma_start3A_92 = arith.constant 0 : i32
      %dma_start3A_93 = tpu.memref_slice %arg8[%add3A_85, %dma_start3A_92] : memref<160x128xi32, #tpu.memory_space<vmem>> -> memref<1x128xi32, #tpu.memory_space<vmem>>
      %dma_start3A_94 = tpu.memref_squeeze %dma_start3A_93 : memref<1x128xi32, #tpu.memory_space<vmem>> -> memref<128xi32, #tpu.memory_space<vmem>>
      %dma_start3A_95 = arith.constant 0 : i32
      %dma_start3A_96 = arith.constant 0 : i32
      %dma_start3A_97 = tpu.memref_slice %arg14[%dma_start3A_95, %dma_start3A_96] : memref<10240x64xf32, #tpu.memory_space<vmem_shared>> -> memref<10240x64xf32, #tpu.memory_space<vmem_shared>>
      tpu.enqueue_indirect_dma source(%arg9 : memref<128x64xf32, #tpu.memory_space<vmem>>) target(%dma_start3A_97 : memref<10240x64xf32, #tpu.memory_space<vmem_shared>>) offsets(%dma_start3A_94 : memref<128xi32, #tpu.memory_space<vmem>>) semaphore(%arg20 : memref<!tpu.dma_semaphore, #tpu.memory_space<semaphore_mem>>) {add = true}
      %add3A_98 = arith.constant 3 : i32
      %add3A_99 = arith.addi %add3A_85, %add3A_98 : i32
      %sub3A = arith.constant 5 : i32
      %sub3A_100 = arith.subi %add3A_99, %sub3A : i32
      %ge3A = arith.constant 0 : i32
      %ge3A_101 = arith.cmpi sge, %sub3A_100, %ge3A : i32
      %convert_element_type3A = arith.extui %ge3A_101 : i1 to i32
      %cond3A = arith.constant 0 : i32
      %cond3A_102 = arith.cmpi ne, %convert_element_type3A, %cond3A : i32
      scf.if %cond3A_102 {
        %dma_wait3A_237 = arith.constant 0 : i32
        %dma_wait3A_238 = tpu.memref_slice %arg8[%sub3A_100, %dma_wait3A_237] : memref<160x128xi32, #tpu.memory_space<vmem>> -> memref<1x128xi32, #tpu.memory_space<vmem>>
        %dma_wait3A_239 = tpu.memref_squeeze %dma_wait3A_238 : memref<1x128xi32, #tpu.memory_space<vmem>> -> memref<128xi32, #tpu.memory_space<vmem>>
        %dma_wait3A_240 = arith.constant 0 : i32
        %dma_wait3A_241 = arith.constant 0 : i32
        %dma_wait3A_242 = tpu.memref_slice %arg14[%dma_wait3A_240, %dma_wait3A_241] : memref<10240x64xf32, #tpu.memory_space<vmem_shared>> -> memref<10240x64xf32, #tpu.memory_space<vmem_shared>>
        tpu.wait_indirect_dma semaphore(%arg23 : memref<!tpu.dma_semaphore, #tpu.memory_space<semaphore_mem>>) src(%arg12 : memref<128x64xf32, #tpu.memory_space<vmem>>) dst(%dma_wait3A_242 : memref<10240x64xf32, #tpu.memory_space<vmem_shared>>)
      } else {
      }
      %add3A_103 = arith.constant 3 : i32
      %add3A_104 = arith.addi %add3A_85, %add3A_103 : i32
      %lt3A = arith.constant 160 : i32
      %lt3A_105 = arith.cmpi slt, %add3A_104, %lt3A : i32
      %convert_element_type3A_106 = arith.extui %lt3A_105 : i1 to i32
      %cond3A_107 = arith.constant 0 : i32
      %cond3A_108 = arith.cmpi ne, %convert_element_type3A_106, %cond3A_107 : i32
      scf.if %cond3A_108 {
        %dma_start3A_237 = arith.constant 0 : i32
        %dma_start3A_238 = tpu.memref_slice %arg7[%add3A_104, %dma_start3A_237] : memref<160x128xi32, #tpu.memory_space<vmem>> -> memref<1x128xi32, #tpu.memory_space<vmem>>
        %dma_start3A_239 = tpu.memref_squeeze %dma_start3A_238 : memref<1x128xi32, #tpu.memory_space<vmem>> -> memref<128xi32, #tpu.memory_space<vmem>>
        %dma_start3A_240 = arith.constant 0 : i32
        %dma_start3A_241 = arith.constant 0 : i32
        %dma_start3A_242 = tpu.memref_slice %arg2[%dma_start3A_240, %dma_start3A_241] : memref<20000x64xf32, #tpu.memory_space<hbm>> -> memref<20000x64xf32, #tpu.memory_space<hbm>>
        tpu.enqueue_indirect_dma source(%dma_start3A_242 : memref<20000x64xf32, #tpu.memory_space<hbm>>) target(%arg12 : memref<128x64xf32, #tpu.memory_space<vmem>>) offsets(%dma_start3A_239 : memref<128xi32, #tpu.memory_space<vmem>>) semaphore(%arg18 : memref<!tpu.dma_semaphore, #tpu.memory_space<semaphore_mem>>)
      } else {
      }
      %mul3A_109 = arith.constant 5 : i32
      %mul3A_110 = arith.muli %mul3A_109, %scan3A_81 : i32
      %add3A_111 = arith.constant 1 : i32
      %add3A_112 = arith.addi %mul3A_110, %add3A_111 : i32
      %dma_wait3A_113 = arith.constant 0 : i32
      %dma_wait3A_114 = tpu.memref_slice %arg7[%add3A_112, %dma_wait3A_113] : memref<160x128xi32, #tpu.memory_space<vmem>> -> memref<1x128xi32, #tpu.memory_space<vmem>>
      %dma_wait3A_115 = tpu.memref_squeeze %dma_wait3A_114 : memref<1x128xi32, #tpu.memory_space<vmem>> -> memref<128xi32, #tpu.memory_space<vmem>>
      %dma_wait3A_116 = arith.constant 0 : i32
      %dma_wait3A_117 = arith.constant 0 : i32
      %dma_wait3A_118 = tpu.memref_slice %arg2[%dma_wait3A_116, %dma_wait3A_117] : memref<20000x64xf32, #tpu.memory_space<hbm>> -> memref<20000x64xf32, #tpu.memory_space<hbm>>
      tpu.wait_indirect_dma semaphore(%arg16 : memref<!tpu.dma_semaphore, #tpu.memory_space<semaphore_mem>>) src(%dma_wait3A_118 : memref<20000x64xf32, #tpu.memory_space<hbm>>) dst(%arg10 : memref<128x64xf32, #tpu.memory_space<vmem>>)
      %dma_start3A_119 = arith.constant 0 : i32
      %dma_start3A_120 = tpu.memref_slice %arg8[%add3A_112, %dma_start3A_119] : memref<160x128xi32, #tpu.memory_space<vmem>> -> memref<1x128xi32, #tpu.memory_space<vmem>>
      %dma_start3A_121 = tpu.memref_squeeze %dma_start3A_120 : memref<1x128xi32, #tpu.memory_space<vmem>> -> memref<128xi32, #tpu.memory_space<vmem>>
      %dma_start3A_122 = arith.constant 0 : i32
      %dma_start3A_123 = arith.constant 0 : i32
      %dma_start3A_124 = tpu.memref_slice %arg14[%dma_start3A_122, %dma_start3A_123] : memref<10240x64xf32, #tpu.memory_space<vmem_shared>> -> memref<10240x64xf32, #tpu.memory_space<vmem_shared>>
      tpu.enqueue_indirect_dma source(%arg10 : memref<128x64xf32, #tpu.memory_space<vmem>>) target(%dma_start3A_124 : memref<10240x64xf32, #tpu.memory_space<vmem_shared>>) offsets(%dma_start3A_121 : memref<128xi32, #tpu.memory_space<vmem>>) semaphore(%arg21 : memref<!tpu.dma_semaphore, #tpu.memory_space<semaphore_mem>>) {add = true}
      %add3A_125 = arith.constant 3 : i32
      %add3A_126 = arith.addi %add3A_112, %add3A_125 : i32
      %sub3A_127 = arith.constant 5 : i32
      %sub3A_128 = arith.subi %add3A_126, %sub3A_127 : i32
      %ge3A_129 = arith.constant 0 : i32
      %ge3A_130 = arith.cmpi sge, %sub3A_128, %ge3A_129 : i32
      %convert_element_type3A_131 = arith.extui %ge3A_130 : i1 to i32
      %cond3A_132 = arith.constant 0 : i32
      %cond3A_133 = arith.cmpi ne, %convert_element_type3A_131, %cond3A_132 : i32
      scf.if %cond3A_133 {
        %dma_wait3A_237 = arith.constant 0 : i32
        %dma_wait3A_238 = tpu.memref_slice %arg8[%sub3A_128, %dma_wait3A_237] : memref<160x128xi32, #tpu.memory_space<vmem>> -> memref<1x128xi32, #tpu.memory_space<vmem>>
        %dma_wait3A_239 = tpu.memref_squeeze %dma_wait3A_238 : memref<1x128xi32, #tpu.memory_space<vmem>> -> memref<128xi32, #tpu.memory_space<vmem>>
        %dma_wait3A_240 = arith.constant 0 : i32
        %dma_wait3A_241 = arith.constant 0 : i32
        %dma_wait3A_242 = tpu.memref_slice %arg14[%dma_wait3A_240, %dma_wait3A_241] : memref<10240x64xf32, #tpu.memory_space<vmem_shared>> -> memref<10240x64xf32, #tpu.memory_space<vmem_shared>>
        tpu.wait_indirect_dma semaphore(%arg24 : memref<!tpu.dma_semaphore, #tpu.memory_space<semaphore_mem>>) src(%arg13 : memref<128x64xf32, #tpu.memory_space<vmem>>) dst(%dma_wait3A_242 : memref<10240x64xf32, #tpu.memory_space<vmem_shared>>)
      } else {
      }
      %add3A_134 = arith.constant 3 : i32
      %add3A_135 = arith.addi %add3A_112, %add3A_134 : i32
      %lt3A_136 = arith.constant 160 : i32
      %lt3A_137 = arith.cmpi slt, %add3A_135, %lt3A_136 : i32
      %convert_element_type3A_138 = arith.extui %lt3A_137 : i1 to i32
      %cond3A_139 = arith.constant 0 : i32
      %cond3A_140 = arith.cmpi ne, %convert_element_type3A_138, %cond3A_139 : i32
      scf.if %cond3A_140 {
        %dma_start3A_237 = arith.constant 0 : i32
        %dma_start3A_238 = tpu.memref_slice %arg7[%add3A_135, %dma_start3A_237] : memref<160x128xi32, #tpu.memory_space<vmem>> -> memref<1x128xi32, #tpu.memory_space<vmem>>
        %dma_start3A_239 = tpu.memref_squeeze %dma_start3A_238 : memref<1x128xi32, #tpu.memory_space<vmem>> -> memref<128xi32, #tpu.memory_space<vmem>>
        %dma_start3A_240 = arith.constant 0 : i32
        %dma_start3A_241 = arith.constant 0 : i32
        %dma_start3A_242 = tpu.memref_slice %arg2[%dma_start3A_240, %dma_start3A_241] : memref<20000x64xf32, #tpu.memory_space<hbm>> -> memref<20000x64xf32, #tpu.memory_space<hbm>>
        tpu.enqueue_indirect_dma source(%dma_start3A_242 : memref<20000x64xf32, #tpu.memory_space<hbm>>) target(%arg13 : memref<128x64xf32, #tpu.memory_space<vmem>>) offsets(%dma_start3A_239 : memref<128xi32, #tpu.memory_space<vmem>>) semaphore(%arg19 : memref<!tpu.dma_semaphore, #tpu.memory_space<semaphore_mem>>)
      } else {
      }
      %mul3A_141 = arith.constant 5 : i32
      %mul3A_142 = arith.muli %mul3A_141, %scan3A_81 : i32
      %add3A_143 = arith.constant 2 : i32
      %add3A_144 = arith.addi %mul3A_142, %add3A_143 : i32
      %dma_wait3A_145 = arith.constant 0 : i32
      %dma_wait3A_146 = tpu.memref_slice %arg7[%add3A_144, %dma_wait3A_145] : memref<160x128xi32, #tpu.memory_space<vmem>> -> memref<1x128xi32, #tpu.memory_space<vmem>>
      %dma_wait3A_147 = tpu.memref_squeeze %dma_wait3A_146 : memref<1x128xi32, #tpu.memory_space<vmem>> -> memref<128xi32, #tpu.memory_space<vmem>>
      %dma_wait3A_148 = arith.constant 0 : i32
      %dma_wait3A_149 = arith.constant 0 : i32
      %dma_wait3A_150 = tpu.memref_slice %arg2[%dma_wait3A_148, %dma_wait3A_149] : memref<20000x64xf32, #tpu.memory_space<hbm>> -> memref<20000x64xf32, #tpu.memory_space<hbm>>
      tpu.wait_indirect_dma semaphore(%arg17 : memref<!tpu.dma_semaphore, #tpu.memory_space<semaphore_mem>>) src(%dma_wait3A_150 : memref<20000x64xf32, #tpu.memory_space<hbm>>) dst(%arg11 : memref<128x64xf32, #tpu.memory_space<vmem>>)
      %dma_start3A_151 = arith.constant 0 : i32
      %dma_start3A_152 = tpu.memref_slice %arg8[%add3A_144, %dma_start3A_151] : memref<160x128xi32, #tpu.memory_space<vmem>> -> memref<1x128xi32, #tpu.memory_space<vmem>>
      %dma_start3A_153 = tpu.memref_squeeze %dma_start3A_152 : memref<1x128xi32, #tpu.memory_space<vmem>> -> memref<128xi32, #tpu.memory_space<vmem>>
      %dma_start3A_154 = arith.constant 0 : i32
      %dma_start3A_155 = arith.constant 0 : i32
      %dma_start3A_156 = tpu.memref_slice %arg14[%dma_start3A_154, %dma_start3A_155] : memref<10240x64xf32, #tpu.memory_space<vmem_shared>> -> memref<10240x64xf32, #tpu.memory_space<vmem_shared>>
      tpu.enqueue_indirect_dma source(%arg11 : memref<128x64xf32, #tpu.memory_space<vmem>>) target(%dma_start3A_156 : memref<10240x64xf32, #tpu.memory_space<vmem_shared>>) offsets(%dma_start3A_153 : memref<128xi32, #tpu.memory_space<vmem>>) semaphore(%arg22 : memref<!tpu.dma_semaphore, #tpu.memory_space<semaphore_mem>>) {add = true}
      %add3A_157 = arith.constant 3 : i32
      %add3A_158 = arith.addi %add3A_144, %add3A_157 : i32
      %sub3A_159 = arith.constant 5 : i32
      %sub3A_160 = arith.subi %add3A_158, %sub3A_159 : i32
      %ge3A_161 = arith.constant 0 : i32
      %ge3A_162 = arith.cmpi sge, %sub3A_160, %ge3A_161 : i32
      %convert_element_type3A_163 = arith.extui %ge3A_162 : i1 to i32
      %cond3A_164 = arith.constant 0 : i32
      %cond3A_165 = arith.cmpi ne, %convert_element_type3A_163, %cond3A_164 : i32
      scf.if %cond3A_165 {
        %dma_wait3A_237 = arith.constant 0 : i32
        %dma_wait3A_238 = tpu.memref_slice %arg8[%sub3A_160, %dma_wait3A_237] : memref<160x128xi32, #tpu.memory_space<vmem>> -> memref<1x128xi32, #tpu.memory_space<vmem>>
        %dma_wait3A_239 = tpu.memref_squeeze %dma_wait3A_238 : memref<1x128xi32, #tpu.memory_space<vmem>> -> memref<128xi32, #tpu.memory_space<vmem>>
        %dma_wait3A_240 = arith.constant 0 : i32
        %dma_wait3A_241 = arith.constant 0 : i32
        %dma_wait3A_242 = tpu.memref_slice %arg14[%dma_wait3A_240, %dma_wait3A_241] : memref<10240x64xf32, #tpu.memory_space<vmem_shared>> -> memref<10240x64xf32, #tpu.memory_space<vmem_shared>>
        tpu.wait_indirect_dma semaphore(%arg20 : memref<!tpu.dma_semaphore, #tpu.memory_space<semaphore_mem>>) src(%arg9 : memref<128x64xf32, #tpu.memory_space<vmem>>) dst(%dma_wait3A_242 : memref<10240x64xf32, #tpu.memory_space<vmem_shared>>)
      } else {
      }
      %add3A_166 = arith.constant 3 : i32
      %add3A_167 = arith.addi %add3A_144, %add3A_166 : i32
      %lt3A_168 = arith.constant 160 : i32
      %lt3A_169 = arith.cmpi slt, %add3A_167, %lt3A_168 : i32
      %convert_element_type3A_170 = arith.extui %lt3A_169 : i1 to i32
      %cond3A_171 = arith.constant 0 : i32
      %cond3A_172 = arith.cmpi ne, %convert_element_type3A_170, %cond3A_171 : i32
      scf.if %cond3A_172 {
        %dma_start3A_237 = arith.constant 0 : i32
        %dma_start3A_238 = tpu.memref_slice %arg7[%add3A_167, %dma_start3A_237] : memref<160x128xi32, #tpu.memory_space<vmem>> -> memref<1x128xi32, #tpu.memory_space<vmem>>
        %dma_start3A_239 = tpu.memref_squeeze %dma_start3A_238 : memref<1x128xi32, #tpu.memory_space<vmem>> -> memref<128xi32, #tpu.memory_space<vmem>>
        %dma_start3A_240 = arith.constant 0 : i32
        %dma_start3A_241 = arith.constant 0 : i32
        %dma_start3A_242 = tpu.memref_slice %arg2[%dma_start3A_240, %dma_start3A_241] : memref<20000x64xf32, #tpu.memory_space<hbm>> -> memref<20000x64xf32, #tpu.memory_space<hbm>>
        tpu.enqueue_indirect_dma source(%dma_start3A_242 : memref<20000x64xf32, #tpu.memory_space<hbm>>) target(%arg9 : memref<128x64xf32, #tpu.memory_space<vmem>>) offsets(%dma_start3A_239 : memref<128xi32, #tpu.memory_space<vmem>>) semaphore(%arg15 : memref<!tpu.dma_semaphore, #tpu.memory_space<semaphore_mem>>)
      } else {
      }
      %mul3A_173 = arith.constant 5 : i32
      %mul3A_174 = arith.muli %mul3A_173, %scan3A_81 : i32
      %add3A_175 = arith.constant 3 : i32
      %add3A_176 = arith.addi %mul3A_174, %add3A_175 : i32
      %dma_wait3A_177 = arith.constant 0 : i32
      %dma_wait3A_178 = tpu.memref_slice %arg7[%add3A_176, %dma_wait3A_177] : memref<160x128xi32, #tpu.memory_space<vmem>> -> memref<1x128xi32, #tpu.memory_space<vmem>>
      %dma_wait3A_179 = tpu.memref_squeeze %dma_wait3A_178 : memref<1x128xi32, #tpu.memory_space<vmem>> -> memref<128xi32, #tpu.memory_space<vmem>>
      %dma_wait3A_180 = arith.constant 0 : i32
      %dma_wait3A_181 = arith.constant 0 : i32
      %dma_wait3A_182 = tpu.memref_slice %arg2[%dma_wait3A_180, %dma_wait3A_181] : memref<20000x64xf32, #tpu.memory_space<hbm>> -> memref<20000x64xf32, #tpu.memory_space<hbm>>
      tpu.wait_indirect_dma semaphore(%arg18 : memref<!tpu.dma_semaphore, #tpu.memory_space<semaphore_mem>>) src(%dma_wait3A_182 : memref<20000x64xf32, #tpu.memory_space<hbm>>) dst(%arg12 : memref<128x64xf32, #tpu.memory_space<vmem>>)
      %dma_start3A_183 = arith.constant 0 : i32
      %dma_start3A_184 = tpu.memref_slice %arg8[%add3A_176, %dma_start3A_183] : memref<160x128xi32, #tpu.memory_space<vmem>> -> memref<1x128xi32, #tpu.memory_space<vmem>>
      %dma_start3A_185 = tpu.memref_squeeze %dma_start3A_184 : memref<1x128xi32, #tpu.memory_space<vmem>> -> memref<128xi32, #tpu.memory_space<vmem>>
      %dma_start3A_186 = arith.constant 0 : i32
      %dma_start3A_187 = arith.constant 0 : i32
      %dma_start3A_188 = tpu.memref_slice %arg14[%dma_start3A_186, %dma_start3A_187] : memref<10240x64xf32, #tpu.memory_space<vmem_shared>> -> memref<10240x64xf32, #tpu.memory_space<vmem_shared>>
      tpu.enqueue_indirect_dma source(%arg12 : memref<128x64xf32, #tpu.memory_space<vmem>>) target(%dma_start3A_188 : memref<10240x64xf32, #tpu.memory_space<vmem_shared>>) offsets(%dma_start3A_185 : memref<128xi32, #tpu.memory_space<vmem>>) semaphore(%arg23 : memref<!tpu.dma_semaphore, #tpu.memory_space<semaphore_mem>>) {add = true}
      %add3A_189 = arith.constant 3 : i32
      %add3A_190 = arith.addi %add3A_176, %add3A_189 : i32
      %sub3A_191 = arith.constant 5 : i32
      %sub3A_192 = arith.subi %add3A_190, %sub3A_191 : i32
      %ge3A_193 = arith.constant 0 : i32
      %ge3A_194 = arith.cmpi sge, %sub3A_192, %ge3A_193 : i32
      %convert_element_type3A_195 = arith.extui %ge3A_194 : i1 to i32
      %cond3A_196 = arith.constant 0 : i32
      %cond3A_197 = arith.cmpi ne, %convert_element_type3A_195, %cond3A_196 : i32
      scf.if %cond3A_197 {
        %dma_wait3A_237 = arith.constant 0 : i32
        %dma_wait3A_238 = tpu.memref_slice %arg8[%sub3A_192, %dma_wait3A_237] : memref<160x128xi32, #tpu.memory_space<vmem>> -> memref<1x128xi32, #tpu.memory_space<vmem>>
        %dma_wait3A_239 = tpu.memref_squeeze %dma_wait3A_238 : memref<1x128xi32, #tpu.memory_space<vmem>> -> memref<128xi32, #tpu.memory_space<vmem>>
        %dma_wait3A_240 = arith.constant 0 : i32
        %dma_wait3A_241 = arith.constant 0 : i32
        %dma_wait3A_242 = tpu.memref_slice %arg14[%dma_wait3A_240, %dma_wait3A_241] : memref<10240x64xf32, #tpu.memory_space<vmem_shared>> -> memref<10240x64xf32, #tpu.memory_space<vmem_shared>>
        tpu.wait_indirect_dma semaphore(%arg21 : memref<!tpu.dma_semaphore, #tpu.memory_space<semaphore_mem>>) src(%arg10 : memref<128x64xf32, #tpu.memory_space<vmem>>) dst(%dma_wait3A_242 : memref<10240x64xf32, #tpu.memory_space<vmem_shared>>)
      } else {
      }
      %add3A_198 = arith.constant 3 : i32
      %add3A_199 = arith.addi %add3A_176, %add3A_198 : i32
      %lt3A_200 = arith.constant 160 : i32
      %lt3A_201 = arith.cmpi slt, %add3A_199, %lt3A_200 : i32
      %convert_element_type3A_202 = arith.extui %lt3A_201 : i1 to i32
      %cond3A_203 = arith.constant 0 : i32
      %cond3A_204 = arith.cmpi ne, %convert_element_type3A_202, %cond3A_203 : i32
      scf.if %cond3A_204 {
        %dma_start3A_237 = arith.constant 0 : i32
        %dma_start3A_238 = tpu.memref_slice %arg7[%add3A_199, %dma_start3A_237] : memref<160x128xi32, #tpu.memory_space<vmem>> -> memref<1x128xi32, #tpu.memory_space<vmem>>
        %dma_start3A_239 = tpu.memref_squeeze %dma_start3A_238 : memref<1x128xi32, #tpu.memory_space<vmem>> -> memref<128xi32, #tpu.memory_space<vmem>>
        %dma_start3A_240 = arith.constant 0 : i32
        %dma_start3A_241 = arith.constant 0 : i32
        %dma_start3A_242 = tpu.memref_slice %arg2[%dma_start3A_240, %dma_start3A_241] : memref<20000x64xf32, #tpu.memory_space<hbm>> -> memref<20000x64xf32, #tpu.memory_space<hbm>>
        tpu.enqueue_indirect_dma source(%dma_start3A_242 : memref<20000x64xf32, #tpu.memory_space<hbm>>) target(%arg10 : memref<128x64xf32, #tpu.memory_space<vmem>>) offsets(%dma_start3A_239 : memref<128xi32, #tpu.memory_space<vmem>>) semaphore(%arg16 : memref<!tpu.dma_semaphore, #tpu.memory_space<semaphore_mem>>)
      } else {
      }
      %mul3A_205 = arith.constant 5 : i32
      %mul3A_206 = arith.muli %mul3A_205, %scan3A_81 : i32
      %add3A_207 = arith.constant 4 : i32
      %add3A_208 = arith.addi %mul3A_206, %add3A_207 : i32
      %dma_wait3A_209 = arith.constant 0 : i32
      %dma_wait3A_210 = tpu.memref_slice %arg7[%add3A_208, %dma_wait3A_209] : memref<160x128xi32, #tpu.memory_space<vmem>> -> memref<1x128xi32, #tpu.memory_space<vmem>>
      %dma_wait3A_211 = tpu.memref_squeeze %dma_wait3A_210 : memref<1x128xi32, #tpu.memory_space<vmem>> -> memref<128xi32, #tpu.memory_space<vmem>>
      %dma_wait3A_212 = arith.constant 0 : i32
      %dma_wait3A_213 = arith.constant 0 : i32
      %dma_wait3A_214 = tpu.memref_slice %arg2[%dma_wait3A_212, %dma_wait3A_213] : memref<20000x64xf32, #tpu.memory_space<hbm>> -> memref<20000x64xf32, #tpu.memory_space<hbm>>
      tpu.wait_indirect_dma semaphore(%arg19 : memref<!tpu.dma_semaphore, #tpu.memory_space<semaphore_mem>>) src(%dma_wait3A_214 : memref<20000x64xf32, #tpu.memory_space<hbm>>) dst(%arg13 : memref<128x64xf32, #tpu.memory_space<vmem>>)
      %dma_start3A_215 = arith.constant 0 : i32
      %dma_start3A_216 = tpu.memref_slice %arg8[%add3A_208, %dma_start3A_215] : memref<160x128xi32, #tpu.memory_space<vmem>> -> memref<1x128xi32, #tpu.memory_space<vmem>>
      %dma_start3A_217 = tpu.memref_squeeze %dma_start3A_216 : memref<1x128xi32, #tpu.memory_space<vmem>> -> memref<128xi32, #tpu.memory_space<vmem>>
      %dma_start3A_218 = arith.constant 0 : i32
      %dma_start3A_219 = arith.constant 0 : i32
      %dma_start3A_220 = tpu.memref_slice %arg14[%dma_start3A_218, %dma_start3A_219] : memref<10240x64xf32, #tpu.memory_space<vmem_shared>> -> memref<10240x64xf32, #tpu.memory_space<vmem_shared>>
      tpu.enqueue_indirect_dma source(%arg13 : memref<128x64xf32, #tpu.memory_space<vmem>>) target(%dma_start3A_220 : memref<10240x64xf32, #tpu.memory_space<vmem_shared>>) offsets(%dma_start3A_217 : memref<128xi32, #tpu.memory_space<vmem>>) semaphore(%arg24 : memref<!tpu.dma_semaphore, #tpu.memory_space<semaphore_mem>>) {add = true}
      %add3A_221 = arith.constant 3 : i32
      %add3A_222 = arith.addi %add3A_208, %add3A_221 : i32
      %sub3A_223 = arith.constant 5 : i32
      %sub3A_224 = arith.subi %add3A_222, %sub3A_223 : i32
      %ge3A_225 = arith.constant 0 : i32
      %ge3A_226 = arith.cmpi sge, %sub3A_224, %ge3A_225 : i32
      %convert_element_type3A_227 = arith.extui %ge3A_226 : i1 to i32
      %cond3A_228 = arith.constant 0 : i32
      %cond3A_229 = arith.cmpi ne, %convert_element_type3A_227, %cond3A_228 : i32
      scf.if %cond3A_229 {
        %dma_wait3A_237 = arith.constant 0 : i32
        %dma_wait3A_238 = tpu.memref_slice %arg8[%sub3A_224, %dma_wait3A_237] : memref<160x128xi32, #tpu.memory_space<vmem>> -> memref<1x128xi32, #tpu.memory_space<vmem>>
        %dma_wait3A_239 = tpu.memref_squeeze %dma_wait3A_238 : memref<1x128xi32, #tpu.memory_space<vmem>> -> memref<128xi32, #tpu.memory_space<vmem>>
        %dma_wait3A_240 = arith.constant 0 : i32
        %dma_wait3A_241 = arith.constant 0 : i32
        %dma_wait3A_242 = tpu.memref_slice %arg14[%dma_wait3A_240, %dma_wait3A_241] : memref<10240x64xf32, #tpu.memory_space<vmem_shared>> -> memref<10240x64xf32, #tpu.memory_space<vmem_shared>>
        tpu.wait_indirect_dma semaphore(%arg22 : memref<!tpu.dma_semaphore, #tpu.memory_space<semaphore_mem>>) src(%arg11 : memref<128x64xf32, #tpu.memory_space<vmem>>) dst(%dma_wait3A_242 : memref<10240x64xf32, #tpu.memory_space<vmem_shared>>)
      } else {
      }
      %add3A_230 = arith.constant 3 : i32
      %add3A_231 = arith.addi %add3A_208, %add3A_230 : i32
      %lt3A_232 = arith.constant 160 : i32
      %lt3A_233 = arith.cmpi slt, %add3A_231, %lt3A_232 : i32
      %convert_element_type3A_234 = arith.extui %lt3A_233 : i1 to i32
      %cond3A_235 = arith.constant 0 : i32
      %cond3A_236 = arith.cmpi ne, %convert_element_type3A_234, %cond3A_235 : i32
      scf.if %cond3A_236 {
        %dma_start3A_237 = arith.constant 0 : i32
        %dma_start3A_238 = tpu.memref_slice %arg7[%add3A_231, %dma_start3A_237] : memref<160x128xi32, #tpu.memory_space<vmem>> -> memref<1x128xi32, #tpu.memory_space<vmem>>
        %dma_start3A_239 = tpu.memref_squeeze %dma_start3A_238 : memref<1x128xi32, #tpu.memory_space<vmem>> -> memref<128xi32, #tpu.memory_space<vmem>>
        %dma_start3A_240 = arith.constant 0 : i32
        %dma_start3A_241 = arith.constant 0 : i32
        %dma_start3A_242 = tpu.memref_slice %arg2[%dma_start3A_240, %dma_start3A_241] : memref<20000x64xf32, #tpu.memory_space<hbm>> -> memref<20000x64xf32, #tpu.memory_space<hbm>>
        tpu.enqueue_indirect_dma source(%dma_start3A_242 : memref<20000x64xf32, #tpu.memory_space<hbm>>) target(%arg11 : memref<128x64xf32, #tpu.memory_space<vmem>>) offsets(%dma_start3A_239 : memref<128xi32, #tpu.memory_space<vmem>>) semaphore(%arg17 : memref<!tpu.dma_semaphore, #tpu.memory_space<semaphore_mem>>)
      } else {
      }
    }
    %scan3A_46 = arith.constant 32 : i32
    %dma_wait3A = arith.constant 158 : i32
    %dma_wait3A_47 = arith.constant 0 : i32
    %dma_wait3A_48 = tpu.memref_slice %arg8[%dma_wait3A, %dma_wait3A_47] : memref<160x128xi32, #tpu.memory_space<vmem>> -> memref<1x128xi32, #tpu.memory_space<vmem>>
    %dma_wait3A_49 = tpu.memref_squeeze %dma_wait3A_48 : memref<1x128xi32, #tpu.memory_space<vmem>> -> memref<128xi32, #tpu.memory_space<vmem>>
    %dma_wait3A_50 = arith.constant 0 : i32
    %dma_wait3A_51 = arith.constant 0 : i32
    %dma_wait3A_52 = tpu.memref_slice %arg14[%dma_wait3A_50, %dma_wait3A_51] : memref<10240x64xf32, #tpu.memory_space<vmem_shared>> -> memref<10240x64xf32, #tpu.memory_space<vmem_shared>>
    tpu.wait_indirect_dma semaphore(%arg23 : memref<!tpu.dma_semaphore, #tpu.memory_space<semaphore_mem>>) src(%arg12 : memref<128x64xf32, #tpu.memory_space<vmem>>) dst(%dma_wait3A_52 : memref<10240x64xf32, #tpu.memory_space<vmem_shared>>)
    %dma_wait3A_53 = arith.constant 159 : i32
    %dma_wait3A_54 = arith.constant 0 : i32
    %dma_wait3A_55 = tpu.memref_slice %arg8[%dma_wait3A_53, %dma_wait3A_54] : memref<160x128xi32, #tpu.memory_space<vmem>> -> memref<1x128xi32, #tpu.memory_space<vmem>>
    %dma_wait3A_56 = tpu.memref_squeeze %dma_wait3A_55 : memref<1x128xi32, #tpu.memory_space<vmem>> -> memref<128xi32, #tpu.memory_space<vmem>>
    %dma_wait3A_57 = arith.constant 0 : i32
    %dma_wait3A_58 = arith.constant 0 : i32
    %dma_wait3A_59 = tpu.memref_slice %arg14[%dma_wait3A_57, %dma_wait3A_58] : memref<10240x64xf32, #tpu.memory_space<vmem_shared>> -> memref<10240x64xf32, #tpu.memory_space<vmem_shared>>
    tpu.wait_indirect_dma semaphore(%arg24 : memref<!tpu.dma_semaphore, #tpu.memory_space<semaphore_mem>>) src(%arg13 : memref<128x64xf32, #tpu.memory_space<vmem>>) dst(%dma_wait3A_59 : memref<10240x64xf32, #tpu.memory_space<vmem_shared>>)
    %barrier3A_60 = arith.constant 0 : index
    tpu.barrier barrier_id(%barrier3A_60)
    %mul3A_61 = arith.constant 640 : i32
    %mul3A_62 = arith.muli %arg1, %mul3A_61 : i32
    %add3A_63 = arith.constant 0 : i32
    %add3A_64 = arith.addi %mul3A_62, %add3A_63 : i32
    "tpu.region"() ({
      %run_scoped3A = tpu.sem_alloc : memref<!tpu.dma_semaphore, #tpu.memory_space<semaphore_mem>>
      %dma_start3A_81 = arith.constant 0 : i32
      %dma_start3A_82 = tpu.memref_slice %arg14[%add3A_64, %dma_start3A_81] : memref<10240x64xf32, #tpu.memory_space<vmem_shared>> -> memref<128x64xf32, #tpu.memory_space<vmem_shared>>
      %dma_start3A_83 = arith.constant 0 : i32
      %dma_start3A_84 = tpu.memref_slice %arg14[%add3A_64, %dma_start3A_83] : memref<10240x64xf32, #tpu.memory_space<vmem_shared>> -> memref<128x64xf32, #tpu.memory_space<vmem_shared>>
      tpu.enqueue_dma source(%dma_start3A_84 : memref<128x64xf32, #tpu.memory_space<vmem_shared>>) target(%arg9 : memref<128x64xf32, #tpu.memory_space<vmem>>) target_semaphore(%run_scoped3A : memref<!tpu.dma_semaphore, #tpu.memory_space<semaphore_mem>>)
      %dma_wait3A_85 = arith.constant 0 : i32
      %dma_wait3A_86 = tpu.memref_slice %arg14[%add3A_64, %dma_wait3A_85] : memref<10240x64xf32, #tpu.memory_space<vmem_shared>> -> memref<128x64xf32, #tpu.memory_space<vmem_shared>>
      %dma_wait3A_87 = arith.constant 0 : i32
      %dma_wait3A_88 = tpu.memref_slice %arg14[%add3A_64, %dma_wait3A_87] : memref<10240x64xf32, #tpu.memory_space<vmem_shared>> -> memref<128x64xf32, #tpu.memory_space<vmem_shared>>
      tpu.wait_dma2 semaphore(%run_scoped3A : memref<!tpu.dma_semaphore, #tpu.memory_space<semaphore_mem>>) src(%dma_wait3A_88 : memref<128x64xf32, #tpu.memory_space<vmem_shared>>) dst(%arg9 : memref<128x64xf32, #tpu.memory_space<vmem>>)
      tpu.yield
    }) : () -> ()
    "tpu.region"() ({
      %run_scoped3A = tpu.sem_alloc : memref<!tpu.dma_semaphore, #tpu.memory_space<semaphore_mem>>
      %dma_start3A_81 = arith.constant 0 : i32
      %dma_start3A_82 = arith.constant 0 : i32
      %dma_start3A_83 = tpu.memref_slice %arg6[%arg0, %dma_start3A_81, %dma_start3A_82] : memref<2x10240x64xf32, #tpu.memory_space<hbm>> -> memref<1x10240x64xf32, #tpu.memory_space<hbm>>
      %dma_start3A_84 = tpu.memref_squeeze %dma_start3A_83 : memref<1x10240x64xf32, #tpu.memory_space<hbm>> -> memref<10240x64xf32, #tpu.memory_space<hbm>>
      %dma_start3A_85 = arith.constant 0 : i32
      %dma_start3A_86 = tpu.memref_slice %dma_start3A_84[%add3A_64, %dma_start3A_85] : memref<10240x64xf32, #tpu.memory_space<hbm>> -> memref<128x64xf32, #tpu.memory_space<hbm>>
      %dma_start3A_87 = arith.constant 0 : i32
      %dma_start3A_88 = arith.constant 0 : i32
      %dma_start3A_89 = tpu.memref_slice %arg6[%arg0, %dma_start3A_87, %dma_start3A_88] : memref<2x10240x64xf32, #tpu.memory_space<hbm>> -> memref<1x10240x64xf32, #tpu.memory_space<hbm>>
      %dma_start3A_90 = tpu.memref_squeeze %dma_start3A_89 : memref<1x10240x64xf32, #tpu.memory_space<hbm>> -> memref<10240x64xf32, #tpu.memory_space<hbm>>
      %dma_start3A_91 = arith.constant 0 : i32
      %dma_start3A_92 = tpu.memref_slice %dma_start3A_90[%add3A_64, %dma_start3A_91] : memref<10240x64xf32, #tpu.memory_space<hbm>> -> memref<128x64xf32, #tpu.memory_space<hbm>>
      tpu.enqueue_dma source(%arg9 : memref<128x64xf32, #tpu.memory_space<vmem>>) target(%dma_start3A_92 : memref<128x64xf32, #tpu.memory_space<hbm>>) target_semaphore(%run_scoped3A : memref<!tpu.dma_semaphore, #tpu.memory_space<semaphore_mem>>)
      %dma_wait3A_93 = arith.constant 0 : i32
      %dma_wait3A_94 = arith.constant 0 : i32
      %dma_wait3A_95 = tpu.memref_slice %arg6[%arg0, %dma_wait3A_93, %dma_wait3A_94] : memref<2x10240x64xf32, #tpu.memory_space<hbm>> -> memref<1x10240x64xf32, #tpu.memory_space<hbm>>
      %dma_wait3A_96 = tpu.memref_squeeze %dma_wait3A_95 : memref<1x10240x64xf32, #tpu.memory_space<hbm>> -> memref<10240x64xf32, #tpu.memory_space<hbm>>
      %dma_wait3A_97 = arith.constant 0 : i32
      %dma_wait3A_98 = tpu.memref_slice %dma_wait3A_96[%add3A_64, %dma_wait3A_97] : memref<10240x64xf32, #tpu.memory_space<hbm>> -> memref<128x64xf32, #tpu.memory_space<hbm>>
      %dma_wait3A_99 = arith.constant 0 : i32
      %dma_wait3A_100 = arith.constant 0 : i32
      %dma_wait3A_101 = tpu.memref_slice %arg6[%arg0, %dma_wait3A_99, %dma_wait3A_100] : memref<2x10240x64xf32, #tpu.memory_space<hbm>> -> memref<1x10240x64xf32, #tpu.memory_space<hbm>>
      %dma_wait3A_102 = tpu.memref_squeeze %dma_wait3A_101 : memref<1x10240x64xf32, #tpu.memory_space<hbm>> -> memref<10240x64xf32, #tpu.memory_space<hbm>>
      %dma_wait3A_103 = arith.constant 0 : i32
      %dma_wait3A_104 = tpu.memref_slice %dma_wait3A_102[%add3A_64, %dma_wait3A_103] : memref<10240x64xf32, #tpu.memory_space<hbm>> -> memref<128x64xf32, #tpu.memory_space<hbm>>
      tpu.wait_dma2 semaphore(%run_scoped3A : memref<!tpu.dma_semaphore, #tpu.memory_space<semaphore_mem>>) src(%arg9 : memref<128x64xf32, #tpu.memory_space<vmem>>) dst(%dma_wait3A_104 : memref<128x64xf32, #tpu.memory_space<hbm>>)
      tpu.yield
    }) : () -> ()
    %mul3A_65 = arith.constant 640 : i32
    %mul3A_66 = arith.muli %arg1, %mul3A_65 : i32
    %add3A_67 = arith.constant 128 : i32
    %add3A_68 = arith.addi %mul3A_66, %add3A_67 : i32
    "tpu.region"() ({
      %run_scoped3A = tpu.sem_alloc : memref<!tpu.dma_semaphore, #tpu.memory_space<semaphore_mem>>
      %dma_start3A_81 = arith.constant 0 : i32
      %dma_start3A_82 = tpu.memref_slice %arg14[%add3A_68, %dma_start3A_81] : memref<10240x64xf32, #tpu.memory_space<vmem_shared>> -> memref<128x64xf32, #tpu.memory_space<vmem_shared>>
      %dma_start3A_83 = arith.constant 0 : i32
      %dma_start3A_84 = tpu.memref_slice %arg14[%add3A_68, %dma_start3A_83] : memref<10240x64xf32, #tpu.memory_space<vmem_shared>> -> memref<128x64xf32, #tpu.memory_space<vmem_shared>>
      tpu.enqueue_dma source(%dma_start3A_84 : memref<128x64xf32, #tpu.memory_space<vmem_shared>>) target(%arg9 : memref<128x64xf32, #tpu.memory_space<vmem>>) target_semaphore(%run_scoped3A : memref<!tpu.dma_semaphore, #tpu.memory_space<semaphore_mem>>)
      %dma_wait3A_85 = arith.constant 0 : i32
      %dma_wait3A_86 = tpu.memref_slice %arg14[%add3A_68, %dma_wait3A_85] : memref<10240x64xf32, #tpu.memory_space<vmem_shared>> -> memref<128x64xf32, #tpu.memory_space<vmem_shared>>
      %dma_wait3A_87 = arith.constant 0 : i32
      %dma_wait3A_88 = tpu.memref_slice %arg14[%add3A_68, %dma_wait3A_87] : memref<10240x64xf32, #tpu.memory_space<vmem_shared>> -> memref<128x64xf32, #tpu.memory_space<vmem_shared>>
      tpu.wait_dma2 semaphore(%run_scoped3A : memref<!tpu.dma_semaphore, #tpu.memory_space<semaphore_mem>>) src(%dma_wait3A_88 : memref<128x64xf32, #tpu.memory_space<vmem_shared>>) dst(%arg9 : memref<128x64xf32, #tpu.memory_space<vmem>>)
      tpu.yield
    }) : () -> ()
    "tpu.region"() ({
      %run_scoped3A = tpu.sem_alloc : memref<!tpu.dma_semaphore, #tpu.memory_space<semaphore_mem>>
      %dma_start3A_81 = arith.constant 0 : i32
      %dma_start3A_82 = arith.constant 0 : i32
      %dma_start3A_83 = tpu.memref_slice %arg6[%arg0, %dma_start3A_81, %dma_start3A_82] : memref<2x10240x64xf32, #tpu.memory_space<hbm>> -> memref<1x10240x64xf32, #tpu.memory_space<hbm>>
      %dma_start3A_84 = tpu.memref_squeeze %dma_start3A_83 : memref<1x10240x64xf32, #tpu.memory_space<hbm>> -> memref<10240x64xf32, #tpu.memory_space<hbm>>
      %dma_start3A_85 = arith.constant 0 : i32
      %dma_start3A_86 = tpu.memref_slice %dma_start3A_84[%add3A_68, %dma_start3A_85] : memref<10240x64xf32, #tpu.memory_space<hbm>> -> memref<128x64xf32, #tpu.memory_space<hbm>>
      %dma_start3A_87 = arith.constant 0 : i32
      %dma_start3A_88 = arith.constant 0 : i32
      %dma_start3A_89 = tpu.memref_slice %arg6[%arg0, %dma_start3A_87, %dma_start3A_88] : memref<2x10240x64xf32, #tpu.memory_space<hbm>> -> memref<1x10240x64xf32, #tpu.memory_space<hbm>>
      %dma_start3A_90 = tpu.memref_squeeze %dma_start3A_89 : memref<1x10240x64xf32, #tpu.memory_space<hbm>> -> memref<10240x64xf32, #tpu.memory_space<hbm>>
      %dma_start3A_91 = arith.constant 0 : i32
      %dma_start3A_92 = tpu.memref_slice %dma_start3A_90[%add3A_68, %dma_start3A_91] : memref<10240x64xf32, #tpu.memory_space<hbm>> -> memref<128x64xf32, #tpu.memory_space<hbm>>
      tpu.enqueue_dma source(%arg9 : memref<128x64xf32, #tpu.memory_space<vmem>>) target(%dma_start3A_92 : memref<128x64xf32, #tpu.memory_space<hbm>>) target_semaphore(%run_scoped3A : memref<!tpu.dma_semaphore, #tpu.memory_space<semaphore_mem>>)
      %dma_wait3A_93 = arith.constant 0 : i32
      %dma_wait3A_94 = arith.constant 0 : i32
      %dma_wait3A_95 = tpu.memref_slice %arg6[%arg0, %dma_wait3A_93, %dma_wait3A_94] : memref<2x10240x64xf32, #tpu.memory_space<hbm>> -> memref<1x10240x64xf32, #tpu.memory_space<hbm>>
      %dma_wait3A_96 = tpu.memref_squeeze %dma_wait3A_95 : memref<1x10240x64xf32, #tpu.memory_space<hbm>> -> memref<10240x64xf32, #tpu.memory_space<hbm>>
      %dma_wait3A_97 = arith.constant 0 : i32
      %dma_wait3A_98 = tpu.memref_slice %dma_wait3A_96[%add3A_68, %dma_wait3A_97] : memref<10240x64xf32, #tpu.memory_space<hbm>> -> memref<128x64xf32, #tpu.memory_space<hbm>>
      %dma_wait3A_99 = arith.constant 0 : i32
      %dma_wait3A_100 = arith.constant 0 : i32
      %dma_wait3A_101 = tpu.memref_slice %arg6[%arg0, %dma_wait3A_99, %dma_wait3A_100] : memref<2x10240x64xf32, #tpu.memory_space<hbm>> -> memref<1x10240x64xf32, #tpu.memory_space<hbm>>
      %dma_wait3A_102 = tpu.memref_squeeze %dma_wait3A_101 : memref<1x10240x64xf32, #tpu.memory_space<hbm>> -> memref<10240x64xf32, #tpu.memory_space<hbm>>
      %dma_wait3A_103 = arith.constant 0 : i32
      %dma_wait3A_104 = tpu.memref_slice %dma_wait3A_102[%add3A_68, %dma_wait3A_103] : memref<10240x64xf32, #tpu.memory_space<hbm>> -> memref<128x64xf32, #tpu.memory_space<hbm>>
      tpu.wait_dma2 semaphore(%run_scoped3A : memref<!tpu.dma_semaphore, #tpu.memory_space<semaphore_mem>>) src(%arg9 : memref<128x64xf32, #tpu.memory_space<vmem>>) dst(%dma_wait3A_104 : memref<128x64xf32, #tpu.memory_space<hbm>>)
      tpu.yield
    }) : () -> ()
    %mul3A_69 = arith.constant 640 : i32
    %mul3A_70 = arith.muli %arg1, %mul3A_69 : i32
    %add3A_71 = arith.constant 256 : i32
    %add3A_72 = arith.addi %mul3A_70, %add3A_71 : i32
    "tpu.region"() ({
      %run_scoped3A = tpu.sem_alloc : memref<!tpu.dma_semaphore, #tpu.memory_space<semaphore_mem>>
      %dma_start3A_81 = arith.constant 0 : i32
      %dma_start3A_82 = tpu.memref_slice %arg14[%add3A_72, %dma_start3A_81] : memref<10240x64xf32, #tpu.memory_space<vmem_shared>> -> memref<128x64xf32, #tpu.memory_space<vmem_shared>>
      %dma_start3A_83 = arith.constant 0 : i32
      %dma_start3A_84 = tpu.memref_slice %arg14[%add3A_72, %dma_start3A_83] : memref<10240x64xf32, #tpu.memory_space<vmem_shared>> -> memref<128x64xf32, #tpu.memory_space<vmem_shared>>
      tpu.enqueue_dma source(%dma_start3A_84 : memref<128x64xf32, #tpu.memory_space<vmem_shared>>) target(%arg9 : memref<128x64xf32, #tpu.memory_space<vmem>>) target_semaphore(%run_scoped3A : memref<!tpu.dma_semaphore, #tpu.memory_space<semaphore_mem>>)
      %dma_wait3A_85 = arith.constant 0 : i32
      %dma_wait3A_86 = tpu.memref_slice %arg14[%add3A_72, %dma_wait3A_85] : memref<10240x64xf32, #tpu.memory_space<vmem_shared>> -> memref<128x64xf32, #tpu.memory_space<vmem_shared>>
      %dma_wait3A_87 = arith.constant 0 : i32
      %dma_wait3A_88 = tpu.memref_slice %arg14[%add3A_72, %dma_wait3A_87] : memref<10240x64xf32, #tpu.memory_space<vmem_shared>> -> memref<128x64xf32, #tpu.memory_space<vmem_shared>>
      tpu.wait_dma2 semaphore(%run_scoped3A : memref<!tpu.dma_semaphore, #tpu.memory_space<semaphore_mem>>) src(%dma_wait3A_88 : memref<128x64xf32, #tpu.memory_space<vmem_shared>>) dst(%arg9 : memref<128x64xf32, #tpu.memory_space<vmem>>)
      tpu.yield
    }) : () -> ()
    "tpu.region"() ({
      %run_scoped3A = tpu.sem_alloc : memref<!tpu.dma_semaphore, #tpu.memory_space<semaphore_mem>>
      %dma_start3A_81 = arith.constant 0 : i32
      %dma_start3A_82 = arith.constant 0 : i32
      %dma_start3A_83 = tpu.memref_slice %arg6[%arg0, %dma_start3A_81, %dma_start3A_82] : memref<2x10240x64xf32, #tpu.memory_space<hbm>> -> memref<1x10240x64xf32, #tpu.memory_space<hbm>>
      %dma_start3A_84 = tpu.memref_squeeze %dma_start3A_83 : memref<1x10240x64xf32, #tpu.memory_space<hbm>> -> memref<10240x64xf32, #tpu.memory_space<hbm>>
      %dma_start3A_85 = arith.constant 0 : i32
      %dma_start3A_86 = tpu.memref_slice %dma_start3A_84[%add3A_72, %dma_start3A_85] : memref<10240x64xf32, #tpu.memory_space<hbm>> -> memref<128x64xf32, #tpu.memory_space<hbm>>
      %dma_start3A_87 = arith.constant 0 : i32
      %dma_start3A_88 = arith.constant 0 : i32
      %dma_start3A_89 = tpu.memref_slice %arg6[%arg0, %dma_start3A_87, %dma_start3A_88] : memref<2x10240x64xf32, #tpu.memory_space<hbm>> -> memref<1x10240x64xf32, #tpu.memory_space<hbm>>
      %dma_start3A_90 = tpu.memref_squeeze %dma_start3A_89 : memref<1x10240x64xf32, #tpu.memory_space<hbm>> -> memref<10240x64xf32, #tpu.memory_space<hbm>>
      %dma_start3A_91 = arith.constant 0 : i32
      %dma_start3A_92 = tpu.memref_slice %dma_start3A_90[%add3A_72, %dma_start3A_91] : memref<10240x64xf32, #tpu.memory_space<hbm>> -> memref<128x64xf32, #tpu.memory_space<hbm>>
      tpu.enqueue_dma source(%arg9 : memref<128x64xf32, #tpu.memory_space<vmem>>) target(%dma_start3A_92 : memref<128x64xf32, #tpu.memory_space<hbm>>) target_semaphore(%run_scoped3A : memref<!tpu.dma_semaphore, #tpu.memory_space<semaphore_mem>>)
      %dma_wait3A_93 = arith.constant 0 : i32
      %dma_wait3A_94 = arith.constant 0 : i32
      %dma_wait3A_95 = tpu.memref_slice %arg6[%arg0, %dma_wait3A_93, %dma_wait3A_94] : memref<2x10240x64xf32, #tpu.memory_space<hbm>> -> memref<1x10240x64xf32, #tpu.memory_space<hbm>>
      %dma_wait3A_96 = tpu.memref_squeeze %dma_wait3A_95 : memref<1x10240x64xf32, #tpu.memory_space<hbm>> -> memref<10240x64xf32, #tpu.memory_space<hbm>>
      %dma_wait3A_97 = arith.constant 0 : i32
      %dma_wait3A_98 = tpu.memref_slice %dma_wait3A_96[%add3A_72, %dma_wait3A_97] : memref<10240x64xf32, #tpu.memory_space<hbm>> -> memref<128x64xf32, #tpu.memory_space<hbm>>
      %dma_wait3A_99 = arith.constant 0 : i32
      %dma_wait3A_100 = arith.constant 0 : i32
      %dma_wait3A_101 = tpu.memref_slice %arg6[%arg0, %dma_wait3A_99, %dma_wait3A_100] : memref<2x10240x64xf32, #tpu.memory_space<hbm>> -> memref<1x10240x64xf32, #tpu.memory_space<hbm>>
      %dma_wait3A_102 = tpu.memref_squeeze %dma_wait3A_101 : memref<1x10240x64xf32, #tpu.memory_space<hbm>> -> memref<10240x64xf32, #tpu.memory_space<hbm>>
      %dma_wait3A_103 = arith.constant 0 : i32
      %dma_wait3A_104 = tpu.memref_slice %dma_wait3A_102[%add3A_72, %dma_wait3A_103] : memref<10240x64xf32, #tpu.memory_space<hbm>> -> memref<128x64xf32, #tpu.memory_space<hbm>>
      tpu.wait_dma2 semaphore(%run_scoped3A : memref<!tpu.dma_semaphore, #tpu.memory_space<semaphore_mem>>) src(%arg9 : memref<128x64xf32, #tpu.memory_space<vmem>>) dst(%dma_wait3A_104 : memref<128x64xf32, #tpu.memory_space<hbm>>)
      tpu.yield
    }) : () -> ()
    %mul3A_73 = arith.constant 640 : i32
    %mul3A_74 = arith.muli %arg1, %mul3A_73 : i32
    %add3A_75 = arith.constant 384 : i32
    %add3A_76 = arith.addi %mul3A_74, %add3A_75 : i32
    "tpu.region"() ({
      %run_scoped3A = tpu.sem_alloc : memref<!tpu.dma_semaphore, #tpu.memory_space<semaphore_mem>>
      %dma_start3A_81 = arith.constant 0 : i32
      %dma_start3A_82 = tpu.memref_slice %arg14[%add3A_76, %dma_start3A_81] : memref<10240x64xf32, #tpu.memory_space<vmem_shared>> -> memref<128x64xf32, #tpu.memory_space<vmem_shared>>
      %dma_start3A_83 = arith.constant 0 : i32
      %dma_start3A_84 = tpu.memref_slice %arg14[%add3A_76, %dma_start3A_83] : memref<10240x64xf32, #tpu.memory_space<vmem_shared>> -> memref<128x64xf32, #tpu.memory_space<vmem_shared>>
      tpu.enqueue_dma source(%dma_start3A_84 : memref<128x64xf32, #tpu.memory_space<vmem_shared>>) target(%arg9 : memref<128x64xf32, #tpu.memory_space<vmem>>) target_semaphore(%run_scoped3A : memref<!tpu.dma_semaphore, #tpu.memory_space<semaphore_mem>>)
      %dma_wait3A_85 = arith.constant 0 : i32
      %dma_wait3A_86 = tpu.memref_slice %arg14[%add3A_76, %dma_wait3A_85] : memref<10240x64xf32, #tpu.memory_space<vmem_shared>> -> memref<128x64xf32, #tpu.memory_space<vmem_shared>>
      %dma_wait3A_87 = arith.constant 0 : i32
      %dma_wait3A_88 = tpu.memref_slice %arg14[%add3A_76, %dma_wait3A_87] : memref<10240x64xf32, #tpu.memory_space<vmem_shared>> -> memref<128x64xf32, #tpu.memory_space<vmem_shared>>
      tpu.wait_dma2 semaphore(%run_scoped3A : memref<!tpu.dma_semaphore, #tpu.memory_space<semaphore_mem>>) src(%dma_wait3A_88 : memref<128x64xf32, #tpu.memory_space<vmem_shared>>) dst(%arg9 : memref<128x64xf32, #tpu.memory_space<vmem>>)
      tpu.yield
    }) : () -> ()
    "tpu.region"() ({
      %run_scoped3A = tpu.sem_alloc : memref<!tpu.dma_semaphore, #tpu.memory_space<semaphore_mem>>
      %dma_start3A_81 = arith.constant 0 : i32
      %dma_start3A_82 = arith.constant 0 : i32
      %dma_start3A_83 = tpu.memref_slice %arg6[%arg0, %dma_start3A_81, %dma_start3A_82] : memref<2x10240x64xf32, #tpu.memory_space<hbm>> -> memref<1x10240x64xf32, #tpu.memory_space<hbm>>
      %dma_start3A_84 = tpu.memref_squeeze %dma_start3A_83 : memref<1x10240x64xf32, #tpu.memory_space<hbm>> -> memref<10240x64xf32, #tpu.memory_space<hbm>>
      %dma_start3A_85 = arith.constant 0 : i32
      %dma_start3A_86 = tpu.memref_slice %dma_start3A_84[%add3A_76, %dma_start3A_85] : memref<10240x64xf32, #tpu.memory_space<hbm>> -> memref<128x64xf32, #tpu.memory_space<hbm>>
      %dma_start3A_87 = arith.constant 0 : i32
      %dma_start3A_88 = arith.constant 0 : i32
      %dma_start3A_89 = tpu.memref_slice %arg6[%arg0, %dma_start3A_87, %dma_start3A_88] : memref<2x10240x64xf32, #tpu.memory_space<hbm>> -> memref<1x10240x64xf32, #tpu.memory_space<hbm>>
      %dma_start3A_90 = tpu.memref_squeeze %dma_start3A_89 : memref<1x10240x64xf32, #tpu.memory_space<hbm>> -> memref<10240x64xf32, #tpu.memory_space<hbm>>
      %dma_start3A_91 = arith.constant 0 : i32
      %dma_start3A_92 = tpu.memref_slice %dma_start3A_90[%add3A_76, %dma_start3A_91] : memref<10240x64xf32, #tpu.memory_space<hbm>> -> memref<128x64xf32, #tpu.memory_space<hbm>>
      tpu.enqueue_dma source(%arg9 : memref<128x64xf32, #tpu.memory_space<vmem>>) target(%dma_start3A_92 : memref<128x64xf32, #tpu.memory_space<hbm>>) target_semaphore(%run_scoped3A : memref<!tpu.dma_semaphore, #tpu.memory_space<semaphore_mem>>)
      %dma_wait3A_93 = arith.constant 0 : i32
      %dma_wait3A_94 = arith.constant 0 : i32
      %dma_wait3A_95 = tpu.memref_slice %arg6[%arg0, %dma_wait3A_93, %dma_wait3A_94] : memref<2x10240x64xf32, #tpu.memory_space<hbm>> -> memref<1x10240x64xf32, #tpu.memory_space<hbm>>
      %dma_wait3A_96 = tpu.memref_squeeze %dma_wait3A_95 : memref<1x10240x64xf32, #tpu.memory_space<hbm>> -> memref<10240x64xf32, #tpu.memory_space<hbm>>
      %dma_wait3A_97 = arith.constant 0 : i32
      %dma_wait3A_98 = tpu.memref_slice %dma_wait3A_96[%add3A_76, %dma_wait3A_97] : memref<10240x64xf32, #tpu.memory_space<hbm>> -> memref<128x64xf32, #tpu.memory_space<hbm>>
      %dma_wait3A_99 = arith.constant 0 : i32
      %dma_wait3A_100 = arith.constant 0 : i32
      %dma_wait3A_101 = tpu.memref_slice %arg6[%arg0, %dma_wait3A_99, %dma_wait3A_100] : memref<2x10240x64xf32, #tpu.memory_space<hbm>> -> memref<1x10240x64xf32, #tpu.memory_space<hbm>>
      %dma_wait3A_102 = tpu.memref_squeeze %dma_wait3A_101 : memref<1x10240x64xf32, #tpu.memory_space<hbm>> -> memref<10240x64xf32, #tpu.memory_space<hbm>>
      %dma_wait3A_103 = arith.constant 0 : i32
      %dma_wait3A_104 = tpu.memref_slice %dma_wait3A_102[%add3A_76, %dma_wait3A_103] : memref<10240x64xf32, #tpu.memory_space<hbm>> -> memref<128x64xf32, #tpu.memory_space<hbm>>
      tpu.wait_dma2 semaphore(%run_scoped3A : memref<!tpu.dma_semaphore, #tpu.memory_space<semaphore_mem>>) src(%arg9 : memref<128x64xf32, #tpu.memory_space<vmem>>) dst(%dma_wait3A_104 : memref<128x64xf32, #tpu.memory_space<hbm>>)
      tpu.yield
    }) : () -> ()
    %mul3A_77 = arith.constant 640 : i32
    %mul3A_78 = arith.muli %arg1, %mul3A_77 : i32
    %add3A_79 = arith.constant 512 : i32
    %add3A_80 = arith.addi %mul3A_78, %add3A_79 : i32
    "tpu.region"() ({
      %run_scoped3A = tpu.sem_alloc : memref<!tpu.dma_semaphore, #tpu.memory_space<semaphore_mem>>
      %dma_start3A_81 = arith.constant 0 : i32
      %dma_start3A_82 = tpu.memref_slice %arg14[%add3A_80, %dma_start3A_81] : memref<10240x64xf32, #tpu.memory_space<vmem_shared>> -> memref<128x64xf32, #tpu.memory_space<vmem_shared>>
      %dma_start3A_83 = arith.constant 0 : i32
      %dma_start3A_84 = tpu.memref_slice %arg14[%add3A_80, %dma_start3A_83] : memref<10240x64xf32, #tpu.memory_space<vmem_shared>> -> memref<128x64xf32, #tpu.memory_space<vmem_shared>>
      tpu.enqueue_dma source(%dma_start3A_84 : memref<128x64xf32, #tpu.memory_space<vmem_shared>>) target(%arg9 : memref<128x64xf32, #tpu.memory_space<vmem>>) target_semaphore(%run_scoped3A : memref<!tpu.dma_semaphore, #tpu.memory_space<semaphore_mem>>)
      %dma_wait3A_85 = arith.constant 0 : i32
      %dma_wait3A_86 = tpu.memref_slice %arg14[%add3A_80, %dma_wait3A_85] : memref<10240x64xf32, #tpu.memory_space<vmem_shared>> -> memref<128x64xf32, #tpu.memory_space<vmem_shared>>
      %dma_wait3A_87 = arith.constant 0 : i32
      %dma_wait3A_88 = tpu.memref_slice %arg14[%add3A_80, %dma_wait3A_87] : memref<10240x64xf32, #tpu.memory_space<vmem_shared>> -> memref<128x64xf32, #tpu.memory_space<vmem_shared>>
      tpu.wait_dma2 semaphore(%run_scoped3A : memref<!tpu.dma_semaphore, #tpu.memory_space<semaphore_mem>>) src(%dma_wait3A_88 : memref<128x64xf32, #tpu.memory_space<vmem_shared>>) dst(%arg9 : memref<128x64xf32, #tpu.memory_space<vmem>>)
      tpu.yield
    }) : () -> ()
    "tpu.region"() ({
      %run_scoped3A = tpu.sem_alloc : memref<!tpu.dma_semaphore, #tpu.memory_space<semaphore_mem>>
      %dma_start3A_81 = arith.constant 0 : i32
      %dma_start3A_82 = arith.constant 0 : i32
      %dma_start3A_83 = tpu.memref_slice %arg6[%arg0, %dma_start3A_81, %dma_start3A_82] : memref<2x10240x64xf32, #tpu.memory_space<hbm>> -> memref<1x10240x64xf32, #tpu.memory_space<hbm>>
      %dma_start3A_84 = tpu.memref_squeeze %dma_start3A_83 : memref<1x10240x64xf32, #tpu.memory_space<hbm>> -> memref<10240x64xf32, #tpu.memory_space<hbm>>
      %dma_start3A_85 = arith.constant 0 : i32
      %dma_start3A_86 = tpu.memref_slice %dma_start3A_84[%add3A_80, %dma_start3A_85] : memref<10240x64xf32, #tpu.memory_space<hbm>> -> memref<128x64xf32, #tpu.memory_space<hbm>>
      %dma_start3A_87 = arith.constant 0 : i32
      %dma_start3A_88 = arith.constant 0 : i32
      %dma_start3A_89 = tpu.memref_slice %arg6[%arg0, %dma_start3A_87, %dma_start3A_88] : memref<2x10240x64xf32, #tpu.memory_space<hbm>> -> memref<1x10240x64xf32, #tpu.memory_space<hbm>>
      %dma_start3A_90 = tpu.memref_squeeze %dma_start3A_89 : memref<1x10240x64xf32, #tpu.memory_space<hbm>> -> memref<10240x64xf32, #tpu.memory_space<hbm>>
      %dma_start3A_91 = arith.constant 0 : i32
      %dma_start3A_92 = tpu.memref_slice %dma_start3A_90[%add3A_80, %dma_start3A_91] : memref<10240x64xf32, #tpu.memory_space<hbm>> -> memref<128x64xf32, #tpu.memory_space<hbm>>
      tpu.enqueue_dma source(%arg9 : memref<128x64xf32, #tpu.memory_space<vmem>>) target(%dma_start3A_92 : memref<128x64xf32, #tpu.memory_space<hbm>>) target_semaphore(%run_scoped3A : memref<!tpu.dma_semaphore, #tpu.memory_space<semaphore_mem>>)
      %dma_wait3A_93 = arith.constant 0 : i32
      %dma_wait3A_94 = arith.constant 0 : i32
      %dma_wait3A_95 = tpu.memref_slice %arg6[%arg0, %dma_wait3A_93, %dma_wait3A_94] : memref<2x10240x64xf32, #tpu.memory_space<hbm>> -> memref<1x10240x64xf32, #tpu.memory_space<hbm>>
      %dma_wait3A_96 = tpu.memref_squeeze %dma_wait3A_95 : memref<1x10240x64xf32, #tpu.memory_space<hbm>> -> memref<10240x64xf32, #tpu.memory_space<hbm>>
      %dma_wait3A_97 = arith.constant 0 : i32
      %dma_wait3A_98 = tpu.memref_slice %dma_wait3A_96[%add3A_80, %dma_wait3A_97] : memref<10240x64xf32, #tpu.memory_space<hbm>> -> memref<128x64xf32, #tpu.memory_space<hbm>>
      %dma_wait3A_99 = arith.constant 0 : i32
      %dma_wait3A_100 = arith.constant 0 : i32
      %dma_wait3A_101 = tpu.memref_slice %arg6[%arg0, %dma_wait3A_99, %dma_wait3A_100] : memref<2x10240x64xf32, #tpu.memory_space<hbm>> -> memref<1x10240x64xf32, #tpu.memory_space<hbm>>
      %dma_wait3A_102 = tpu.memref_squeeze %dma_wait3A_101 : memref<1x10240x64xf32, #tpu.memory_space<hbm>> -> memref<10240x64xf32, #tpu.memory_space<hbm>>
      %dma_wait3A_103 = arith.constant 0 : i32
      %dma_wait3A_104 = tpu.memref_slice %dma_wait3A_102[%add3A_80, %dma_wait3A_103] : memref<10240x64xf32, #tpu.memory_space<hbm>> -> memref<128x64xf32, #tpu.memory_space<hbm>>
      tpu.wait_dma2 semaphore(%run_scoped3A : memref<!tpu.dma_semaphore, #tpu.memory_space<semaphore_mem>>) src(%arg9 : memref<128x64xf32, #tpu.memory_space<vmem>>) dst(%dma_wait3A_104 : memref<128x64xf32, #tpu.memory_space<hbm>>)
      tpu.yield
    }) : () -> ()
    return
  }
}

module attributes {stable_mosaic.version = 14 : i64} {
  func.func @body(%arg0: i32, %arg1: memref<2x400x64xf32, #tpu.memory_space<vmem>>, %arg2: memref<2x400x16xf32, #tpu.memory_space<vmem>>, %arg3: memref<400x128xf32, #tpu.memory_space<vmem>>, %arg4: memref<128x128xf32, #tpu.memory_space<vmem>>, %arg5: memref<128x128xf32, #tpu.memory_space<vmem>>, %arg6: memref<1x128xf32, #tpu.memory_space<vmem>>, %arg7: memref<400x128xf32, #tpu.memory_space<vmem>>, %arg8: memref<2x400x64xf32, #tpu.memory_space<vmem>>) attributes {dimension_semantics = [#tpu.dimension_semantics<arbitrary>], iteration_bounds = array<i64: 25>, scalar_prefetch = 0 : i64, scratch_operands = 0 : i64, tpu.core_type = #tpu.core_type<tc>, window_params = [{transform_indices = @transform_0, window_bounds = array<i64: 2, 400, 64>}, {transform_indices = @transform_1, window_bounds = array<i64: 2, 400, 16>}, {transform_indices = @transform_2, window_bounds = array<i64: 400, 128>}, {pipeline_mode = #tpu.pipeline_mode<synchronous>, transform_indices = @transform_3, window_bounds = array<i64: 128, 128>}, {pipeline_mode = #tpu.pipeline_mode<synchronous>, transform_indices = @transform_4, window_bounds = array<i64: 128, 128>}, {pipeline_mode = #tpu.pipeline_mode<synchronous>, transform_indices = @transform_5, window_bounds = array<i64: 1, 128>}, {transform_indices = @transform_6, window_bounds = array<i64: 400, 128>}, {transform_indices = @transform_7, window_bounds = array<i64: 2, 400, 64>}]} {
    %get3A = arith.constant 0 : index
    %get3A_0 = arith.constant 0 : index
    %get3A_1 = arith.constant 0 : index
    %get3A_2 = vector.load %arg2[%get3A, %get3A_0, %get3A_1] : memref<2x400x16xf32, #tpu.memory_space<vmem>>, vector<1x400x1xf32>
    %get3A_3 = vector.shape_cast %get3A_2 : vector<1x400x1xf32> to vector<400x1xf32>
    %get3A_4 = arith.constant 1 : index
    %get3A_5 = arith.constant 0 : index
    %get3A_6 = arith.constant 0 : index
    %get3A_7 = vector.load %arg2[%get3A_4, %get3A_5, %get3A_6] : memref<2x400x16xf32, #tpu.memory_space<vmem>>, vector<1x400x1xf32>
    %get3A_8 = vector.shape_cast %get3A_7 : vector<1x400x1xf32> to vector<400x1xf32>
    %add3A = arith.addf %get3A_3, %get3A_8 : vector<400x1xf32>
    %max3A = arith.constant 1.000000e+00 : f32
    %max3A_9 = vector.broadcast %max3A : f32 to vector<400x1xf32>
    %max3A_10 = arith.maximumf %add3A, %max3A_9 : vector<400x1xf32>
    %get3A_11 = arith.constant 0 : index
    %get3A_12 = arith.constant 0 : index
    %get3A_13 = arith.constant 0 : index
    %get3A_14 = vector.load %arg1[%get3A_11, %get3A_12, %get3A_13] : memref<2x400x64xf32, #tpu.memory_space<vmem>>, vector<1x400x64xf32>
    %get3A_15 = vector.shape_cast %get3A_14 : vector<1x400x64xf32> to vector<400x64xf32>
    %div3A = vector.broadcast %max3A_10 : vector<400x1xf32> to vector<400x64xf32>
    %div3A_16 = arith.divf %get3A_15, %div3A : vector<400x64xf32>
    %get3A_17 = arith.constant 0 : index
    %get3A_18 = arith.constant 0 : index
    %get3A_19 = vector.load %arg4[%get3A_17, %get3A_18] : memref<128x128xf32, #tpu.memory_space<vmem>>, vector<64x128xf32>
    %dot_general3A = arith.constant dense<0.000000e+00> : vector<400x128xf32>
    %dot_general3A_20 = tpu.matmul %div3A_16, %get3A_19, %dot_general3A {dimension_numbers = #tpu.dot_dimension_numbers<[1], [0], [0], [1], [0, 0, 1, 1], [], []>, transpose_lhs_hint = false} : vector<400x64xf32>, vector<64x128xf32>, vector<400x128xf32> -> vector<400x128xf32>
    %get3A_21 = arith.constant 1 : index
    %get3A_22 = arith.constant 0 : index
    %get3A_23 = arith.constant 0 : index
    %get3A_24 = vector.load %arg1[%get3A_21, %get3A_22, %get3A_23] : memref<2x400x64xf32, #tpu.memory_space<vmem>>, vector<1x400x64xf32>
    %get3A_25 = vector.shape_cast %get3A_24 : vector<1x400x64xf32> to vector<400x64xf32>
    %div3A_26 = vector.broadcast %max3A_10 : vector<400x1xf32> to vector<400x64xf32>
    %div3A_27 = arith.divf %get3A_25, %div3A_26 : vector<400x64xf32>
    %get3A_28 = arith.constant 64 : index
    %get3A_29 = arith.constant 0 : index
    %get3A_30 = vector.load %arg4[%get3A_28, %get3A_29] : memref<128x128xf32, #tpu.memory_space<vmem>>, vector<64x128xf32>
    %dot_general3A_31 = arith.constant dense<0.000000e+00> : vector<400x128xf32>
    %dot_general3A_32 = tpu.matmul %div3A_27, %get3A_30, %dot_general3A_31 {dimension_numbers = #tpu.dot_dimension_numbers<[1], [0], [0], [1], [0, 0, 1, 1], [], []>, transpose_lhs_hint = false} : vector<400x64xf32>, vector<64x128xf32>, vector<400x128xf32> -> vector<400x128xf32>
    %add3A_33 = arith.addf %dot_general3A_20, %dot_general3A_32 : vector<400x128xf32>
    %get3A_34 = arith.constant 0 : index
    %get3A_35 = arith.constant 0 : index
    %get3A_36 = vector.load %arg3[%get3A_34, %get3A_35] : memref<400x128xf32, #tpu.memory_space<vmem>>, vector<400x128xf32>
    %get3A_37 = arith.constant 0 : index
    %get3A_38 = arith.constant 0 : index
    %get3A_39 = vector.load %arg5[%get3A_37, %get3A_38] : memref<128x128xf32, #tpu.memory_space<vmem>>, vector<128x128xf32>
    %dot_general3A_40 = arith.constant dense<0.000000e+00> : vector<400x128xf32>
    %dot_general3A_41 = tpu.matmul %get3A_36, %get3A_39, %dot_general3A_40 {dimension_numbers = #tpu.dot_dimension_numbers<[1], [0], [0], [1], [0, 0, 1, 1], [], []>, transpose_lhs_hint = false} : vector<400x128xf32>, vector<128x128xf32>, vector<400x128xf32> -> vector<400x128xf32>
    %add3A_42 = arith.addf %add3A_33, %dot_general3A_41 : vector<400x128xf32>
    %get3A_43 = arith.constant 0 : index
    %get3A_44 = arith.constant 0 : index
    %get3A_45 = vector.load %arg6[%get3A_43, %get3A_44] : memref<1x128xf32, #tpu.memory_space<vmem>>, vector<1x128xf32>
    %add3A_46 = vector.broadcast %get3A_45 : vector<1x128xf32> to vector<400x128xf32>
    %add3A_47 = arith.addf %add3A_42, %add3A_46 : vector<400x128xf32>
    %max3A_48 = arith.constant 0.000000e+00 : f32
    %max3A_49 = vector.broadcast %max3A_48 : f32 to vector<400x128xf32>
    %max3A_50 = arith.maximumf %add3A_47, %max3A_49 : vector<400x128xf32>
    %swap3A = arith.constant 0 : index
    %swap3A_51 = arith.constant 0 : index
    %swap3A_52 = vector.load %arg7[%swap3A, %swap3A_51] : memref<400x128xf32, #tpu.memory_space<vmem>>, vector<400x128xf32>
    tpu.vector_store %arg7[%swap3A, %swap3A_51], %max3A_50 {strides = array<i32>} : memref<400x128xf32, #tpu.memory_space<vmem>>, vector<400x128xf32>,
    %slice3A = vector.extract_strided_slice %max3A_50 {offsets = [0, 0], sizes = [400, 64], strides = [1, 1]} : vector<400x128xf32> to vector<400x64xf32>
    %swap3A_53 = arith.constant 0 : index
    %swap3A_54 = arith.constant 0 : index
    %swap3A_55 = arith.constant 0 : index
    %swap3A_56 = vector.load %arg8[%swap3A_53, %swap3A_54, %swap3A_55] : memref<2x400x64xf32, #tpu.memory_space<vmem>>, vector<1x400x64xf32>
    %swap3A_57 = vector.shape_cast %swap3A_56 : vector<1x400x64xf32> to vector<400x64xf32>
    %swap3A_58 = vector.shape_cast %slice3A : vector<400x64xf32> to vector<1x400x64xf32>
    tpu.vector_store %arg8[%swap3A_53, %swap3A_54, %swap3A_55], %swap3A_58 {strides = array<i32>} : memref<2x400x64xf32, #tpu.memory_space<vmem>>, vector<1x400x64xf32>,
    %slice3A_59 = vector.extract_strided_slice %max3A_50 {offsets = [0, 64], sizes = [400, 64], strides = [1, 1]} : vector<400x128xf32> to vector<400x64xf32>
    %swap3A_60 = arith.constant 1 : index
    %swap3A_61 = arith.constant 0 : index
    %swap3A_62 = arith.constant 0 : index
    %swap3A_63 = vector.load %arg8[%swap3A_60, %swap3A_61, %swap3A_62] : memref<2x400x64xf32, #tpu.memory_space<vmem>>, vector<1x400x64xf32>
    %swap3A_64 = vector.shape_cast %swap3A_63 : vector<1x400x64xf32> to vector<400x64xf32>
    %swap3A_65 = vector.shape_cast %slice3A_59 : vector<400x64xf32> to vector<1x400x64xf32>
    tpu.vector_store %arg8[%swap3A_60, %swap3A_61, %swap3A_62], %swap3A_65 {strides = array<i32>} : memref<2x400x64xf32, #tpu.memory_space<vmem>>, vector<1x400x64xf32>,
    return
  }
  func.func @transform_0(%arg0: i32) -> (i32, i32, i32) {
    %c0_i32 = arith.constant 0 : i32
    %c0_i32_0 = arith.constant 0 : i32
    %c0_i32_1 = arith.constant 0 : i32
    return %c0_i32, %arg0, %c0_i32_0 : i32, i32, i32
  }
  func.func @transform_1(%arg0: i32) -> (i32, i32, i32) {
    %c0_i32 = arith.constant 0 : i32
    %c0_i32_0 = arith.constant 0 : i32
    %c0_i32_1 = arith.constant 0 : i32
    return %c0_i32, %arg0, %c0_i32_0 : i32, i32, i32
  }
  func.func @transform_2(%arg0: i32) -> (i32, i32) {
    %c0_i32 = arith.constant 0 : i32
    %c0_i32_0 = arith.constant 0 : i32
    return %arg0, %c0_i32 : i32, i32
  }
  func.func @transform_3(%arg0: i32) -> (i32, i32) {
    %c0_i32 = arith.constant 0 : i32
    %c0_i32_0 = arith.constant 0 : i32
    %c0_i32_1 = arith.constant 0 : i32
    return %c0_i32, %c0_i32_0 : i32, i32
  }
  func.func @transform_4(%arg0: i32) -> (i32, i32) {
    %c0_i32 = arith.constant 0 : i32
    %c0_i32_0 = arith.constant 0 : i32
    %c0_i32_1 = arith.constant 0 : i32
    return %c0_i32, %c0_i32_0 : i32, i32
  }
  func.func @transform_5(%arg0: i32) -> (i32, i32) {
    %c0_i32 = arith.constant 0 : i32
    %c0_i32_0 = arith.constant 0 : i32
    %c0_i32_1 = arith.constant 0 : i32
    return %c0_i32, %c0_i32_0 : i32, i32
  }
  func.func @transform_6(%arg0: i32) -> (i32, i32) {
    %c0_i32 = arith.constant 0 : i32
    %c0_i32_0 = arith.constant 0 : i32
    return %arg0, %c0_i32 : i32, i32
  }
  func.func @transform_7(%arg0: i32) -> (i32, i32, i32) {
    %c0_i32 = arith.constant 0 : i32
    %c0_i32_0 = arith.constant 0 : i32
    %c0_i32_1 = arith.constant 0 : i32
    return %c0_i32, %arg0, %c0_i32_0 : i32, i32, i32
  }
}

module attributes {stable_mosaic.version = 14 : i64} {
  func.func @body(%arg0: i32, %arg1: memref<2x400x64xf32, #tpu.memory_space<vmem>>, %arg2: memref<2x400x16xf32, #tpu.memory_space<vmem>>, %arg3: memref<400x128xf32, #tpu.memory_space<vmem>>, %arg4: memref<128x128xf32, #tpu.memory_space<vmem>>, %arg5: memref<128x128xf32, #tpu.memory_space<vmem>>, %arg6: memref<1x128xf32, #tpu.memory_space<vmem>>, %arg7: memref<400x128xf32, #tpu.memory_space<vmem>>) attributes {dimension_semantics = [#tpu.dimension_semantics<arbitrary>], iteration_bounds = array<i64: 25>, scalar_prefetch = 0 : i64, scratch_operands = 0 : i64, tpu.core_type = #tpu.core_type<tc>, window_params = [{transform_indices = @transform_0, window_bounds = array<i64: 2, 400, 64>}, {transform_indices = @transform_1, window_bounds = array<i64: 2, 400, 16>}, {transform_indices = @transform_2, window_bounds = array<i64: 400, 128>}, {pipeline_mode = #tpu.pipeline_mode<synchronous>, transform_indices = @transform_3, window_bounds = array<i64: 128, 128>}, {pipeline_mode = #tpu.pipeline_mode<synchronous>, transform_indices = @transform_4, window_bounds = array<i64: 128, 128>}, {pipeline_mode = #tpu.pipeline_mode<synchronous>, transform_indices = @transform_5, window_bounds = array<i64: 1, 128>}, {transform_indices = @transform_6, window_bounds = array<i64: 400, 128>}]} {
    %get3A = arith.constant 0 : index
    %get3A_0 = arith.constant 0 : index
    %get3A_1 = arith.constant 0 : index
    %get3A_2 = vector.load %arg2[%get3A, %get3A_0, %get3A_1] : memref<2x400x16xf32, #tpu.memory_space<vmem>>, vector<1x400x1xf32>
    %get3A_3 = vector.shape_cast %get3A_2 : vector<1x400x1xf32> to vector<400x1xf32>
    %get3A_4 = arith.constant 1 : index
    %get3A_5 = arith.constant 0 : index
    %get3A_6 = arith.constant 0 : index
    %get3A_7 = vector.load %arg2[%get3A_4, %get3A_5, %get3A_6] : memref<2x400x16xf32, #tpu.memory_space<vmem>>, vector<1x400x1xf32>
    %get3A_8 = vector.shape_cast %get3A_7 : vector<1x400x1xf32> to vector<400x1xf32>
    %add3A = arith.addf %get3A_3, %get3A_8 : vector<400x1xf32>
    %max3A = arith.constant 1.000000e+00 : f32
    %max3A_9 = vector.broadcast %max3A : f32 to vector<400x1xf32>
    %max3A_10 = arith.maximumf %add3A, %max3A_9 : vector<400x1xf32>
    %get3A_11 = arith.constant 0 : index
    %get3A_12 = arith.constant 0 : index
    %get3A_13 = arith.constant 0 : index
    %get3A_14 = vector.load %arg1[%get3A_11, %get3A_12, %get3A_13] : memref<2x400x64xf32, #tpu.memory_space<vmem>>, vector<1x400x64xf32>
    %get3A_15 = vector.shape_cast %get3A_14 : vector<1x400x64xf32> to vector<400x64xf32>
    %div3A = vector.broadcast %max3A_10 : vector<400x1xf32> to vector<400x64xf32>
    %div3A_16 = arith.divf %get3A_15, %div3A : vector<400x64xf32>
    %get3A_17 = arith.constant 0 : index
    %get3A_18 = arith.constant 0 : index
    %get3A_19 = vector.load %arg4[%get3A_17, %get3A_18] : memref<128x128xf32, #tpu.memory_space<vmem>>, vector<64x128xf32>
    %dot_general3A = arith.constant dense<0.000000e+00> : vector<400x128xf32>
    %dot_general3A_20 = tpu.matmul %div3A_16, %get3A_19, %dot_general3A {dimension_numbers = #tpu.dot_dimension_numbers<[1], [0], [0], [1], [0, 0, 1, 1], [], []>, transpose_lhs_hint = false} : vector<400x64xf32>, vector<64x128xf32>, vector<400x128xf32> -> vector<400x128xf32>
    %get3A_21 = arith.constant 1 : index
    %get3A_22 = arith.constant 0 : index
    %get3A_23 = arith.constant 0 : index
    %get3A_24 = vector.load %arg1[%get3A_21, %get3A_22, %get3A_23] : memref<2x400x64xf32, #tpu.memory_space<vmem>>, vector<1x400x64xf32>
    %get3A_25 = vector.shape_cast %get3A_24 : vector<1x400x64xf32> to vector<400x64xf32>
    %div3A_26 = vector.broadcast %max3A_10 : vector<400x1xf32> to vector<400x64xf32>
    %div3A_27 = arith.divf %get3A_25, %div3A_26 : vector<400x64xf32>
    %get3A_28 = arith.constant 64 : index
    %get3A_29 = arith.constant 0 : index
    %get3A_30 = vector.load %arg4[%get3A_28, %get3A_29] : memref<128x128xf32, #tpu.memory_space<vmem>>, vector<64x128xf32>
    %dot_general3A_31 = arith.constant dense<0.000000e+00> : vector<400x128xf32>
    %dot_general3A_32 = tpu.matmul %div3A_27, %get3A_30, %dot_general3A_31 {dimension_numbers = #tpu.dot_dimension_numbers<[1], [0], [0], [1], [0, 0, 1, 1], [], []>, transpose_lhs_hint = false} : vector<400x64xf32>, vector<64x128xf32>, vector<400x128xf32> -> vector<400x128xf32>
    %add3A_33 = arith.addf %dot_general3A_20, %dot_general3A_32 : vector<400x128xf32>
    %get3A_34 = arith.constant 0 : index
    %get3A_35 = arith.constant 0 : index
    %get3A_36 = vector.load %arg3[%get3A_34, %get3A_35] : memref<400x128xf32, #tpu.memory_space<vmem>>, vector<400x128xf32>
    %get3A_37 = arith.constant 0 : index
    %get3A_38 = arith.constant 0 : index
    %get3A_39 = vector.load %arg5[%get3A_37, %get3A_38] : memref<128x128xf32, #tpu.memory_space<vmem>>, vector<128x128xf32>
    %dot_general3A_40 = arith.constant dense<0.000000e+00> : vector<400x128xf32>
    %dot_general3A_41 = tpu.matmul %get3A_36, %get3A_39, %dot_general3A_40 {dimension_numbers = #tpu.dot_dimension_numbers<[1], [0], [0], [1], [0, 0, 1, 1], [], []>, transpose_lhs_hint = false} : vector<400x128xf32>, vector<128x128xf32>, vector<400x128xf32> -> vector<400x128xf32>
    %add3A_42 = arith.addf %add3A_33, %dot_general3A_41 : vector<400x128xf32>
    %get3A_43 = arith.constant 0 : index
    %get3A_44 = arith.constant 0 : index
    %get3A_45 = vector.load %arg6[%get3A_43, %get3A_44] : memref<1x128xf32, #tpu.memory_space<vmem>>, vector<1x128xf32>
    %add3A_46 = vector.broadcast %get3A_45 : vector<1x128xf32> to vector<400x128xf32>
    %add3A_47 = arith.addf %add3A_42, %add3A_46 : vector<400x128xf32>
    %swap3A = arith.constant 0 : index
    %swap3A_48 = arith.constant 0 : index
    %swap3A_49 = vector.load %arg7[%swap3A, %swap3A_48] : memref<400x128xf32, #tpu.memory_space<vmem>>, vector<400x128xf32>
    tpu.vector_store %arg7[%swap3A, %swap3A_48], %add3A_47 {strides = array<i32>} : memref<400x128xf32, #tpu.memory_space<vmem>>, vector<400x128xf32>,
    return
  }
  func.func @transform_0(%arg0: i32) -> (i32, i32, i32) {
    %c0_i32 = arith.constant 0 : i32
    %c0_i32_0 = arith.constant 0 : i32
    %c0_i32_1 = arith.constant 0 : i32
    return %c0_i32, %arg0, %c0_i32_0 : i32, i32, i32
  }
  func.func @transform_1(%arg0: i32) -> (i32, i32, i32) {
    %c0_i32 = arith.constant 0 : i32
    %c0_i32_0 = arith.constant 0 : i32
    %c0_i32_1 = arith.constant 0 : i32
    return %c0_i32, %arg0, %c0_i32_0 : i32, i32, i32
  }
  func.func @transform_2(%arg0: i32) -> (i32, i32) {
    %c0_i32 = arith.constant 0 : i32
    %c0_i32_0 = arith.constant 0 : i32
    return %arg0, %c0_i32 : i32, i32
  }
  func.func @transform_3(%arg0: i32) -> (i32, i32) {
    %c0_i32 = arith.constant 0 : i32
    %c0_i32_0 = arith.constant 0 : i32
    %c0_i32_1 = arith.constant 0 : i32
    return %c0_i32, %c0_i32_0 : i32, i32
  }
  func.func @transform_4(%arg0: i32) -> (i32, i32) {
    %c0_i32 = arith.constant 0 : i32
    %c0_i32_0 = arith.constant 0 : i32
    %c0_i32_1 = arith.constant 0 : i32
    return %c0_i32, %c0_i32_0 : i32, i32
  }
  func.func @transform_5(%arg0: i32) -> (i32, i32) {
    %c0_i32 = arith.constant 0 : i32
    %c0_i32_0 = arith.constant 0 : i32
    %c0_i32_1 = arith.constant 0 : i32
    return %c0_i32, %c0_i32_0 : i32, i32
  }
  func.func @transform_6(%arg0: i32) -> (i32, i32) {
    %c0_i32 = arith.constant 0 : i32
    %c0_i32_0 = arith.constant 0 : i32
    return %arg0, %c0_i32 : i32, i32
  }
}

</mosaic_0001>

<sc_bundles>
// kernel: kernel.10.cloned.1.call-start
scs
__scs_entry_jumppad:
0x0: {  	(pc) =	sbr.rel $0x88, $3  }
0x1: {  	(tag) =	ssettag $0x0;
	lr =	simm.s32 $0x1  }
0x2: {  	[smem:$0x3F99] =	sst lr;
	_ =	strace $0xD0000000  }
0x3: {  	_ = 	snop  }
0x4: {  	_ = 	snop  }
0x5: {  	_ = 	snop  }
0x6: {  	_ = 	snop  }
0x7: {  	_ = 	snop  }
__scs_overlays_trampoline_lowered:
0x8: {  	[smem:$0x3FA8] =	sst s0  }
0x9: {  	[smem:$0x3FA9] =	sst s1  }
0xa: {  	[smem:$0x3FAA] =	sst s2  }
0xb: {  	[smem:$0x3FAB] =	sst s3  }
0xc: {  	[smem:$0x3FAC] =	sst s4  }
0xd: {  	[smem:$0x3FAD] =	sst s5  }
0xe: {  	[smem:$0x3FAE] =	sst s6  }
0xf: {  	[smem:$0x3FAF] =	sst s7  }
0x10: {  	[smem:$0x3FB0] =	sst s8  }
0x11: {  	[smem:$0x3FB1] =	sst s9;
	s0 =	simm.s32 @!p0 $0x0  }
0x12: {  	s1 =	sld [smem:$0x3F97];
	s0 =	simm.s32 @p0 $0x1  }
0x13: {  	[smem:$0x3FB2] =	sst s0;
	s0 =	simm.s32 @!p1 $0x0  }
0x14: {  	s2 =	sld [smem:$0x3F96];
	s0 =	simm.s32 @p1 $0x1  }
0x15: {  	[smem:$0x3FB3] =	sst s0;
	s0 =	simm.s32 @!p2 $0x0  }
0x16: {  	s3 =	sld [smem:$0x3FDB];
	s0 =	simm.s32 @p2 $0x1  }
0x17: {  	s4 =	simm.s32 $0x1BF5;
	[smem:$0x3FB5] =	sst s0  }
0x18: {  	s0 =	sld [smem:$0x3F98];
	_ =	swait.ge [sflag:s4], $0x0  }
0x19: {  	s7 =	sld [smem:$0x3F99]  }
0x1a: {  	s8 =	sadd.s32 $0xFFFFE003, lr  }
0x1b: {  	s9 =	sadd.s32 $0xFFFFFEF7, lr;
	s5 =	simm.s32 $0xFFFFFFFF;
	p2 =	slt.u32 s8, $0xFFFFF086  }
0x1c: {  	p1 =	slt.u32 s9, $0xF7A;
	s5 =	simm.s32 @!p2 $0x0  }
0x1d: {  	s5 =	simm.s32 @p1 $0x1;
	p0 =	seq.s32 s7, s2  }
0x1e: {  	s7 =	smul.u32 @!p0 $0xF7A, s2;
	p2 =	seq.s32 @!p0 s5, $0x0  }
0x1f: {  	s9 =	smul.u32 $0xF7A, s1;
	s8 =	simm.s32 @!p0 $0x1BF5;
	p2 =	por !p2, p0  }
0x20: {  	[sflag:s8] =	ssyncset.s32 @!p0 $0xFFFFF086;
	s6 =	sadd.s32 @!p0 s3, s7;
	s7 =	simm.s32 @!p0 $0x108  }
0x21: {  	s3 =	sadd.s32 s3, s9;
	s6 =	sadd.s32 @!p0 $0x88, s6;
	s7 =	simm.s32 @p2 $0x1082  }
0x22: {  	[simem:s7], [sflag:s8] =	dma.local @!p0 [hbm:s6], $0xF7A  }
0x23: {  	s9 =	sor.u32 $0xD0000000, s2;
	s6 =	simm.s32 $0x108;
	_ =	swait.ge @!p0 [sflag:s8], $0x0  }
0x24: {  	s3 =	sadd.s32 $0x88, s3;
	s6 =	simm.s32 @!p1 $0x1082;
	[sflag:s4] =	ssyncset.s32 $0xFFFFF086  }
0x25: {  	[simem:s6], [sflag:s4] =	dma.local [hbm:s3], $0xF7A  }
0x26: {  	[smem:$0x3F99] =	sst s1;
	(tag) =	ssettag s2;
	_ =	strace s9  }
0x27: {  	s1 =	sld [smem:$0x3FA9]  }
0x28: {  	s2 =	sld [smem:$0x3FAA]  }
0x29: {  	s4 =	sld [smem:$0x3FAC]  }
0x2a: {  	p0 =	seq.s32 s5, $0x0;
	s5 =	sld [smem:$0x3FAD]  }
0x2b: {  	s6 =	sld [smem:$0x3FAE]  }
0x2c: {  	s7 =	sld [smem:$0x3FAF]  }
0x2d: {  	s3 =	simm.s32 $0x108;
	s8 =	sld [smem:$0x3FB0]  }
0x2e: {  	s3 =	simm.s32 @!p0 $0x1082;
	s9 =	sld [smem:$0x3FB1]  }
0x2f: {  	lr =	sadd.s32 s0, s3;
	s0 =	sld [smem:$0x3FA8]  }
0x30: {  	s3 =	sld [smem:$0x3FAB]  }
0x31: {  	[smem:$0x3FB4] =	sst s10  }
0x32: {  	s10 =	sld [smem:$0x3FB2];
	_ =	sdelay $0x3  }
0x33: {  	p0 =	seq.s32 s10, $0x1;
	s10 =	sld [smem:$0x3FB4];
	_ =	sdelay $0x3  }
0x34: {  	[smem:$0x3FB4] =	sst s10  }
0x35: {  	s10 =	sld [smem:$0x3FB3];
	_ =	sdelay $0x3  }
0x36: {  	p1 =	seq.s32 s10, $0x1;
	s10 =	sld [smem:$0x3FB4];
	_ =	sdelay $0x3  }
0x37: {  	[smem:$0x3FB4] =	sst s10  }
0x38: {  	s10 =	sld [smem:$0x3FB5]  }
0x39: {  	_ = 	snop;
	(pc) =	sbr.ind lr, $3  }
0x3a: {  	_ = 	snop  }
0x3b: {  	_ = 	snop  }
0x3c: {  	p2 =	seq.s32 s10, $0x1;
	s10 =	sld [smem:$0x3FB4]  }
0x3d: {  	_ =	shalt  }
0x3e: {  	_ =	shalt  }
0x3f: {  	_ =	shalt  }
0x40: {  	_ =	shalt  }
0x41: {  	_ =	shalt  }
0x42: {  	_ =	shalt  }
0x43: {  	_ =	shalt  }
0x44: {  	_ =	shalt  }
0x45: {  	_ =	shalt  }
0x46: {  	_ =	shalt  }
0x47: {  	_ =	shalt  }
0x48: {  	_ =	shalt  }
0x49: {  	_ =	shalt  }
0x4a: {  	_ =	shalt  }
0x4b: {  	_ =	shalt  }
0x4c: {  	_ =	shalt  }
0x4d: {  	_ =	shalt  }
0x4e: {  	_ =	shalt  }
0x4f: {  	_ =	shalt  }
0x50: {  	_ =	shalt  }
0x51: {  	_ =	shalt  }
0x52: {  	_ =	shalt  }
0x53: {  	_ =	shalt  }
0x54: {  	_ =	shalt  }
0x55: {  	_ =	shalt  }
0x56: {  	_ =	shalt  }
0x57: {  	_ =	shalt  }
0x58: {  	_ =	shalt  }
0x59: {  	_ =	shalt  }
0x5a: {  	_ =	shalt  }
0x5b: {  	_ =	shalt  }
0x5c: {  	_ =	shalt  }
0x5d: {  	_ =	shalt  }
0x5e: {  	_ =	shalt  }
0x5f: {  	_ =	shalt  }
0x60: {  	_ =	shalt  }
0x61: {  	_ =	shalt  }
0x62: {  	_ =	shalt  }
0x63: {  	_ =	shalt  }
0x64: {  	_ =	shalt  }
0x65: {  	_ =	shalt  }
0x66: {  	_ =	shalt  }
0x67: {  	_ =	shalt  }
0x68: {  	_ =	shalt  }
0x69: {  	_ =	shalt  }
0x6a: {  	_ =	shalt  }
0x6b: {  	_ =	shalt  }
0x6c: {  	_ =	shalt  }
0x6d: {  	_ =	shalt  }
0x6e: {  	_ =	shalt  }
0x6f: {  	_ =	shalt  }
0x70: {  	_ =	shalt  }
0x71: {  	_ =	shalt  }
0x72: {  	_ =	shalt  }
0x73: {  	_ =	shalt  }
0x74: {  	_ =	shalt  }
0x75: {  	_ =	shalt  }
0x76: {  	_ =	shalt  }
0x77: {  	_ =	shalt  }
0x78: {  	_ =	shalt  }
0x79: {  	_ =	shalt  }
0x7a: {  	_ =	shalt  }
0x7b: {  	_ =	shalt  }
0x7c: {  	_ =	shalt  }
0x7d: {  	_ =	shalt  }
0x7e: {  	_ =	shalt  }
0x7f: {  	_ =	shalt  }
0x80: {  	_ =	shalt  }
0x81: {  	_ =	shalt  }
0x82: {  	_ =	shalt  }
0x83: {  	_ =	shalt  }
0x84: {  	_ =	shalt  }
0x85: {  	_ =	shalt  }
0x86: {  	_ =	shalt  }
0x87: {  	_ =	shalt  }
.Lfunc_end0:
.L_simem_size_0:
called_computation.1_lowered:
.L_overlay_start_0:
0x88: {  	s2 =	sld [smem:$0x3FD9]  }
0x89: {  	s3 =	sld [smem:$0x3FFE];
	_ =	sdelay $0x1  }
0x8a: {  	s1 =	srdreg.scid  }
0x8b: {  	s0 =	sand.u32 $0x1, s1  }
0x8c: {  	s17 =	sshll.u32 s0, $0xA;
	s2 =	sadd.s32 s3, s2  }
0x8d: {  	s2 =	sadd.s32 s2, s17  }
0x8e: {  	[smem:$0x3FC0] =	sst s2  }
0x8f: {  	_ = 	snop  }
0x90: {  	s18 =	sld [smem:$0x3FD0];
	(tm) =	ssettm $0x1  }
0x91: {  	s19 =	sld [smem:$0x3FFB];
	_ =	sdelay $0x3  }
0x92: {  	_ =	strace s19  }
0x93: {  	s2 =	sld [smem:$0x3FFC];
	_ =	sdelay $0x3  }
0x94: {  	_ =	strace s2  }
0x95: {  	s2 =	sld [smem:$0x3FFD];
	_ =	sdelay $0x3  }
0x96: {  	_ =	strace s2  }
0x97: {  	_ =	strace $0x8FFFFFFF  }
0x98: {  	s20 =	sld [smem:$0x3FDB];
	_ =	sdelay $0x1  }
0x99: {  	s4 =	simm.s32 $_scs_section_size  }
0x9a: {  	s5 =	simm.s32 $_size__tile_overlayer_lowered;
	s6 =	simm.s32 $_tile_overlayer_lowered  }
0x9b: {  	s7 =	simm.s32 $0x1BFF;
	s21 =	sshll.u32 s6, $0x1;
	s4 =	sadd.s32 s4, s20  }
0x9c: {  	s22 =	simm.s32 $0x0;
	s5 =	sshll.u32 s5, $0x1;
	s6 =	sadd.s32 s21, s4  }
0x9d: {  	[timem:s22], [sflag:s7] =	dma.local [hbm:s6], s5  }
0x9e: {  	_ =	swait.ge [sflag:s7], s5  }
0x9f: {  	s5 =	ssub.s32 $0x0, s5;
	[sflag:s7] =	ssyncset.done $0x0  }
0xa0: {  	[sflag:s7] =	ssyncadd.s32 s5;
	_ =	sdelay $0x1  }
0xa1: {  	s23 =	simm.s32 $0x1B8B  }
0xa2: {  	_ =	swait.ge [sflag:s23], $0x1  }
0xa3: {  	[sflag:s23] =	ssyncset.done $0x0  }
0xa4: {  	[sflag:s23] =	ssyncadd.s32 $0xFFFFFFFF  }
0xa5: {  	s5 =	sld [smem:$0x0]  }
0xa6: {  	s6 =	sand.u32 $0xFFFFFFFE, s1  }
0xa7: {  	p0 =	sne.s32 s1, s6  }
0xa8: {  	s6 =	sshll.u32 @p0 s6, $0xE  }
0xa9: {  	s6 =	sadd.s32 @p0 $0x11B8D, s6;
	s7 =	sshll.u32 @p0 s5, $0x11  }
0xaa: {  	s6 =	sor.u32 @p0 s7, s6  }
0xab: {  	[sflag:s6] =	ssyncadd.remote.s32 @p0 $0x1;
	_ =	sdelay $0x1  }
0xac: {  	s6 =	simm.s32 @p0 $0x1B8D  }
0xad: {  	_ =	swait.eq @p0 [sflag:s6], $0x1  }
0xae: {  	[sflag:s6] =	ssyncadd.s32 @p0 $0xFFFFFFFF  }
0xaf: {  	s7 =	sshll.u32 @!p0 s1, $0xE  }
0xb0: {  	s7 =	sor.u32 @!p0 $0x4000, s7;
	s6 =	simm.s32 @!p0 $0x1B8D  }
0xb1: {  	s5 =	sshll.u32 @!p0 s5, $0x11;
	s7 =	sadd.s32 @!p0 $0x11B8D, s7;
	_ =	swait.eq @!p0 [sflag:s6], $0x1  }
0xb2: {  	s5 =	sor.u32 @!p0 s5, s7;
	[sflag:s6] =	ssyncadd.s32 @!p0 $0xFFFFFFFF  }
0xb3: {  	s25 =	simm.s32 $0x1B8E;
	s24 =	sld [smem:$0x3FFE];
	[sflag:s5] =	ssyncadd.remote.s32 @!p0 $0x1  }
0xb4: {  	s26 =	simm.s32 $execute0_lowered;
	[smem:$0x3FD2] =	sst s25  }
0xb5: {  	s6 =	sshll.u32 s26, $0x1;
	_ =	strace $0x80000049;
	[dreg:$0x1] =	wrdreg $0xFFFFFFFF  }
0xb6: {  	s28 =	simm.s32 $_size_execute0_lowered;
	s4 =	sadd.s32 s4, s6;
	[dreg:$0x0] =	wrdreg $0x0  }
0xb7: {  	s6 =	sshll.u32 s28, $0x1;
	[dreg:$0x2] =	wrdreg s4  }
0xb8: {  	[dreg:$0x3] =	wrdreg s6  }
0xb9: {  	[dreg:$0x4] =	wrdreg $0xC0  }
0xba: {  	_ =	task [dreg:s22], $0x5FFFF  }
0xbb: {  	[dreg:$0x1] =	wrdreg $0xFFFFFFFF  }
0xbc: {  	[dreg:$0x0] =	wrdreg $0x60  }
0xbd: {  	[dreg:$0x2] =	wrdreg s18  }
0xbe: {  	[dreg:$0x3] =	wrdreg s24  }
0xbf: {  	[dreg:$0x4] =	wrdreg $0x140000  }
0xc0: {  	[dreg:$0x5] =	wrdreg $0xA  }
0xc1: {  	_ =	task.clear_ibuf [dreg:s22], $0x6FFFF;
	_ =	strace $0x90000049  }
0xc2: {  	s29 =	simm.s32 $0xA;
	_ =	strace $0x8000004B  }
0xc3: {  	_ =	swait.ge [sflag:s29], $0x1  }
0xc4: {  	[sflag:s29] =	ssyncadd.s32 $0xFFFFFFFF  }
0xc5: {  	_ =	strace $0x9000004B  }
0xc6: {  	_ =	sfence  }
0xc7: {  	s30 =	sld [smem:$0x0];
	_ =	sdelay $0x2  }
0xc8: {  	s31 =	sshll.u32 s1, $0xD;
	s1 =	sshrl.u32 s1, $0x2  }
0xc9: {  	s4 =	sand.u32 $0x4000, s31;
	s1 =	sadd.s32 s1, s30  }
0xca: {  	s0 =	sor.u32 s4, s0;
	s1 =	sshll.u32 s1, $0x11  }
0xcb: {  	s0 =	sor.u32 s1, s0  }
0xcc: {  	s0 =	sadd.s32 $0x8F2B, s0  }
0xcd: {  	[sflag:s0] =	ssyncadd.remote.s32 $0x1  }
0xce: {  	_ =	sfence.sel $0xFFFF  }
0xcf: {  	[dreg:$0x0] =	wrdreg $0xFFFFFFFF;
	(pc) =	sbr.abs _section_cstart, $3  }
0xd0: {  	[dreg:$0x1] =	wrdreg $0xFFFFFFFF  }
0xd1: {  	_ =	task.clear_ibuf [dreg:s22], $0x2FFFF;
	_ =	strace $0x9FFFFFFF  }
0xd2: {  	(tm) =	ssettm $0x7FFFFFFF  }
0xd3: {  	_ =	shalt  }
tec
execute0_lowered:
.L_overlay_start_1:
0x0: {  	(tag) =	ssettag $0x1  }
0x1: {  	s2 =	rddreg [dreg:$0x0]  }
0x2: {  	s0 =	rddreg [dreg:$0x1]  }
0x3: {  	s3 =	rddreg [dreg:$0x2];
	s9 =	stileid.u32  }
0x4: {  	s4 =	simm.s32 $0x0;
	s5 =	srdreg.scid;
	s16 =	simm.s32 $0xA000  }
0x5: {  	s17 =	simm.s32 $0x80;
	s18 =	simm.s32 $0xC000;
	s29 =	simm.s32 $0x10000  }
0x6: {  	s30 =	simm.s32 $0x2;
	s19 =	simm.s32 $0x3;
	s1 =	smul.u32 $0xA00, s9  }
0x7: {  	s31 =	simm.s32 $0x6;
	s5 =	sand.u32 $0x1, s5;
	s13 =	smul.u32 $0xA000, s9  }
0x8: {  	[smem:$0x7FF] =	sst s4;
	s7 =	sadd.s32 $0x2A400, s0;
	s6 =	smul.u32 $0xA000, s5  }
0x9: {  	_ =	strace $0x8000004A;
	s21 =	smul.u32 $0x14000, s5;
	s5 =	ssub.s32 $0x2, s5  }
0xa: {  	[dreg:$0x4] =	wrdreg s7;
	s1 =	sadd.s32 s1, s0;
	s8 =	sshrl.u32 s5, $0x1  }
0xb: {  	s22 =	sadd.s32 $0x2000, s13;
	s23 =	sadd.s32 $0x4000, s13;
	s24 =	sadd.s32 $0x6000, s13  }
0xc: {  	s14 =	sadd.s32 $0x8000, s13;
	s6 =	sadd.s32 s6, s1;
	s0 =	sadd.s32 s21, s0  }
0xd: {  	s5 =	ssub.s32 s5, s8;
	s1 =	sadd.s32 $0x1C00, s1;
	s8 =	sadd.s32 s13, s3  }
0xe: {  	s9 =	sadd.s32 s22, s3;
	s10 =	sadd.s32 s23, s3;
	s11 =	sadd.s32 s24, s3  }
0xf: {  	s12 =	sadd.s32 s14, s3;
	s13 =	sshrl.u32 s13, $0x3;
	s7 =	sshrl.u32 s24, $0x3  }
0x10: {  	s15 =	sshrl.u32 s14, $0x3;
	s14 =	simm.s32 $0xB;
	s6 =	sadd.s32 $0x16400, s6  }
0x11: {  	[dreg:$0x6] =	wrdreg s1;
	s0 =	sadd.s32 $0x2A800, s0;
	s1 =	sshrl.u32 s22, $0x3  }
0x12: {  	s5 =	smax.u32 s5, $0x1;
	[dreg:$0x5] =	wrdreg s6;
	s6 =	sshrl.u32 s23, $0x3  }
0x13: {  	[dreg:$0x7] =	wrdreg s5;
	s25 =	sadd.s32 s13, s0;
	s1 =	sadd.s32 s1, s0  }
0x14: {  	s28 =	sadd.s32 s7, s0;
	s5 =	simm.s32 $0x5;
	[dreg:$0x8] =	wrdreg s25  }
.Ltmp0:
0x15: {  	s7 =	simm.s32 $0x9;
	[dreg:$0x9] =	wrdreg s1;
	(pc) =	sbr.rel .LBB2_1-.Ltmp0, $4  }
0x16: {  	s13 =	simm.s32 $0x0;
	s26 =	sadd.s32 s6, s0;
	[dreg:$0xb] =	wrdreg s28  }
0x17: {  	s0 =	sadd.s32 s15, s0;
	s25 =	simm.s32 $0xE000;
	s1 =	simm.s32 $0x12000  }
0x18: {  	s6 =	simm.s32 $0x8;
	s15 =	simm.s32 $0xA;
	[dreg:$0xa] =	wrdreg s26  }
0x19: {  	[dreg:$0xc] =	wrdreg s0;
	s26 =	simm.s32 $0x1;
	s0 =	simm.s32 $0x7  }
.LBB2_4:
0x1a: {  	_ =	swait.ge [sflag:s7], $0x2000  }
0x1b: {  	[sflag:s7] =	ssyncset.done $0x0  }
0x1c: {  	[sflag:s7] =	ssyncadd.s32 $0xFFFFE000  }
0x1d: {  	_ =	swait.ge [sflag:s15], $0x2000  }
0x1e: {  	[sflag:s15] =	ssyncset.done $0x0  }
0x1f: {  	[sflag:s15] =	ssyncadd.s32 $0xFFFFE000  }
0x20: {  	[bflag:$0x0] =	sbarrier.arrive $0xFFFF  }
0x21: {  	[tilespmem:s16], [sflag:$0xB] =	stream.linear.gather [spmem:s8], $0x2000, $0x38;
	[tilespmem:$0x1E000] =	vst v63  }
0x22: {  	_ =	swait.ge [sflag:s14], $0x2000  }
0x23: {  	[sflag:s14] =	ssyncset.done $0x0  }
0x24: {  	s20 =	rddreg [dreg:$0x8];
	[sflag:s14] =	ssyncadd.s32 $0xFFFFE000  }
0x25: {  	[hbm4b:s20+s4] =	stream.linear.scatter [tilespmem:s16], [sflag:$0xB], $0x2000, $0x38;
	[tilespmem:$0x1E000] =	vst v63  }
0x26: {  	_ =	swait.ge [sflag:s14], $0x2000  }
0x27: {  	[sflag:s14] =	ssyncset.done $0x0  }
0x28: {  	[sflag:s14] =	ssyncadd.s32 $0xFFFFE000  }
0x29: {  	[tilespmem:s16], [sflag:$0xB] =	stream.linear.gather [spmem:s9], $0x2000, $0x38;
	[tilespmem:$0x1E000] =	vst v63  }
0x2a: {  	_ =	swait.ge [sflag:s14], $0x2000  }
0x2b: {  	[sflag:s14] =	ssyncset.done $0x0  }
0x2c: {  	s21 =	rddreg [dreg:$0x9];
	[sflag:s14] =	ssyncadd.s32 $0xFFFFE000  }
0x2d: {  	[hbm4b:s21+s4] =	stream.linear.scatter [tilespmem:s16], [sflag:$0xB], $0x2000, $0x38;
	[tilespmem:$0x1E000] =	vst v63  }
0x2e: {  	_ =	swait.ge [sflag:s14], $0x2000  }
0x2f: {  	[sflag:s14] =	ssyncset.done $0x0  }
0x30: {  	[sflag:s14] =	ssyncadd.s32 $0xFFFFE000  }
0x31: {  	[tilespmem:s16], [sflag:$0xB] =	stream.linear.gather [spmem:s10], $0x2000, $0x38;
	[tilespmem:$0x1E000] =	vst v63  }
0x32: {  	_ =	swait.ge [sflag:s14], $0x2000  }
0x33: {  	[sflag:s14] =	ssyncset.done $0x0  }
0x34: {  	s22 =	rddreg [dreg:$0xa];
	[sflag:s14] =	ssyncadd.s32 $0xFFFFE000  }
0x35: {  	[hbm4b:s22+s4] =	stream.linear.scatter [tilespmem:s16], [sflag:$0xB], $0x2000, $0x38;
	[tilespmem:$0x1E000] =	vst v63  }
0x36: {  	_ =	swait.ge [sflag:s14], $0x2000  }
0x37: {  	[sflag:s14] =	ssyncset.done $0x0  }
0x38: {  	[sflag:s14] =	ssyncadd.s32 $0xFFFFE000  }
0x39: {  	[tilespmem:s16], [sflag:$0xB] =	stream.linear.gather [spmem:s11], $0x2000, $0x38;
	[tilespmem:$0x1E000] =	vst v63  }
0x3a: {  	_ =	swait.ge [sflag:s14], $0x2000  }
0x3b: {  	[sflag:s14] =	ssyncset.done $0x0  }
0x3c: {  	s23 =	rddreg [dreg:$0xb];
	[sflag:s14] =	ssyncadd.s32 $0xFFFFE000  }
0x3d: {  	[hbm4b:s23+s4] =	stream.linear.scatter [tilespmem:s16], [sflag:$0xB], $0x2000, $0x38;
	[tilespmem:$0x1E000] =	vst v63  }
0x3e: {  	_ =	swait.ge [sflag:s14], $0x2000  }
0x3f: {  	[sflag:s14] =	ssyncset.done $0x0  }
0x40: {  	[sflag:s14] =	ssyncadd.s32 $0xFFFFE000  }
0x41: {  	[tilespmem:s16], [sflag:$0xB] =	stream.linear.gather [spmem:s12], $0x2000, $0x38;
	[tilespmem:$0x1E000] =	vst v63  }
0x42: {  	_ =	swait.ge [sflag:s14], $0x2000  }
0x43: {  	[sflag:s14] =	ssyncset.done $0x0  }
0x44: {  	s24 =	rddreg [dreg:$0xc];
	[sflag:s14] =	ssyncadd.s32 $0xFFFFE000  }
0x45: {  	[hbm4b:s24+s4] =	stream.linear.scatter [tilespmem:s16], [sflag:$0xB], $0x2000, $0x38;
	[tilespmem:$0x1E000] =	vst v63  }
0x46: {  	_ =	swait.ge [sflag:s14], $0x2000  }
0x47: {  	s13 =	sadd.s32 $0x1, s13;
	s28 =	rddreg [dreg:$0x7]  }
0x48: {  	p0 =	sne.s32 s13, s28  }
.Ltmp1:
0x49: {  	_ = 	snop;
	(pc) =	sbr.rel @!p0 .LBB2_5-.Ltmp1, $3  }
0x4a: {  	_ =	sdelay $0x1  }
0x4b: {  	[sflag:s14] =	ssyncset.done $0x0  }
0x4c: {  	[sflag:s14] =	ssyncadd.s32 $0xFFFFE000  }
.LBB2_1:
0x4d: {  	s20 =	rddreg [dreg:$0x5]  }
0x4e: {  	[tilespmem:s4], [sflag:$0xB] =	stream.linear.gather [hbm4b:s20+s4], $0x5000, $0x38;
	[tilespmem:$0x1E000] =	vst v63  }
0x4f: {  	_ =	swait.ge [sflag:s14], $0x5000  }
0x50: {  	[sflag:s14] =	ssyncset.done $0x0  }
0x51: {  	s21 =	simm.s32 $0x5000;
	s23 =	rddreg [dreg:$0x6];
	[sflag:s14] =	ssyncadd.s32 $0xFFFFB000  }
0x52: {  	[tilespmem:s21], [sflag:$0xB] =	stream.linear.gather [hbm4b:s23+s4], $0x5000, $0x38;
	[tilespmem:$0x1E000] =	vst v63  }
0x53: {  	_ =	swait.ge [sflag:s14], $0x5000  }
0x54: {  	[sflag:s14] =	ssyncset.done $0x0  }
0x55: {  	s24 =	rddreg [dreg:$0x4];
	[sflag:s14] =	ssyncadd.s32 $0xFFFFB000  }
0x56: {  	[tilespmem:s16], [sflag:$0xB] =	stream.linear.gather [hbm4b:s24+s4], $0x2000, $0x38;
	[tilespmem:$0x1E000] =	vst v63  }
0x57: {  	_ =	swait.ge [sflag:s14], $0x2000  }
0x58: {  	[sflag:s14] =	ssyncset.done $0x0  }
0x59: {  	[sflag:s14] =	ssyncadd.s32 $0xFFFFE000  }
0x5a: {  	[spmem:s8] =	stream.linear.scatter [tilespmem:s16], [sflag:$0xB], $0x2000, $0x38;
	[tilespmem:$0x1E000] =	vst v63  }
0x5b: {  	_ =	swait.ge [sflag:s14], $0x2000  }
0x5c: {  	[sflag:s14] =	ssyncset.done $0x0  }
0x5d: {  	[sflag:s14] =	ssyncadd.s32 $0xFFFFE000  }
0x5e: {  	[spmem:s9] =	stream.linear.scatter [tilespmem:s16], [sflag:$0xB], $0x2000, $0x38;
	[tilespmem:$0x1E000] =	vst v63  }
0x5f: {  	_ =	swait.ge [sflag:s14], $0x2000  }
0x60: {  	[sflag:s14] =	ssyncset.done $0x0  }
0x61: {  	[sflag:s14] =	ssyncadd.s32 $0xFFFFE000  }
0x62: {  	[spmem:s10] =	stream.linear.scatter [tilespmem:s16], [sflag:$0xB], $0x2000, $0x38;
	[tilespmem:$0x1E000] =	vst v63  }
0x63: {  	_ =	swait.ge [sflag:s14], $0x2000  }
0x64: {  	[sflag:s14] =	ssyncset.done $0x0  }
0x65: {  	[sflag:s14] =	ssyncadd.s32 $0xFFFFE000  }
0x66: {  	[spmem:s11] =	stream.linear.scatter [tilespmem:s16], [sflag:$0xB], $0x2000, $0x38;
	[tilespmem:$0x1E000] =	vst v63  }
0x67: {  	_ =	swait.ge [sflag:s14], $0x2000  }
0x68: {  	[sflag:s14] =	ssyncset.done $0x0  }
0x69: {  	[sflag:s14] =	ssyncadd.s32 $0xFFFFE000  }
0x6a: {  	[spmem:s12] =	stream.linear.scatter [tilespmem:s16], [sflag:$0xB], $0x2000, $0x38;
	[tilespmem:$0x1E000] =	vst v63  }
0x6b: {  	_ =	swait.ge [sflag:s14], $0x2000  }
0x6c: {  	[sflag:s14] =	ssyncset.done $0x0  }
0x6d: {  	[sflag:s14] =	ssyncadd.s32 $0xFFFFE000  }
0x6e: {  	[bflag:$0x0] =	sbarrier.arrive $0xFFFF  }
0x6f: {  	[tilespmem:s16], [sflag:$0x1] =	stream.indirect.gather [hbm4b:s2+s17], $0x40, s4, s17, $0xb8;
	[tilespmem:$0x1E000] =	vst v63  }
0x70: {  	_ = 	snop  }
0x71: {  	[tilespmem:s18], [sflag:$0x2] =	stream.indirect.gather [hbm4b:s2+s17], $0x40, s17, s17, $0xb8;
	[tilespmem:$0x1E000] =	vst v63  }
0x72: {  	s28 =	simm.s32 $0x100  }
0x73: {  	[tilespmem:s25], [sflag:$0x3] =	stream.indirect.gather [hbm4b:s2+s17], $0x40, s28, s17, $0xb8;
	[tilespmem:$0x1E000] =	vst v63  }
0x74: {  	_ =	swait.ge [sflag:s26], $0x2000  }
0x75: {  	[sflag:s26] =	ssyncset.done $0x0  }
0x76: {  	[sflag:s26] =	ssyncadd.s32 $0xFFFFE000  }
0x77: {  	[spmem:s3] =	stream.indirect.scatter.add.f32 [tilespmem:s16], [sflag:$0x6], $0x40, s21, s17, $0xb8;
	[tilespmem:$0x1E000] =	vst v63  }
0x78: {  	s21 =	simm.s32 $0x180  }
0x79: {  	[tilespmem:s29], [sflag:$0x4] =	stream.indirect.gather [hbm4b:s2+s17], $0x40, s21, s17, $0xb8;
	[tilespmem:$0x1E000] =	vst v63  }
0x7a: {  	_ =	swait.ge [sflag:s30], $0x2000  }
0x7b: {  	[sflag:s30] =	ssyncset.done $0x0  }
0x7c: {  	s22 =	simm.s32 $0x5080;
	[sflag:s30] =	ssyncadd.s32 $0xFFFFE000  }
0x7d: {  	[spmem:s3] =	stream.indirect.scatter.add.f32 [tilespmem:s18], [sflag:$0x7], $0x40, s22, s17, $0xb8;
	[tilespmem:$0x1E000] =	vst v63  }
0x7e: {  	s23 =	simm.s32 $0x200  }
0x7f: {  	[tilespmem:s1], [sflag:$0x5] =	stream.indirect.gather [hbm4b:s2+s17], $0x40, s23, s17, $0xb8;
	[tilespmem:$0x1E000] =	vst v63  }
0x80: {  	_ =	swait.ge [sflag:s19], $0x2000  }
0x81: {  	[sflag:s19] =	ssyncset.done $0x0  }
0x82: {  	s24 =	simm.s32 $0x5100;
	[sflag:s19] =	ssyncadd.s32 $0xFFFFE000  }
0x83: {  	[spmem:s3] =	stream.indirect.scatter.add.f32 [tilespmem:s25], [sflag:$0x8], $0x40, s24, s17, $0xb8;
	[tilespmem:$0x1E000] =	vst v63  }
0x84: {  	_ =	swait.ge [sflag:s31], $0x2000  }
0x85: {  	[sflag:s31] =	ssyncset.done $0x0  }
0x86: {  	s28 =	simm.s32 $0x280;
	s21 =	simm.s32 $0x4;
	[sflag:s31] =	ssyncadd.s32 $0xFFFFE000  }
0x87: {  	[tilespmem:s16], [sflag:$0x1] =	stream.indirect.gather [hbm4b:s2+s17], $0x40, s28, s17, $0xb8;
	[tilespmem:$0x1E000] =	vst v63  }
0x88: {  	_ =	swait.ge [sflag:s21], $0x2000  }
0x89: {  	[sflag:s21] =	ssyncset.done $0x0  }
0x8a: {  	s22 =	simm.s32 $0x5180;
	[sflag:s21] =	ssyncadd.s32 $0xFFFFE000  }
0x8b: {  	[spmem:s3] =	stream.indirect.scatter.add.f32 [tilespmem:s29], [sflag:$0x9], $0x40, s22, s17, $0xb8;
	[tilespmem:$0x1E000] =	vst v63  }
0x8c: {  	_ =	swait.ge [sflag:s0], $0x2000  }
0x8d: {  	[sflag:s0] =	ssyncset.done $0x0  }
0x8e: {  	s23 =	simm.s32 $0x300;
	[sflag:s0] =	ssyncadd.s32 $0xFFFFE000  }
0x8f: {  	[tilespmem:s18], [sflag:$0x2] =	stream.indirect.gather [hbm4b:s2+s17], $0x40, s23, s17, $0xb8;
	[tilespmem:$0x1E000] =	vst v63  }
0x90: {  	_ =	swait.ge [sflag:s5], $0x2000  }
0x91: {  	[sflag:s5] =	ssyncset.done $0x0  }
0x92: {  	s24 =	simm.s32 $0x5200;
	[sflag:s5] =	ssyncadd.s32 $0xFFFFE000  }
0x93: {  	[spmem:s3] =	stream.indirect.scatter.add.f32 [tilespmem:s1], [sflag:$0xA], $0x40, s24, s17, $0xb8;
	[tilespmem:$0x1E000] =	vst v63  }
0x94: {  	_ =	swait.ge [sflag:s6], $0x2000  }
0x95: {  	[sflag:s6] =	ssyncset.done $0x0  }
0x96: {  	s20 =	simm.s32 $0x0;
	s28 =	simm.s32 $0x380;
	[sflag:s6] =	ssyncadd.s32 $0xFFFFE000  }
0x97: {  	[tilespmem:s25], [sflag:$0x3] =	stream.indirect.gather [hbm4b:s2+s17], $0x40, s28, s17, $0xb8;
	[tilespmem:$0x1E000] =	vst v63  }
.LBB2_2:
0x98: {  	_ =	swait.ge [sflag:s26], $0x2000  }
0x99: {  	s21 =	sshra.s32 s20, $0x2;
	[sflag:s26] =	ssyncset.done $0x0  }
0x9a: {  	s22 =	sadd.s32 $0x5280, s21;
	[sflag:s26] =	ssyncadd.s32 $0xFFFFE000  }
0x9b: {  	[spmem:s3] =	stream.indirect.scatter.add.f32 [tilespmem:s16], [sflag:$0x6], $0x40, s22, s17, $0xb8;
	[tilespmem:$0x1E000] =	vst v63  }
0x9c: {  	_ =	swait.ge [sflag:s7], $0x2000  }
0x9d: {  	[sflag:s7] =	ssyncset.done $0x0  }
0x9e: {  	s24 =	sadd.s32 $0x400, s21;
	[sflag:s7] =	ssyncadd.s32 $0xFFFFE000  }
0x9f: {  	[tilespmem:s29], [sflag:$0x4] =	stream.indirect.gather [hbm4b:s2+s17], $0x40, s24, s17, $0xb8;
	[tilespmem:$0x1E000] =	vst v63  }
0xa0: {  	_ =	swait.ge [sflag:s30], $0x2000  }
0xa1: {  	[sflag:s30] =	ssyncset.done $0x0  }
0xa2: {  	s28 =	sadd.s32 $0x5300, s21;
	[sflag:s30] =	ssyncadd.s32 $0xFFFFE000  }
0xa3: {  	[spmem:s3] =	stream.indirect.scatter.add.f32 [tilespmem:s18], [sflag:$0x7], $0x40, s28, s17, $0xb8;
	[tilespmem:$0x1E000] =	vst v63  }
0xa4: {  	_ =	swait.ge [sflag:s15], $0x2000  }
0xa5: {  	[sflag:s15] =	ssyncset.done $0x0  }
0xa6: {  	s23 =	sadd.s32 $0x480, s21;
	[sflag:s15] =	ssyncadd.s32 $0xFFFFE000  }
0xa7: {  	[tilespmem:s1], [sflag:$0x5] =	stream.indirect.gather [hbm4b:s2+s17], $0x40, s23, s17, $0xb8;
	[tilespmem:$0x1E000] =	vst v63  }
0xa8: {  	_ =	swait.ge [sflag:s19], $0x2000  }
0xa9: {  	[sflag:s19] =	ssyncset.done $0x0  }
0xaa: {  	s24 =	sadd.s32 $0x5380, s21;
	[sflag:s19] =	ssyncadd.s32 $0xFFFFE000  }
0xab: {  	[spmem:s3] =	stream.indirect.scatter.add.f32 [tilespmem:s25], [sflag:$0x8], $0x40, s24, s17, $0xb8;
	[tilespmem:$0x1E000] =	vst v63  }
0xac: {  	_ =	swait.ge [sflag:s31], $0x2000  }
0xad: {  	p0 =	seq.s32 s20, $0x12C00;
	[sflag:s31] =	ssyncset.done $0x0  }
0xae: {  	s22 =	simm.s32 @p0 $0x4;
	[sflag:s31] =	ssyncadd.s32 $0xFFFFE000  }
0xaf: {  	_ =	swait.ge @p0 [sflag:s22], $0x2000  }
0xb0: {  	[sflag:s22] =	ssyncset.done @p0 $0x0  }
0xb1: {  	[sflag:s22] =	ssyncadd.s32 @p0 $0xFFFFE000;
	s22 =	sshra.s32 @p0 s20, $0x2  }
0xb2: {  	s23 =	simm.s32 @p0 $0x80;
	s24 =	simm.s32 @p0 $0x10000;
	s22 =	sadd.s32 @p0 $0x5400, s22  }
0xb3: {  	[spmem:s3] =	stream.indirect.scatter.add.f32 @p0 [tilespmem:s24], [sflag:$0x9], $0x40, s22, s23, $0xb8;
	[tilespmem:$0x1E000] =	vst v63  }
0xb4: {  	s22 =	simm.s32 @p0 $0x7  }
0xb5: {  	_ =	swait.ge @p0 [sflag:s22], $0x2000  }
0xb6: {  	[sflag:s22] =	ssyncset.done @p0 $0x0  }
0xb7: {  	[sflag:s22] =	ssyncadd.s32 @p0 $0xFFFFE000;
	s22 =	sshra.s32 @!p0 s20, $0x2  }
0xb8: {  	s28 =	simm.s32 @!p0 $0xA000;
	s24 =	simm.s32 @!p0 $0x80;
	s23 =	sadd.s32 @!p0 $0x500, s22  }
0xb9: {  	[tilespmem:s28], [sflag:$0x1] =	stream.indirect.gather @!p0 [hbm4b:s2+s24], $0x40, s23, s24, $0xb8;
	[tilespmem:$0x1E000] =	vst v63  }
0xba: {  	s23 =	simm.s32 @!p0 $0x4  }
0xbb: {  	_ =	swait.ge @!p0 [sflag:s23], $0x2000  }
0xbc: {  	[sflag:s23] =	ssyncset.done @!p0 $0x0  }
0xbd: {  	s28 =	simm.s32 @!p0 $0x10000;
	[sflag:s23] =	ssyncadd.s32 @!p0 $0xFFFFE000;
	s23 =	sadd.s32 @!p0 $0x5400, s22  }
0xbe: {  	[spmem:s3] =	stream.indirect.scatter.add.f32 @!p0 [tilespmem:s28], [sflag:$0x9], $0x40, s23, s24, $0xb8;
	[tilespmem:$0x1E000] =	vst v63  }
0xbf: {  	s23 =	simm.s32 @!p0 $0x7  }
0xc0: {  	_ =	swait.ge @!p0 [sflag:s23], $0x2000  }
0xc1: {  	[sflag:s23] =	ssyncset.done @!p0 $0x0  }
0xc2: {  	s22 =	sadd.s32 @!p0 $0x580, s22;
	[sflag:s23] =	ssyncadd.s32 @!p0 $0xFFFFE000;
	s23 =	simm.s32 @!p0 $0xC000  }
0xc3: {  	[tilespmem:s23], [sflag:$0x2] =	stream.indirect.gather @!p0 [hbm4b:s2+s24], $0x40, s22, s24, $0xb8;
	[tilespmem:$0x1E000] =	vst v63  }
0xc4: {  	_ =	swait.ge [sflag:s5], $0x2000  }
0xc5: {  	[sflag:s5] =	ssyncset.done $0x0  }
.Ltmp2:
0xc6: {  	s28 =	sadd.s32 $0x5480, s21;
	[sflag:s5] =	ssyncadd.s32 $0xFFFFE000;
	(pc) =	sbr.rel @p0 .LBB2_4-.Ltmp2, $4  }
0xc7: {  	[spmem:s3] =	stream.indirect.scatter.add.f32 [tilespmem:s1], [sflag:$0xA], $0x40, s28, s17, $0xb8;
	[tilespmem:$0x1E000] =	vst v63  }
0xc8: {  	_ =	swait.ge [sflag:s6], $0x2000  }
0xc9: {  	[sflag:s6] =	ssyncset.done $0x0  }
0xca: {  	[sflag:s6] =	ssyncadd.s32 $0xFFFFE000  }
.Ltmp3:
0xcb: {  	(pc) =	sbr.rel .LBB2_2-.Ltmp3, $3  }
0xcc: {  	_ =	sdelay $0x1  }
0xcd: {  	s21 =	sadd.s32 $0x600, s21;
	s20 =	sadd.s32 $0xA00, s20  }
0xce: {  	[tilespmem:s25], [sflag:$0x3] =	stream.indirect.gather [hbm4b:s2+s17], $0x40, s21, s17, $0xb8;
	[tilespmem:$0x1E000] =	vst v63  }
.LBB2_5:
0xcf: {  	_ =	sfence.sel $0x180000  }
0xd0: {  	[bflag:$0x0] =	sbarrier.arrive $0xFFFF  }
0xd1: {  	_ =	strace $0x9000004A  }
0xd2: {  	s0 =	stileid.u32;
	[bflag:$0x2] =	sbarrier.arrive $0xFFFF  }
0xd3: {  	p0 =	sne.s32 s0, $0x0;
	s0 =	rddreg [dreg:$0x3]  }
0xd4: {  	s0 =	sadd.s32 @!p0 $0x100000, s0  }
0xd5: {  	[sflag:s0] =	ssyncadd.tile.s32 @!p0 $0x1;
	_ =	shalt  }
.Lfunc_end2:
_tile_overlayer_lowered:
.L_overlay_start_2:
0xd6: {  	(tag) =	ssettag $0x2  }
0xd7: {  	s0 =	rddreg [dreg:$0x0];
	s2 =	stileid.u32  }
0xd8: {  	s1 =	rddreg [dreg:$0x1];
	p0 =	sne.s32 s2, $0x0  }
0xd9: {  	s3 =	rddreg [dreg:$0x2];
	[bflag:$0x3] =	sbarrier.arrive $0xFFFF;
	s2 =	simm.s32 @!p0 $0x1C0B  }
0xda: {  	[timem:s3], [sflag:s2] =	dma.local @!p0 [hbm:s0], s1  }
0xdb: {  	s0 =	simm.s32 @!p0 $0xB  }
0xdc: {  	_ =	swait.ge @!p0 [sflag:s0], s1  }
0xdd: {  	s1 =	ssub.s32 @!p0 $0x0, s1;
	[sflag:s0] =	ssyncset.done @!p0 $0x0  }
0xde: {  	[sflag:s0] =	ssyncadd.s32 @!p0 s1  }
0xdf: {  	[bflag:$0x3] =	sbarrier.arrive $0xFFFF  }
0xe0: {  	_ =	shalt  }

// kernel: kernel.13.cloned.1.call-start
scs
__scs_entry_jumppad:
0x0: {  	(pc) =	sbr.rel $0x88, $3  }
0x1: {  	(tag) =	ssettag $0x0;
	lr =	simm.s32 $0x1  }
0x2: {  	[smem:$0x3F99] =	sst lr;
	_ =	strace $0xD0000000  }
0x3: {  	_ = 	snop  }
0x4: {  	_ = 	snop  }
0x5: {  	_ = 	snop  }
0x6: {  	_ = 	snop  }
0x7: {  	_ = 	snop  }
__scs_overlays_trampoline_lowered:
0x8: {  	[smem:$0x3FA8] =	sst s0  }
0x9: {  	[smem:$0x3FA9] =	sst s1  }
0xa: {  	[smem:$0x3FAA] =	sst s2  }
0xb: {  	[smem:$0x3FAB] =	sst s3  }
0xc: {  	[smem:$0x3FAC] =	sst s4  }
0xd: {  	[smem:$0x3FAD] =	sst s5  }
0xe: {  	[smem:$0x3FAE] =	sst s6  }
0xf: {  	[smem:$0x3FAF] =	sst s7  }
0x10: {  	[smem:$0x3FB0] =	sst s8  }
0x11: {  	[smem:$0x3FB1] =	sst s9;
	s0 =	simm.s32 @!p0 $0x0  }
0x12: {  	s1 =	sld [smem:$0x3F97];
	s0 =	simm.s32 @p0 $0x1  }
0x13: {  	[smem:$0x3FB2] =	sst s0;
	s0 =	simm.s32 @!p1 $0x0  }
0x14: {  	s2 =	sld [smem:$0x3F96];
	s0 =	simm.s32 @p1 $0x1  }
0x15: {  	[smem:$0x3FB3] =	sst s0;
	s0 =	simm.s32 @!p2 $0x0  }
0x16: {  	s3 =	sld [smem:$0x3FDB];
	s0 =	simm.s32 @p2 $0x1  }
0x17: {  	s4 =	simm.s32 $0x1BF5;
	[smem:$0x3FB5] =	sst s0  }
0x18: {  	s0 =	sld [smem:$0x3F98];
	_ =	swait.ge [sflag:s4], $0x0  }
0x19: {  	s7 =	sld [smem:$0x3F99]  }
0x1a: {  	s8 =	sadd.s32 $0xFFFFE003, lr  }
0x1b: {  	s9 =	sadd.s32 $0xFFFFFEF7, lr;
	s5 =	simm.s32 $0xFFFFFFFF;
	p2 =	slt.u32 s8, $0xFFFFF086  }
0x1c: {  	p1 =	slt.u32 s9, $0xF7A;
	s5 =	simm.s32 @!p2 $0x0  }
0x1d: {  	s5 =	simm.s32 @p1 $0x1;
	p0 =	seq.s32 s7, s2  }
0x1e: {  	s7 =	smul.u32 @!p0 $0xF7A, s2;
	p2 =	seq.s32 @!p0 s5, $0x0  }
0x1f: {  	s9 =	smul.u32 $0xF7A, s1;
	s8 =	simm.s32 @!p0 $0x1BF5;
	p2 =	por !p2, p0  }
0x20: {  	[sflag:s8] =	ssyncset.s32 @!p0 $0xFFFFF086;
	s6 =	sadd.s32 @!p0 s3, s7;
	s7 =	simm.s32 @!p0 $0x108  }
0x21: {  	s3 =	sadd.s32 s3, s9;
	s6 =	sadd.s32 @!p0 $0x88, s6;
	s7 =	simm.s32 @p2 $0x1082  }
0x22: {  	[simem:s7], [sflag:s8] =	dma.local @!p0 [hbm:s6], $0xF7A  }
0x23: {  	s9 =	sor.u32 $0xD0000000, s2;
	s6 =	simm.s32 $0x108;
	_ =	swait.ge @!p0 [sflag:s8], $0x0  }
0x24: {  	s3 =	sadd.s32 $0x88, s3;
	s6 =	simm.s32 @!p1 $0x1082;
	[sflag:s4] =	ssyncset.s32 $0xFFFFF086  }
0x25: {  	[simem:s6], [sflag:s4] =	dma.local [hbm:s3], $0xF7A  }
0x26: {  	[smem:$0x3F99] =	sst s1;
	(tag) =	ssettag s2;
	_ =	strace s9  }
0x27: {  	s1 =	sld [smem:$0x3FA9]  }
0x28: {  	s2 =	sld [smem:$0x3FAA]  }
0x29: {  	s4 =	sld [smem:$0x3FAC]  }
0x2a: {  	p0 =	seq.s32 s5, $0x0;
	s5 =	sld [smem:$0x3FAD]  }
0x2b: {  	s6 =	sld [smem:$0x3FAE]  }
0x2c: {  	s7 =	sld [smem:$0x3FAF]  }
0x2d: {  	s3 =	simm.s32 $0x108;
	s8 =	sld [smem:$0x3FB0]  }
0x2e: {  	s3 =	simm.s32 @!p0 $0x1082;
	s9 =	sld [smem:$0x3FB1]  }
0x2f: {  	lr =	sadd.s32 s0, s3;
	s0 =	sld [smem:$0x3FA8]  }
0x30: {  	s3 =	sld [smem:$0x3FAB]  }
0x31: {  	[smem:$0x3FB4] =	sst s10  }
0x32: {  	s10 =	sld [smem:$0x3FB2];
	_ =	sdelay $0x3  }
0x33: {  	p0 =	seq.s32 s10, $0x1;
	s10 =	sld [smem:$0x3FB4];
	_ =	sdelay $0x3  }
0x34: {  	[smem:$0x3FB4] =	sst s10  }
0x35: {  	s10 =	sld [smem:$0x3FB3];
	_ =	sdelay $0x3  }
0x36: {  	p1 =	seq.s32 s10, $0x1;
	s10 =	sld [smem:$0x3FB4];
	_ =	sdelay $0x3  }
0x37: {  	[smem:$0x3FB4] =	sst s10  }
0x38: {  	s10 =	sld [smem:$0x3FB5]  }
0x39: {  	_ = 	snop;
	(pc) =	sbr.ind lr, $3  }
0x3a: {  	_ = 	snop  }
0x3b: {  	_ = 	snop  }
0x3c: {  	p2 =	seq.s32 s10, $0x1;
	s10 =	sld [smem:$0x3FB4]  }
0x3d: {  	_ =	shalt  }
0x3e: {  	_ =	shalt  }
0x3f: {  	_ =	shalt  }
0x40: {  	_ =	shalt  }
0x41: {  	_ =	shalt  }
0x42: {  	_ =	shalt  }
0x43: {  	_ =	shalt  }
0x44: {  	_ =	shalt  }
0x45: {  	_ =	shalt  }
0x46: {  	_ =	shalt  }
0x47: {  	_ =	shalt  }
0x48: {  	_ =	shalt  }
0x49: {  	_ =	shalt  }
0x4a: {  	_ =	shalt  }
0x4b: {  	_ =	shalt  }
0x4c: {  	_ =	shalt  }
0x4d: {  	_ =	shalt  }
0x4e: {  	_ =	shalt  }
0x4f: {  	_ =	shalt  }
0x50: {  	_ =	shalt  }
0x51: {  	_ =	shalt  }
0x52: {  	_ =	shalt  }
0x53: {  	_ =	shalt  }
0x54: {  	_ =	shalt  }
0x55: {  	_ =	shalt  }
0x56: {  	_ =	shalt  }
0x57: {  	_ =	shalt  }
0x58: {  	_ =	shalt  }
0x59: {  	_ =	shalt  }
0x5a: {  	_ =	shalt  }
0x5b: {  	_ =	shalt  }
0x5c: {  	_ =	shalt  }
0x5d: {  	_ =	shalt  }
0x5e: {  	_ =	shalt  }
0x5f: {  	_ =	shalt  }
0x60: {  	_ =	shalt  }
0x61: {  	_ =	shalt  }
0x62: {  	_ =	shalt  }
0x63: {  	_ =	shalt  }
0x64: {  	_ =	shalt  }
0x65: {  	_ =	shalt  }
0x66: {  	_ =	shalt  }
0x67: {  	_ =	shalt  }
0x68: {  	_ =	shalt  }
0x69: {  	_ =	shalt  }
0x6a: {  	_ =	shalt  }
0x6b: {  	_ =	shalt  }
0x6c: {  	_ =	shalt  }
0x6d: {  	_ =	shalt  }
0x6e: {  	_ =	shalt  }
0x6f: {  	_ =	shalt  }
0x70: {  	_ =	shalt  }
0x71: {  	_ =	shalt  }
0x72: {  	_ =	shalt  }
0x73: {  	_ =	shalt  }
0x74: {  	_ =	shalt  }
0x75: {  	_ =	shalt  }
0x76: {  	_ =	shalt  }
0x77: {  	_ =	shalt  }
0x78: {  	_ =	shalt  }
0x79: {  	_ =	shalt  }
0x7a: {  	_ =	shalt  }
0x7b: {  	_ =	shalt  }
0x7c: {  	_ =	shalt  }
0x7d: {  	_ =	shalt  }
0x7e: {  	_ =	shalt  }
0x7f: {  	_ =	shalt  }
0x80: {  	_ =	shalt  }
0x81: {  	_ =	shalt  }
0x82: {  	_ =	shalt  }
0x83: {  	_ =	shalt  }
0x84: {  	_ =	shalt  }
0x85: {  	_ =	shalt  }
0x86: {  	_ =	shalt  }
0x87: {  	_ =	shalt  }
.Lfunc_end0:
.L_simem_size_0:
called_computation.2_lowered:
.L_overlay_start_0:
0x88: {  	s2 =	sld [smem:$0x3FD9]  }
0x89: {  	s3 =	sld [smem:$0x3FFE];
	_ =	sdelay $0x1  }
0x8a: {  	s1 =	srdreg.scid  }
0x8b: {  	s0 =	sand.u32 $0x1, s1  }
0x8c: {  	s17 =	sshll.u32 s0, $0xA;
	s2 =	sadd.s32 s3, s2  }
0x8d: {  	s2 =	sadd.s32 s2, s17  }
0x8e: {  	[smem:$0x3FC0] =	sst s2  }
0x8f: {  	_ = 	snop  }
0x90: {  	s2 =	sld [smem:$0x3FD0];
	(tm) =	ssettm $0x1  }
0x91: {  	s18 =	sld [smem:$0x3FFB];
	_ =	sdelay $0x3  }
0x92: {  	_ =	strace s18  }
0x93: {  	s3 =	sld [smem:$0x3FFC];
	_ =	sdelay $0x3  }
0x94: {  	_ =	strace s3  }
0x95: {  	s3 =	sld [smem:$0x3FFD];
	_ =	sdelay $0x3  }
0x96: {  	_ =	strace s3  }
0x97: {  	_ =	strace $0x8FFFFFFF  }
0x98: {  	s19 =	sld [smem:$0x3FDB];
	_ =	sdelay $0x1  }
0x99: {  	s4 =	simm.s32 $_scs_section_size  }
0x9a: {  	s5 =	simm.s32 $_size__tile_overlayer_lowered;
	s6 =	simm.s32 $_tile_overlayer_lowered  }
0x9b: {  	s22 =	simm.s32 $0x1BFF;
	s21 =	sshll.u32 s6, $0x1;
	s3 =	sadd.s32 s4, s19  }
0x9c: {  	s7 =	simm.s32 $0x0;
	s20 =	sshll.u32 s5, $0x1;
	s5 =	sadd.s32 s21, s3  }
0x9d: {  	[timem:s7], [sflag:s22] =	dma.local [hbm:s5], s20  }
0x9e: {  	_ =	swait.ge [sflag:s22], s20  }
0x9f: {  	s4 =	ssub.s32 $0x0, s20;
	[sflag:s22] =	ssyncset.done $0x0  }
0xa0: {  	[sflag:s22] =	ssyncadd.s32 s4;
	_ =	sdelay $0x1  }
0xa1: {  	s23 =	simm.s32 $0x1B8B  }
0xa2: {  	_ =	swait.ge [sflag:s23], $0x1  }
0xa3: {  	[sflag:s23] =	ssyncset.done $0x0  }
0xa4: {  	s25 =	simm.s32 $0x1B8E;
	s24 =	sld [smem:$0x3FFE];
	[sflag:s23] =	ssyncadd.s32 $0xFFFFFFFF  }
0xa5: {  	s26 =	simm.s32 $execute0_lowered;
	[smem:$0x3FD2] =	sst s25  }
0xa6: {  	s5 =	sshll.u32 s26, $0x1;
	_ =	strace $0x8000004C;
	[dreg:$0x1] =	wrdreg $0xFFFFFFFF  }
0xa7: {  	s28 =	simm.s32 $_size_execute0_lowered;
	s3 =	sadd.s32 s3, s5;
	[dreg:$0x0] =	wrdreg $0x0  }
0xa8: {  	s5 =	sshll.u32 s28, $0x1;
	[dreg:$0x2] =	wrdreg s3  }
0xa9: {  	[dreg:$0x3] =	wrdreg s5  }
0xaa: {  	[dreg:$0x4] =	wrdreg $0xC0  }
0xab: {  	_ =	task [dreg:s7], $0x5FFFF  }
0xac: {  	[dreg:$0x1] =	wrdreg $0xFFFFFFFF  }
0xad: {  	[dreg:$0x0] =	wrdreg $0x60  }
0xae: {  	[dreg:$0x2] =	wrdreg s2  }
0xaf: {  	[dreg:$0x3] =	wrdreg s24  }
0xb0: {  	[dreg:$0x4] =	wrdreg $0x140000  }
0xb1: {  	[dreg:$0x5] =	wrdreg $0x9  }
0xb2: {  	_ =	task.clear_ibuf [dreg:s7], $0x6FFFF;
	_ =	strace $0x9000004C  }
0xb3: {  	s29 =	simm.s32 $0x9;
	_ =	strace $0x8000004E  }
0xb4: {  	_ =	swait.ge [sflag:s29], $0x1  }
0xb5: {  	[sflag:s29] =	ssyncadd.s32 $0xFFFFFFFF  }
0xb6: {  	_ =	strace $0x9000004E  }
0xb7: {  	_ =	sfence  }
0xb8: {  	s30 =	sld [smem:$0x0];
	_ =	sdelay $0x2  }
0xb9: {  	s31 =	sshll.u32 s1, $0xD;
	s1 =	sshrl.u32 s1, $0x2  }
0xba: {  	s3 =	sand.u32 $0x4000, s31;
	s1 =	sadd.s32 s1, s30  }
0xbb: {  	s0 =	sor.u32 s3, s0;
	s1 =	sshll.u32 s1, $0x11  }
0xbc: {  	s0 =	sor.u32 s1, s0  }
0xbd: {  	s0 =	sadd.s32 $0x8F2B, s0  }
0xbe: {  	[sflag:s0] =	ssyncadd.remote.s32 $0x1  }
0xbf: {  	_ =	sfence.sel $0xFFFF  }
0xc0: {  	[dreg:$0x0] =	wrdreg $0xFFFFFFFF;
	(pc) =	sbr.abs _section_cstart, $3  }
0xc1: {  	[dreg:$0x1] =	wrdreg $0xFFFFFFFF  }
0xc2: {  	_ =	task.clear_ibuf [dreg:s7], $0x2FFFF;
	_ =	strace $0x9FFFFFFF  }
0xc3: {  	(tm) =	ssettm $0x7FFFFFFF  }
tec
execute0_lowered:
.L_overlay_start_1:
0x0: {  	(tag) =	ssettag $0x1  }
0x1: {  	s2 =	rddreg [dreg:$0x0]  }
0x2: {  	s0 =	rddreg [dreg:$0x1]  }
0x3: {  	s3 =	rddreg [dreg:$0x2];
	s9 =	stileid.u32  }
0x4: {  	s4 =	simm.s32 $0x0;
	s5 =	srdreg.scid;
	s16 =	simm.s32 $0xA000  }
0x5: {  	s17 =	simm.s32 $0x80;
	s18 =	simm.s32 $0xC000;
	s29 =	simm.s32 $0x10000  }
0x6: {  	s30 =	simm.s32 $0x2;
	s19 =	simm.s32 $0x3;
	s1 =	smul.u32 $0xA00, s9  }
0x7: {  	s31 =	simm.s32 $0x6;
	s5 =	sand.u32 $0x1, s5;
	s13 =	smul.u32 $0xA000, s9  }
0x8: {  	[smem:$0x7FF] =	sst s4;
	s7 =	sadd.s32 $0x2A400, s0;
	s6 =	smul.u32 $0xA000, s5  }
0x9: {  	_ =	strace $0x8000004D;
	s21 =	smul.u32 $0x14000, s5;
	s5 =	ssub.s32 $0x2, s5  }
0xa: {  	[dreg:$0x4] =	wrdreg s7;
	s1 =	sadd.s32 s1, s0;
	s8 =	sshrl.u32 s5, $0x1  }
0xb: {  	s22 =	sadd.s32 $0x2000, s13;
	s23 =	sadd.s32 $0x4000, s13;
	s24 =	sadd.s32 $0x6000, s13  }
0xc: {  	s14 =	sadd.s32 $0x8000, s13;
	s6 =	sadd.s32 s6, s1;
	s0 =	sadd.s32 s21, s0  }
0xd: {  	s5 =	ssub.s32 s5, s8;
	s1 =	sadd.s32 $0x1C00, s1;
	s8 =	sadd.s32 s13, s3  }
0xe: {  	s9 =	sadd.s32 s22, s3;
	s10 =	sadd.s32 s23, s3;
	s11 =	sadd.s32 s24, s3  }
0xf: {  	s12 =	sadd.s32 s14, s3;
	s13 =	sshrl.u32 s13, $0x3;
	s7 =	sshrl.u32 s24, $0x3  }
0x10: {  	s15 =	sshrl.u32 s14, $0x3;
	s14 =	simm.s32 $0xB;
	s6 =	sadd.s32 $0x16400, s6  }
0x11: {  	[dreg:$0x6] =	wrdreg s1;
	s0 =	sadd.s32 $0x2A800, s0;
	s1 =	sshrl.u32 s22, $0x3  }
0x12: {  	s5 =	smax.u32 s5, $0x1;
	[dreg:$0x5] =	wrdreg s6;
	s6 =	sshrl.u32 s23, $0x3  }
0x13: {  	[dreg:$0x7] =	wrdreg s5;
	s25 =	sadd.s32 s13, s0;
	s1 =	sadd.s32 s1, s0  }
0x14: {  	s28 =	sadd.s32 s7, s0;
	s5 =	simm.s32 $0x5;
	[dreg:$0x8] =	wrdreg s25  }
.Ltmp0:
0x15: {  	s7 =	simm.s32 $0x9;
	[dreg:$0x9] =	wrdreg s1;
	(pc) =	sbr.rel .LBB2_1-.Ltmp0, $4  }
0x16: {  	s13 =	simm.s32 $0x0;
	s26 =	sadd.s32 s6, s0;
	[dreg:$0xb] =	wrdreg s28  }
0x17: {  	s0 =	sadd.s32 s15, s0;
	s25 =	simm.s32 $0xE000;
	s1 =	simm.s32 $0x12000  }
0x18: {  	s6 =	simm.s32 $0x8;
	s15 =	simm.s32 $0xA;
	[dreg:$0xa] =	wrdreg s26  }
0x19: {  	[dreg:$0xc] =	wrdreg s0;
	s26 =	simm.s32 $0x1;
	s0 =	simm.s32 $0x7  }
.LBB2_4:
0x1a: {  	_ =	swait.ge [sflag:s7], $0x2000  }
0x1b: {  	[sflag:s7] =	ssyncset.done $0x0  }
0x1c: {  	[sflag:s7] =	ssyncadd.s32 $0xFFFFE000  }
0x1d: {  	_ =	swait.ge [sflag:s15], $0x2000  }
0x1e: {  	[sflag:s15] =	ssyncset.done $0x0  }
0x1f: {  	[sflag:s15] =	ssyncadd.s32 $0xFFFFE000  }
0x20: {  	[bflag:$0x0] =	sbarrier.arrive $0xFFFF  }
0x21: {  	[tilespmem:s16], [sflag:$0xB] =	stream.linear.gather [spmem:s8], $0x2000, $0x38;
	[tilespmem:$0x1E000] =	vst v63  }
0x22: {  	_ =	swait.ge [sflag:s14], $0x2000  }
0x23: {  	[sflag:s14] =	ssyncset.done $0x0  }
0x24: {  	s20 =	rddreg [dreg:$0x8];
	[sflag:s14] =	ssyncadd.s32 $0xFFFFE000  }
0x25: {  	[hbm4b:s20+s4] =	stream.linear.scatter [tilespmem:s16], [sflag:$0xB], $0x2000, $0x38;
	[tilespmem:$0x1E000] =	vst v63  }
0x26: {  	_ =	swait.ge [sflag:s14], $0x2000  }
0x27: {  	[sflag:s14] =	ssyncset.done $0x0  }
0x28: {  	[sflag:s14] =	ssyncadd.s32 $0xFFFFE000  }
0x29: {  	[tilespmem:s16], [sflag:$0xB] =	stream.linear.gather [spmem:s9], $0x2000, $0x38;
	[tilespmem:$0x1E000] =	vst v63  }
0x2a: {  	_ =	swait.ge [sflag:s14], $0x2000  }
0x2b: {  	[sflag:s14] =	ssyncset.done $0x0  }
0x2c: {  	s21 =	rddreg [dreg:$0x9];
	[sflag:s14] =	ssyncadd.s32 $0xFFFFE000  }
0x2d: {  	[hbm4b:s21+s4] =	stream.linear.scatter [tilespmem:s16], [sflag:$0xB], $0x2000, $0x38;
	[tilespmem:$0x1E000] =	vst v63  }
0x2e: {  	_ =	swait.ge [sflag:s14], $0x2000  }
0x2f: {  	[sflag:s14] =	ssyncset.done $0x0  }
0x30: {  	[sflag:s14] =	ssyncadd.s32 $0xFFFFE000  }
0x31: {  	[tilespmem:s16], [sflag:$0xB] =	stream.linear.gather [spmem:s10], $0x2000, $0x38;
	[tilespmem:$0x1E000] =	vst v63  }
0x32: {  	_ =	swait.ge [sflag:s14], $0x2000  }
0x33: {  	[sflag:s14] =	ssyncset.done $0x0  }
0x34: {  	s22 =	rddreg [dreg:$0xa];
	[sflag:s14] =	ssyncadd.s32 $0xFFFFE000  }
0x35: {  	[hbm4b:s22+s4] =	stream.linear.scatter [tilespmem:s16], [sflag:$0xB], $0x2000, $0x38;
	[tilespmem:$0x1E000] =	vst v63  }
0x36: {  	_ =	swait.ge [sflag:s14], $0x2000  }
0x37: {  	[sflag:s14] =	ssyncset.done $0x0  }
0x38: {  	[sflag:s14] =	ssyncadd.s32 $0xFFFFE000  }
0x39: {  	[tilespmem:s16], [sflag:$0xB] =	stream.linear.gather [spmem:s11], $0x2000, $0x38;
	[tilespmem:$0x1E000] =	vst v63  }
0x3a: {  	_ =	swait.ge [sflag:s14], $0x2000  }
0x3b: {  	[sflag:s14] =	ssyncset.done $0x0  }
0x3c: {  	s23 =	rddreg [dreg:$0xb];
	[sflag:s14] =	ssyncadd.s32 $0xFFFFE000  }
0x3d: {  	[hbm4b:s23+s4] =	stream.linear.scatter [tilespmem:s16], [sflag:$0xB], $0x2000, $0x38;
	[tilespmem:$0x1E000] =	vst v63  }
0x3e: {  	_ =	swait.ge [sflag:s14], $0x2000  }
0x3f: {  	[sflag:s14] =	ssyncset.done $0x0  }
0x40: {  	[sflag:s14] =	ssyncadd.s32 $0xFFFFE000  }
0x41: {  	[tilespmem:s16], [sflag:$0xB] =	stream.linear.gather [spmem:s12], $0x2000, $0x38;
	[tilespmem:$0x1E000] =	vst v63  }
0x42: {  	_ =	swait.ge [sflag:s14], $0x2000  }
0x43: {  	[sflag:s14] =	ssyncset.done $0x0  }
0x44: {  	s24 =	rddreg [dreg:$0xc];
	[sflag:s14] =	ssyncadd.s32 $0xFFFFE000  }
0x45: {  	[hbm4b:s24+s4] =	stream.linear.scatter [tilespmem:s16], [sflag:$0xB], $0x2000, $0x38;
	[tilespmem:$0x1E000] =	vst v63  }
0x46: {  	_ =	swait.ge [sflag:s14], $0x2000  }
0x47: {  	s13 =	sadd.s32 $0x1, s13;
	s28 =	rddreg [dreg:$0x7]  }
0x48: {  	p0 =	sne.s32 s13, s28  }
.Ltmp1:
0x49: {  	_ = 	snop;
	(pc) =	sbr.rel @!p0 .LBB2_5-.Ltmp1, $3  }
0x4a: {  	_ =	sdelay $0x1  }
0x4b: {  	[sflag:s14] =	ssyncset.done $0x0  }
0x4c: {  	[sflag:s14] =	ssyncadd.s32 $0xFFFFE000  }
.LBB2_1:
0x4d: {  	s20 =	rddreg [dreg:$0x5]  }
0x4e: {  	[tilespmem:s4], [sflag:$0xB] =	stream.linear.gather [hbm4b:s20+s4], $0x5000, $0x38;
	[tilespmem:$0x1E000] =	vst v63  }
0x4f: {  	_ =	swait.ge [sflag:s14], $0x5000  }
0x50: {  	[sflag:s14] =	ssyncset.done $0x0  }
0x51: {  	s21 =	simm.s32 $0x5000;
	s23 =	rddreg [dreg:$0x6];
	[sflag:s14] =	ssyncadd.s32 $0xFFFFB000  }
0x52: {  	[tilespmem:s21], [sflag:$0xB] =	stream.linear.gather [hbm4b:s23+s4], $0x5000, $0x38;
	[tilespmem:$0x1E000] =	vst v63  }
0x53: {  	_ =	swait.ge [sflag:s14], $0x5000  }
0x54: {  	[sflag:s14] =	ssyncset.done $0x0  }
0x55: {  	s24 =	rddreg [dreg:$0x4];
	[sflag:s14] =	ssyncadd.s32 $0xFFFFB000  }
0x56: {  	[tilespmem:s16], [sflag:$0xB] =	stream.linear.gather [hbm4b:s24+s4], $0x2000, $0x38;
	[tilespmem:$0x1E000] =	vst v63  }
0x57: {  	_ =	swait.ge [sflag:s14], $0x2000  }
0x58: {  	[sflag:s14] =	ssyncset.done $0x0  }
0x59: {  	[sflag:s14] =	ssyncadd.s32 $0xFFFFE000  }
0x5a: {  	[spmem:s8] =	stream.linear.scatter [tilespmem:s16], [sflag:$0xB], $0x2000, $0x38;
	[tilespmem:$0x1E000] =	vst v63  }
0x5b: {  	_ =	swait.ge [sflag:s14], $0x2000  }
0x5c: {  	[sflag:s14] =	ssyncset.done $0x0  }
0x5d: {  	[sflag:s14] =	ssyncadd.s32 $0xFFFFE000  }
0x5e: {  	[spmem:s9] =	stream.linear.scatter [tilespmem:s16], [sflag:$0xB], $0x2000, $0x38;
	[tilespmem:$0x1E000] =	vst v63  }
0x5f: {  	_ =	swait.ge [sflag:s14], $0x2000  }
0x60: {  	[sflag:s14] =	ssyncset.done $0x0  }
0x61: {  	[sflag:s14] =	ssyncadd.s32 $0xFFFFE000  }
0x62: {  	[spmem:s10] =	stream.linear.scatter [tilespmem:s16], [sflag:$0xB], $0x2000, $0x38;
	[tilespmem:$0x1E000] =	vst v63  }
0x63: {  	_ =	swait.ge [sflag:s14], $0x2000  }
0x64: {  	[sflag:s14] =	ssyncset.done $0x0  }
0x65: {  	[sflag:s14] =	ssyncadd.s32 $0xFFFFE000  }
0x66: {  	[spmem:s11] =	stream.linear.scatter [tilespmem:s16], [sflag:$0xB], $0x2000, $0x38;
	[tilespmem:$0x1E000] =	vst v63  }
0x67: {  	_ =	swait.ge [sflag:s14], $0x2000  }
0x68: {  	[sflag:s14] =	ssyncset.done $0x0  }
0x69: {  	[sflag:s14] =	ssyncadd.s32 $0xFFFFE000  }
0x6a: {  	[spmem:s12] =	stream.linear.scatter [tilespmem:s16], [sflag:$0xB], $0x2000, $0x38;
	[tilespmem:$0x1E000] =	vst v63  }
0x6b: {  	_ =	swait.ge [sflag:s14], $0x2000  }
0x6c: {  	[sflag:s14] =	ssyncset.done $0x0  }
0x6d: {  	[sflag:s14] =	ssyncadd.s32 $0xFFFFE000  }
0x6e: {  	[bflag:$0x0] =	sbarrier.arrive $0xFFFF  }
0x6f: {  	[tilespmem:s16], [sflag:$0x1] =	stream.indirect.gather [hbm4b:s2+s17], $0x40, s4, s17, $0xb8;
	[tilespmem:$0x1E000] =	vst v63  }
0x70: {  	_ = 	snop  }
0x71: {  	[tilespmem:s18], [sflag:$0x2] =	stream.indirect.gather [hbm4b:s2+s17], $0x40, s17, s17, $0xb8;
	[tilespmem:$0x1E000] =	vst v63  }
0x72: {  	s28 =	simm.s32 $0x100  }
0x73: {  	[tilespmem:s25], [sflag:$0x3] =	stream.indirect.gather [hbm4b:s2+s17], $0x40, s28, s17, $0xb8;
	[tilespmem:$0x1E000] =	vst v63  }
0x74: {  	_ =	swait.ge [sflag:s26], $0x2000  }
0x75: {  	[sflag:s26] =	ssyncset.done $0x0  }
0x76: {  	[sflag:s26] =	ssyncadd.s32 $0xFFFFE000  }
0x77: {  	[spmem:s3] =	stream.indirect.scatter.add.f32 [tilespmem:s16], [sflag:$0x6], $0x40, s21, s17, $0xb8;
	[tilespmem:$0x1E000] =	vst v63  }
0x78: {  	s21 =	simm.s32 $0x180  }
0x79: {  	[tilespmem:s29], [sflag:$0x4] =	stream.indirect.gather [hbm4b:s2+s17], $0x40, s21, s17, $0xb8;
	[tilespmem:$0x1E000] =	vst v63  }
0x7a: {  	_ =	swait.ge [sflag:s30], $0x2000  }
0x7b: {  	[sflag:s30] =	ssyncset.done $0x0  }
0x7c: {  	s22 =	simm.s32 $0x5080;
	[sflag:s30] =	ssyncadd.s32 $0xFFFFE000  }
0x7d: {  	[spmem:s3] =	stream.indirect.scatter.add.f32 [tilespmem:s18], [sflag:$0x7], $0x40, s22, s17, $0xb8;
	[tilespmem:$0x1E000] =	vst v63  }
0x7e: {  	s23 =	simm.s32 $0x200  }
0x7f: {  	[tilespmem:s1], [sflag:$0x5] =	stream.indirect.gather [hbm4b:s2+s17], $0x40, s23, s17, $0xb8;
	[tilespmem:$0x1E000] =	vst v63  }
0x80: {  	_ =	swait.ge [sflag:s19], $0x2000  }
0x81: {  	[sflag:s19] =	ssyncset.done $0x0  }
0x82: {  	s24 =	simm.s32 $0x5100;
	[sflag:s19] =	ssyncadd.s32 $0xFFFFE000  }
0x83: {  	[spmem:s3] =	stream.indirect.scatter.add.f32 [tilespmem:s25], [sflag:$0x8], $0x40, s24, s17, $0xb8;
	[tilespmem:$0x1E000] =	vst v63  }
0x84: {  	_ =	swait.ge [sflag:s31], $0x2000  }
0x85: {  	[sflag:s31] =	ssyncset.done $0x0  }
0x86: {  	s28 =	simm.s32 $0x280;
	s21 =	simm.s32 $0x4;
	[sflag:s31] =	ssyncadd.s32 $0xFFFFE000  }
0x87: {  	[tilespmem:s16], [sflag:$0x1] =	stream.indirect.gather [hbm4b:s2+s17], $0x40, s28, s17, $0xb8;
	[tilespmem:$0x1E000] =	vst v63  }
0x88: {  	_ =	swait.ge [sflag:s21], $0x2000  }
0x89: {  	[sflag:s21] =	ssyncset.done $0x0  }
0x8a: {  	s22 =	simm.s32 $0x5180;
	[sflag:s21] =	ssyncadd.s32 $0xFFFFE000  }
0x8b: {  	[spmem:s3] =	stream.indirect.scatter.add.f32 [tilespmem:s29], [sflag:$0x9], $0x40, s22, s17, $0xb8;
	[tilespmem:$0x1E000] =	vst v63  }
0x8c: {  	_ =	swait.ge [sflag:s0], $0x2000  }
0x8d: {  	[sflag:s0] =	ssyncset.done $0x0  }
0x8e: {  	s23 =	simm.s32 $0x300;
	[sflag:s0] =	ssyncadd.s32 $0xFFFFE000  }
0x8f: {  	[tilespmem:s18], [sflag:$0x2] =	stream.indirect.gather [hbm4b:s2+s17], $0x40, s23, s17, $0xb8;
	[tilespmem:$0x1E000] =	vst v63  }
0x90: {  	_ =	swait.ge [sflag:s5], $0x2000  }
0x91: {  	[sflag:s5] =	ssyncset.done $0x0  }
0x92: {  	s24 =	simm.s32 $0x5200;
	[sflag:s5] =	ssyncadd.s32 $0xFFFFE000  }
0x93: {  	[spmem:s3] =	stream.indirect.scatter.add.f32 [tilespmem:s1], [sflag:$0xA], $0x40, s24, s17, $0xb8;
	[tilespmem:$0x1E000] =	vst v63  }
0x94: {  	_ =	swait.ge [sflag:s6], $0x2000  }
0x95: {  	[sflag:s6] =	ssyncset.done $0x0  }
0x96: {  	s20 =	simm.s32 $0x0;
	s28 =	simm.s32 $0x380;
	[sflag:s6] =	ssyncadd.s32 $0xFFFFE000  }
0x97: {  	[tilespmem:s25], [sflag:$0x3] =	stream.indirect.gather [hbm4b:s2+s17], $0x40, s28, s17, $0xb8;
	[tilespmem:$0x1E000] =	vst v63  }
.LBB2_2:
0x98: {  	_ =	swait.ge [sflag:s26], $0x2000  }
0x99: {  	s21 =	sshra.s32 s20, $0x2;
	[sflag:s26] =	ssyncset.done $0x0  }
0x9a: {  	s22 =	sadd.s32 $0x5280, s21;
	[sflag:s26] =	ssyncadd.s32 $0xFFFFE000  }
0x9b: {  	[spmem:s3] =	stream.indirect.scatter.add.f32 [tilespmem:s16], [sflag:$0x6], $0x40, s22, s17, $0xb8;
	[tilespmem:$0x1E000] =	vst v63  }
0x9c: {  	_ =	swait.ge [sflag:s7], $0x2000  }
0x9d: {  	[sflag:s7] =	ssyncset.done $0x0  }
0x9e: {  	s24 =	sadd.s32 $0x400, s21;
	[sflag:s7] =	ssyncadd.s32 $0xFFFFE000  }
0x9f: {  	[tilespmem:s29], [sflag:$0x4] =	stream.indirect.gather [hbm4b:s2+s17], $0x40, s24, s17, $0xb8;
	[tilespmem:$0x1E000] =	vst v63  }
0xa0: {  	_ =	swait.ge [sflag:s30], $0x2000  }
0xa1: {  	[sflag:s30] =	ssyncset.done $0x0  }
0xa2: {  	s28 =	sadd.s32 $0x5300, s21;
	[sflag:s30] =	ssyncadd.s32 $0xFFFFE000  }
0xa3: {  	[spmem:s3] =	stream.indirect.scatter.add.f32 [tilespmem:s18], [sflag:$0x7], $0x40, s28, s17, $0xb8;
	[tilespmem:$0x1E000] =	vst v63  }
0xa4: {  	_ =	swait.ge [sflag:s15], $0x2000  }
0xa5: {  	[sflag:s15] =	ssyncset.done $0x0  }
0xa6: {  	s23 =	sadd.s32 $0x480, s21;
	[sflag:s15] =	ssyncadd.s32 $0xFFFFE000  }
0xa7: {  	[tilespmem:s1], [sflag:$0x5] =	stream.indirect.gather [hbm4b:s2+s17], $0x40, s23, s17, $0xb8;
	[tilespmem:$0x1E000] =	vst v63  }
0xa8: {  	_ =	swait.ge [sflag:s19], $0x2000  }
0xa9: {  	[sflag:s19] =	ssyncset.done $0x0  }
0xaa: {  	s24 =	sadd.s32 $0x5380, s21;
	[sflag:s19] =	ssyncadd.s32 $0xFFFFE000  }
0xab: {  	[spmem:s3] =	stream.indirect.scatter.add.f32 [tilespmem:s25], [sflag:$0x8], $0x40, s24, s17, $0xb8;
	[tilespmem:$0x1E000] =	vst v63  }
0xac: {  	_ =	swait.ge [sflag:s31], $0x2000  }
0xad: {  	p0 =	seq.s32 s20, $0x12C00;
	[sflag:s31] =	ssyncset.done $0x0  }
0xae: {  	s22 =	simm.s32 @p0 $0x4;
	[sflag:s31] =	ssyncadd.s32 $0xFFFFE000  }
0xaf: {  	_ =	swait.ge @p0 [sflag:s22], $0x2000  }
0xb0: {  	[sflag:s22] =	ssyncset.done @p0 $0x0  }
0xb1: {  	[sflag:s22] =	ssyncadd.s32 @p0 $0xFFFFE000;
	s22 =	sshra.s32 @p0 s20, $0x2  }
0xb2: {  	s23 =	simm.s32 @p0 $0x80;
	s24 =	simm.s32 @p0 $0x10000;
	s22 =	sadd.s32 @p0 $0x5400, s22  }
0xb3: {  	[spmem:s3] =	stream.indirect.scatter.add.f32 @p0 [tilespmem:s24], [sflag:$0x9], $0x40, s22, s23, $0xb8;
	[tilespmem:$0x1E000] =	vst v63  }
0xb4: {  	s22 =	simm.s32 @p0 $0x7  }
0xb5: {  	_ =	swait.ge @p0 [sflag:s22], $0x2000  }
0xb6: {  	[sflag:s22] =	ssyncset.done @p0 $0x0  }
0xb7: {  	[sflag:s22] =	ssyncadd.s32 @p0 $0xFFFFE000;
	s22 =	sshra.s32 @!p0 s20, $0x2  }
0xb8: {  	s28 =	simm.s32 @!p0 $0xA000;
	s24 =	simm.s32 @!p0 $0x80;
	s23 =	sadd.s32 @!p0 $0x500, s22  }
0xb9: {  	[tilespmem:s28], [sflag:$0x1] =	stream.indirect.gather @!p0 [hbm4b:s2+s24], $0x40, s23, s24, $0xb8;
	[tilespmem:$0x1E000] =	vst v63  }
0xba: {  	s23 =	simm.s32 @!p0 $0x4  }
0xbb: {  	_ =	swait.ge @!p0 [sflag:s23], $0x2000  }
0xbc: {  	[sflag:s23] =	ssyncset.done @!p0 $0x0  }
0xbd: {  	s28 =	simm.s32 @!p0 $0x10000;
	[sflag:s23] =	ssyncadd.s32 @!p0 $0xFFFFE000;
	s23 =	sadd.s32 @!p0 $0x5400, s22  }
0xbe: {  	[spmem:s3] =	stream.indirect.scatter.add.f32 @!p0 [tilespmem:s28], [sflag:$0x9], $0x40, s23, s24, $0xb8;
	[tilespmem:$0x1E000] =	vst v63  }
0xbf: {  	s23 =	simm.s32 @!p0 $0x7  }
0xc0: {  	_ =	swait.ge @!p0 [sflag:s23], $0x2000  }
0xc1: {  	[sflag:s23] =	ssyncset.done @!p0 $0x0  }
0xc2: {  	s22 =	sadd.s32 @!p0 $0x580, s22;
	[sflag:s23] =	ssyncadd.s32 @!p0 $0xFFFFE000;
	s23 =	simm.s32 @!p0 $0xC000  }
0xc3: {  	[tilespmem:s23], [sflag:$0x2] =	stream.indirect.gather @!p0 [hbm4b:s2+s24], $0x40, s22, s24, $0xb8;
	[tilespmem:$0x1E000] =	vst v63  }
0xc4: {  	_ =	swait.ge [sflag:s5], $0x2000  }
0xc5: {  	[sflag:s5] =	ssyncset.done $0x0  }
.Ltmp2:
0xc6: {  	s28 =	sadd.s32 $0x5480, s21;
	[sflag:s5] =	ssyncadd.s32 $0xFFFFE000;
	(pc) =	sbr.rel @p0 .LBB2_4-.Ltmp2, $4  }
0xc7: {  	[spmem:s3] =	stream.indirect.scatter.add.f32 [tilespmem:s1], [sflag:$0xA], $0x40, s28, s17, $0xb8;
	[tilespmem:$0x1E000] =	vst v63  }
0xc8: {  	_ =	swait.ge [sflag:s6], $0x2000  }
0xc9: {  	[sflag:s6] =	ssyncset.done $0x0  }
0xca: {  	[sflag:s6] =	ssyncadd.s32 $0xFFFFE000  }
.Ltmp3:
0xcb: {  	(pc) =	sbr.rel .LBB2_2-.Ltmp3, $3  }
0xcc: {  	_ =	sdelay $0x1  }
0xcd: {  	s21 =	sadd.s32 $0x600, s21;
	s20 =	sadd.s32 $0xA00, s20  }
0xce: {  	[tilespmem:s25], [sflag:$0x3] =	stream.indirect.gather [hbm4b:s2+s17], $0x40, s21, s17, $0xb8;
	[tilespmem:$0x1E000] =	vst v63  }
.LBB2_5:
0xcf: {  	_ =	sfence.sel $0x180000  }
0xd0: {  	[bflag:$0x0] =	sbarrier.arrive $0xFFFF  }
0xd1: {  	_ =	strace $0x9000004D  }
0xd2: {  	s0 =	stileid.u32;
	[bflag:$0x2] =	sbarrier.arrive $0xFFFF  }
0xd3: {  	p0 =	sne.s32 s0, $0x0;
	s0 =	rddreg [dreg:$0x3]  }
0xd4: {  	s0 =	sadd.s32 @!p0 $0x100000, s0  }
0xd5: {  	[sflag:s0] =	ssyncadd.tile.s32 @!p0 $0x1;
	_ =	shalt  }
.Lfunc_end2:
_tile_overlayer_lowered:
.L_overlay_start_2:
0xd6: {  	(tag) =	ssettag $0x2  }
0xd7: {  	s0 =	rddreg [dreg:$0x0];
	s2 =	stileid.u32  }
0xd8: {  	s1 =	rddreg [dreg:$0x1];
	p0 =	sne.s32 s2, $0x0  }
0xd9: {  	s3 =	rddreg [dreg:$0x2];
	[bflag:$0x3] =	sbarrier.arrive $0xFFFF;
	s2 =	simm.s32 @!p0 $0x1C0B  }
0xda: {  	[timem:s3], [sflag:s2] =	dma.local @!p0 [hbm:s0], s1  }
0xdb: {  	s0 =	simm.s32 @!p0 $0xB  }
0xdc: {  	_ =	swait.ge @!p0 [sflag:s0], s1  }
0xdd: {  	s1 =	ssub.s32 @!p0 $0x0, s1;
	[sflag:s0] =	ssyncset.done @!p0 $0x0  }
0xde: {  	[sflag:s0] =	ssyncadd.s32 @!p0 s1  }
0xdf: {  	[bflag:$0x3] =	sbarrier.arrive $0xFFFF  }
0xe0: {  	_ =	shalt  }

// kernel: kernel.7.cloned.1.call-start
scs
__scs_entry_jumppad:
0x0: {  	(pc) =	sbr.rel $0x88, $3  }
0x1: {  	(tag) =	ssettag $0x0;
	lr =	simm.s32 $0x1  }
0x2: {  	[smem:$0x3F99] =	sst lr;
	_ =	strace $0xD0000000  }
0x3: {  	_ = 	snop  }
0x4: {  	_ = 	snop  }
0x5: {  	_ = 	snop  }
0x6: {  	_ = 	snop  }
0x7: {  	_ = 	snop  }
__scs_overlays_trampoline_lowered:
0x8: {  	[smem:$0x3FA8] =	sst s0  }
0x9: {  	[smem:$0x3FA9] =	sst s1  }
0xa: {  	[smem:$0x3FAA] =	sst s2  }
0xb: {  	[smem:$0x3FAB] =	sst s3  }
0xc: {  	[smem:$0x3FAC] =	sst s4  }
0xd: {  	[smem:$0x3FAD] =	sst s5  }
0xe: {  	[smem:$0x3FAE] =	sst s6  }
0xf: {  	[smem:$0x3FAF] =	sst s7  }
0x10: {  	[smem:$0x3FB0] =	sst s8  }
0x11: {  	[smem:$0x3FB1] =	sst s9;
	s0 =	simm.s32 @!p0 $0x0  }
0x12: {  	s1 =	sld [smem:$0x3F97];
	s0 =	simm.s32 @p0 $0x1  }
0x13: {  	[smem:$0x3FB2] =	sst s0;
	s0 =	simm.s32 @!p1 $0x0  }
0x14: {  	s2 =	sld [smem:$0x3F96];
	s0 =	simm.s32 @p1 $0x1  }
0x15: {  	[smem:$0x3FB3] =	sst s0;
	s0 =	simm.s32 @!p2 $0x0  }
0x16: {  	s3 =	sld [smem:$0x3FDB];
	s0 =	simm.s32 @p2 $0x1  }
0x17: {  	s4 =	simm.s32 $0x1BF5;
	[smem:$0x3FB5] =	sst s0  }
0x18: {  	s0 =	sld [smem:$0x3F98];
	_ =	swait.ge [sflag:s4], $0x0  }
0x19: {  	s7 =	sld [smem:$0x3F99]  }
0x1a: {  	s8 =	sadd.s32 $0xFFFFE003, lr  }
0x1b: {  	s9 =	sadd.s32 $0xFFFFFEF7, lr;
	s5 =	simm.s32 $0xFFFFFFFF;
	p2 =	slt.u32 s8, $0xFFFFF086  }
0x1c: {  	p1 =	slt.u32 s9, $0xF7A;
	s5 =	simm.s32 @!p2 $0x0  }
0x1d: {  	s5 =	simm.s32 @p1 $0x1;
	p0 =	seq.s32 s7, s2  }
0x1e: {  	s7 =	smul.u32 @!p0 $0xF7A, s2;
	p2 =	seq.s32 @!p0 s5, $0x0  }
0x1f: {  	s9 =	smul.u32 $0xF7A, s1;
	s8 =	simm.s32 @!p0 $0x1BF5;
	p2 =	por !p2, p0  }
0x20: {  	[sflag:s8] =	ssyncset.s32 @!p0 $0xFFFFF086;
	s6 =	sadd.s32 @!p0 s3, s7;
	s7 =	simm.s32 @!p0 $0x108  }
0x21: {  	s3 =	sadd.s32 s3, s9;
	s6 =	sadd.s32 @!p0 $0x88, s6;
	s7 =	simm.s32 @p2 $0x1082  }
0x22: {  	[simem:s7], [sflag:s8] =	dma.local @!p0 [hbm:s6], $0xF7A  }
0x23: {  	s9 =	sor.u32 $0xD0000000, s2;
	s6 =	simm.s32 $0x108;
	_ =	swait.ge @!p0 [sflag:s8], $0x0  }
0x24: {  	s3 =	sadd.s32 $0x88, s3;
	s6 =	simm.s32 @!p1 $0x1082;
	[sflag:s4] =	ssyncset.s32 $0xFFFFF086  }
0x25: {  	[simem:s6], [sflag:s4] =	dma.local [hbm:s3], $0xF7A  }
0x26: {  	[smem:$0x3F99] =	sst s1;
	(tag) =	ssettag s2;
	_ =	strace s9  }
0x27: {  	s1 =	sld [smem:$0x3FA9]  }
0x28: {  	s2 =	sld [smem:$0x3FAA]  }
0x29: {  	s4 =	sld [smem:$0x3FAC]  }
0x2a: {  	p0 =	seq.s32 s5, $0x0;
	s5 =	sld [smem:$0x3FAD]  }
0x2b: {  	s6 =	sld [smem:$0x3FAE]  }
0x2c: {  	s7 =	sld [smem:$0x3FAF]  }
0x2d: {  	s3 =	simm.s32 $0x108;
	s8 =	sld [smem:$0x3FB0]  }
0x2e: {  	s3 =	simm.s32 @!p0 $0x1082;
	s9 =	sld [smem:$0x3FB1]  }
0x2f: {  	lr =	sadd.s32 s0, s3;
	s0 =	sld [smem:$0x3FA8]  }
0x30: {  	s3 =	sld [smem:$0x3FAB]  }
0x31: {  	[smem:$0x3FB4] =	sst s10  }
0x32: {  	s10 =	sld [smem:$0x3FB2];
	_ =	sdelay $0x3  }
0x33: {  	p0 =	seq.s32 s10, $0x1;
	s10 =	sld [smem:$0x3FB4];
	_ =	sdelay $0x3  }
0x34: {  	[smem:$0x3FB4] =	sst s10  }
0x35: {  	s10 =	sld [smem:$0x3FB3];
	_ =	sdelay $0x3  }
0x36: {  	p1 =	seq.s32 s10, $0x1;
	s10 =	sld [smem:$0x3FB4];
	_ =	sdelay $0x3  }
0x37: {  	[smem:$0x3FB4] =	sst s10  }
0x38: {  	s10 =	sld [smem:$0x3FB5]  }
0x39: {  	_ = 	snop;
	(pc) =	sbr.ind lr, $3  }
0x3a: {  	_ = 	snop  }
0x3b: {  	_ = 	snop  }
0x3c: {  	p2 =	seq.s32 s10, $0x1;
	s10 =	sld [smem:$0x3FB4]  }
0x3d: {  	_ =	shalt  }
0x3e: {  	_ =	shalt  }
0x3f: {  	_ =	shalt  }
0x40: {  	_ =	shalt  }
0x41: {  	_ =	shalt  }
0x42: {  	_ =	shalt  }
0x43: {  	_ =	shalt  }
0x44: {  	_ =	shalt  }
0x45: {  	_ =	shalt  }
0x46: {  	_ =	shalt  }
0x47: {  	_ =	shalt  }
0x48: {  	_ =	shalt  }
0x49: {  	_ =	shalt  }
0x4a: {  	_ =	shalt  }
0x4b: {  	_ =	shalt  }
0x4c: {  	_ =	shalt  }
0x4d: {  	_ =	shalt  }
0x4e: {  	_ =	shalt  }
0x4f: {  	_ =	shalt  }
0x50: {  	_ =	shalt  }
0x51: {  	_ =	shalt  }
0x52: {  	_ =	shalt  }
0x53: {  	_ =	shalt  }
0x54: {  	_ =	shalt  }
0x55: {  	_ =	shalt  }
0x56: {  	_ =	shalt  }
0x57: {  	_ =	shalt  }
0x58: {  	_ =	shalt  }
0x59: {  	_ =	shalt  }
0x5a: {  	_ =	shalt  }
0x5b: {  	_ =	shalt  }
0x5c: {  	_ =	shalt  }
0x5d: {  	_ =	shalt  }
0x5e: {  	_ =	shalt  }
0x5f: {  	_ =	shalt  }
0x60: {  	_ =	shalt  }
0x61: {  	_ =	shalt  }
0x62: {  	_ =	shalt  }
0x63: {  	_ =	shalt  }
0x64: {  	_ =	shalt  }
0x65: {  	_ =	shalt  }
0x66: {  	_ =	shalt  }
0x67: {  	_ =	shalt  }
0x68: {  	_ =	shalt  }
0x69: {  	_ =	shalt  }
0x6a: {  	_ =	shalt  }
0x6b: {  	_ =	shalt  }
0x6c: {  	_ =	shalt  }
0x6d: {  	_ =	shalt  }
0x6e: {  	_ =	shalt  }
0x6f: {  	_ =	shalt  }
0x70: {  	_ =	shalt  }
0x71: {  	_ =	shalt  }
0x72: {  	_ =	shalt  }
0x73: {  	_ =	shalt  }
0x74: {  	_ =	shalt  }
0x75: {  	_ =	shalt  }
0x76: {  	_ =	shalt  }
0x77: {  	_ =	shalt  }
0x78: {  	_ =	shalt  }
0x79: {  	_ =	shalt  }
0x7a: {  	_ =	shalt  }
0x7b: {  	_ =	shalt  }
0x7c: {  	_ =	shalt  }
0x7d: {  	_ =	shalt  }
0x7e: {  	_ =	shalt  }
0x7f: {  	_ =	shalt  }
0x80: {  	_ =	shalt  }
0x81: {  	_ =	shalt  }
0x82: {  	_ =	shalt  }
0x83: {  	_ =	shalt  }
0x84: {  	_ =	shalt  }
0x85: {  	_ =	shalt  }
0x86: {  	_ =	shalt  }
0x87: {  	_ =	shalt  }
.Lfunc_end0:
.L_simem_size_0:
called_computation_lowered:
.L_overlay_start_0:
0x88: {  	s2 =	sld [smem:$0x3FD9]  }
0x89: {  	s3 =	sld [smem:$0x3FFE];
	_ =	sdelay $0x1  }
0x8a: {  	s1 =	srdreg.scid  }
0x8b: {  	s0 =	sand.u32 $0x1, s1  }
0x8c: {  	s16 =	sshll.u32 s0, $0xA;
	s2 =	sadd.s32 s3, s2  }
0x8d: {  	s2 =	sadd.s32 s2, s16  }
0x8e: {  	[smem:$0x3FC0] =	sst s2  }
0x8f: {  	_ = 	snop  }
0x90: {  	(tm) =	ssettm $0x1  }
0x91: {  	s17 =	sld [smem:$0x3FFB];
	_ =	sdelay $0x3  }
0x92: {  	_ =	strace s17  }
0x93: {  	s2 =	sld [smem:$0x3FFC];
	_ =	sdelay $0x3  }
0x94: {  	_ =	strace s2  }
0x95: {  	s2 =	sld [smem:$0x3FFD];
	_ =	sdelay $0x3  }
0x96: {  	_ =	strace s2  }
0x97: {  	_ =	strace $0x8FFFFFFF  }
0x98: {  	s18 =	sld [smem:$0x3FDB];
	_ =	sdelay $0x1  }
0x99: {  	s19 =	simm.s32 $_scs_section_size  }
0x9a: {  	s4 =	simm.s32 $_size__tile_overlayer_lowered;
	s5 =	simm.s32 $_tile_overlayer_lowered  }
0x9b: {  	s22 =	simm.s32 $0x1BFF;
	s21 =	sshll.u32 s5, $0x1;
	s2 =	sadd.s32 s19, s18  }
0x9c: {  	s6 =	simm.s32 $0x0;
	s20 =	sshll.u32 s4, $0x1;
	s4 =	sadd.s32 s21, s2  }
0x9d: {  	[timem:s6], [sflag:s22] =	dma.local [hbm:s4], s20  }
0x9e: {  	_ =	swait.ge [sflag:s22], s20  }
0x9f: {  	s3 =	ssub.s32 $0x0, s20;
	[sflag:s22] =	ssyncset.done $0x0  }
0xa0: {  	[sflag:s22] =	ssyncadd.s32 s3;
	_ =	sdelay $0x1  }
0xa1: {  	s23 =	simm.s32 $0x1B8B  }
0xa2: {  	_ =	swait.ge [sflag:s23], $0x1  }
0xa3: {  	[sflag:s23] =	ssyncset.done $0x0  }
0xa4: {  	s25 =	simm.s32 $0x1B8E;
	s24 =	sld [smem:$0x3FFE];
	[sflag:s23] =	ssyncadd.s32 $0xFFFFFFFF  }
0xa5: {  	s26 =	simm.s32 $execute0_lowered;
	[smem:$0x3FD2] =	sst s25  }
0xa6: {  	s4 =	sshll.u32 s26, $0x1;
	_ =	strace $0x80000046;
	[dreg:$0x1] =	wrdreg $0xFFFFFFFF  }
0xa7: {  	s28 =	simm.s32 $_size_execute0_lowered;
	s2 =	sadd.s32 s2, s4;
	[dreg:$0x0] =	wrdreg $0x0  }
0xa8: {  	s4 =	sshll.u32 s28, $0x1;
	[dreg:$0x2] =	wrdreg s2  }
0xa9: {  	[dreg:$0x3] =	wrdreg s4  }
0xaa: {  	[dreg:$0x4] =	wrdreg $0xC0  }
0xab: {  	_ =	task [dreg:s6], $0x5FFFF  }
0xac: {  	[dreg:$0x1] =	wrdreg $0xFFFFFFFF  }
0xad: {  	[dreg:$0x0] =	wrdreg $0x60  }
0xae: {  	[dreg:$0x2] =	wrdreg s24  }
0xaf: {  	[dreg:$0x3] =	wrdreg $0x58000  }
0xb0: {  	[dreg:$0x4] =	wrdreg $0x9  }
0xb1: {  	_ =	task.clear_ibuf [dreg:s6], $0x5FFFF;
	_ =	strace $0x90000046  }
0xb2: {  	s29 =	simm.s32 $0x9;
	_ =	strace $0x80000048  }
0xb3: {  	_ =	swait.ge [sflag:s29], $0x1  }
0xb4: {  	[sflag:s29] =	ssyncadd.s32 $0xFFFFFFFF  }
0xb5: {  	_ =	strace $0x90000048  }
0xb6: {  	_ =	sfence  }
0xb7: {  	s30 =	sld [smem:$0x0];
	_ =	sdelay $0x2  }
0xb8: {  	s31 =	sshll.u32 s1, $0xD;
	s1 =	sshrl.u32 s1, $0x2  }
0xb9: {  	s3 =	sand.u32 $0x4000, s31;
	s1 =	sadd.s32 s1, s30  }
0xba: {  	s0 =	sor.u32 s3, s0;
	s1 =	sshll.u32 s1, $0x11  }
0xbb: {  	s0 =	sor.u32 s1, s0  }
0xbc: {  	s0 =	sadd.s32 $0x8F2B, s0  }
0xbd: {  	[sflag:s0] =	ssyncadd.remote.s32 $0x1  }
0xbe: {  	_ =	sfence.sel $0xFFFF  }
0xbf: {  	[dreg:$0x0] =	wrdreg $0xFFFFFFFF;
	(pc) =	sbr.abs _section_cstart, $3  }
0xc0: {  	[dreg:$0x1] =	wrdreg $0xFFFFFFFF  }
0xc1: {  	_ =	task.clear_ibuf [dreg:s6], $0x2FFFF;
	_ =	strace $0x9FFFFFFF  }
0xc2: {  	(tm) =	ssettm $0x7FFFFFFF  }
0xc3: {  	_ =	shalt  }
tec
execute0_lowered:
.L_overlay_start_1:
0x0: {  	(tag) =	ssettag $0x1  }
0x1: {  	s6 =	rddreg [dreg:$0x0]  }
0x2: {  	s1 =	srdreg.scid;
	s0 =	stileid.u32  }
0x3: {  	s2 =	rddreg [dreg:$0x1];
	s3 =	simm.s32 $0x0;
	s12 =	simm.s32 $0x80  }
0x4: {  	s13 =	simm.s32 $0x1;
	s4 =	sand.u32 $0x1, s1;
	s1 =	rddreg [dreg:$0x2]  }
0x5: {  	s5 =	sshll.u32 s0, $0x1;
	[smem:$0x7FF] =	sst s3;
	s11 =	smul.u32 $0x2800, s0  }
0x6: {  	s5 =	sor.u32 s4, s5;
	_ =	strace $0x80000047;
	s8 =	smul.u32 $0x5000, s4  }
0x7: {  	s9 =	ssub.s32 $0x2, s4;
	s4 =	sadd.s32 $0xBE00, s6;
	s5 =	smul.u32 $0x500, s5  }
0x8: {  	s10 =	sshrl.u32 s9, $0x1;
	s15 =	sshrl.u32 s11, $0x3;
	s8 =	sadd.s32 s8, s6  }
0x9: {  	s9 =	ssub.s32 s9, s10;
	s10 =	simm.s32 $0x2800;
	s7 =	sadd.s32 s5, s6  }
0xa: {  	s5 =	sadd.s32 $0xBC00, s6;
	s14 =	sadd.s32 $0xC400, s8;
	s8 =	smax.u32 s9, $0x1  }
0xb: {  	s9 =	simm.s32 $0x2;
	s6 =	sadd.s32 $0x1C00, s7;
	s7 =	sadd.s32 s11, s2  }
0xc: {  	s11 =	simm.s32 $0x5000;
	s14 =	sadd.s32 s15, s14;
	s15 =	simm.s32 $0x0  }
.LBB2_1:
0xd: {  	[tilespmem:s3], [sflag:$0x2] =	stream.linear.gather [hbm4b:s6+s3], $0x2800, $0x38;
	[tilespmem:$0x8000] =	vst v63  }
0xe: {  	_ =	swait.ge [sflag:s9], $0x2800  }
0xf: {  	[sflag:s9] =	ssyncset.done $0x0  }
0x10: {  	[sflag:s9] =	ssyncadd.s32 $0xFFFFD800  }
0x11: {  	[tilespmem:s10], [sflag:$0x2] =	stream.linear.gather [hbm4b:s4+s3], $0x2800, $0x38;
	[tilespmem:$0x8000] =	vst v63  }
0x12: {  	_ =	swait.ge [sflag:s9], $0x2800  }
0x13: {  	[sflag:s9] =	ssyncset.done $0x0  }
0x14: {  	[sflag:s9] =	ssyncadd.s32 $0xFFFFD800  }
0x15: {  	[spmem:s7] =	stream.linear.scatter [tilespmem:s10], [sflag:$0x2], $0x2800, $0x38;
	[tilespmem:$0x8000] =	vst v63  }
0x16: {  	_ =	swait.ge [sflag:s9], $0x2800  }
0x17: {  	[sflag:s9] =	ssyncset.done $0x0  }
0x18: {  	[sflag:s9] =	ssyncadd.s32 $0xFFFFD800  }
0x19: {  	[tilespmem:s11], [sflag:$0x2] =	stream.linear.gather [hbm4b:s5+s3], $0x800, $0x38;
	[tilespmem:$0x8000] =	vst v63  }
0x1a: {  	_ =	swait.ge [sflag:s9], $0x800  }
0x1b: {  	[sflag:s9] =	ssyncset.done $0x0  }
0x1c: {  	[sflag:s9] =	ssyncadd.s32 $0xFFFFF800  }
0x1d: {  	s16 =	simm.s32 $0x0;
	[bflag:$0x0] =	sbarrier.arrive $0xFFFF  }
0x1e: {  	[spmem:s2] =	stream.indirect.scatter.add.f32 [tilespmem:s11], [sflag:$0x1], $0x10, s16, s12, $0xb8;
	[tilespmem:$0x8000] =	vst v63  }
0x1f: {  	s29 =	simm.s32 $0x80  }
0x20: {  	[spmem:s2] =	stream.indirect.scatter.add.f32 [tilespmem:s11], [sflag:$0x1], $0x10, s29, s12, $0xb8;
	[tilespmem:$0x8000] =	vst v63  }
0x21: {  	s30 =	simm.s32 $0x100  }
0x22: {  	[spmem:s2] =	stream.indirect.scatter.add.f32 [tilespmem:s11], [sflag:$0x1], $0x10, s30, s12, $0xb8;
	[tilespmem:$0x8000] =	vst v63  }
0x23: {  	s31 =	simm.s32 $0x180  }
0x24: {  	[spmem:s2] =	stream.indirect.scatter.add.f32 [tilespmem:s11], [sflag:$0x1], $0x10, s31, s12, $0xb8;
	[tilespmem:$0x8000] =	vst v63  }
0x25: {  	_ =	swait.ge [sflag:s13], $0x800  }
0x26: {  	[sflag:s13] =	ssyncset.done $0x0  }
0x27: {  	[sflag:s13] =	ssyncadd.s32 $0xFFFFF800  }
0x28: {  	_ =	swait.ge [sflag:s13], $0x800  }
0x29: {  	[sflag:s13] =	ssyncset.done $0x0  }
0x2a: {  	[sflag:s13] =	ssyncadd.s32 $0xFFFFF800  }
0x2b: {  	_ =	swait.ge [sflag:s13], $0x800  }
0x2c: {  	[sflag:s13] =	ssyncset.done $0x0  }
0x2d: {  	[sflag:s13] =	ssyncadd.s32 $0xFFFFF800  }
0x2e: {  	_ =	swait.ge [sflag:s13], $0x800  }
0x2f: {  	s17 =	simm.s32 $0x1000;
	s16 =	simm.s32 $0x800;
	[sflag:s13] =	ssyncset.done $0x0  }
.LBB2_2:
0x30: {  	s18 =	sshra.s32 s16, $0x2  }
0x31: {  	[sflag:s13] =	ssyncadd.s32 $0xFFFFF800;
	s16 =	smov.u32 s17;
	s19 =	sadd.s32 $0x800, s17  }
0x32: {  	[spmem:s2] =	stream.indirect.scatter.add.f32 [tilespmem:s11], [sflag:$0x1], $0x10, s18, s12, $0xb8;
	[tilespmem:$0x8000] =	vst v63  }
0x33: {  	p0 =	sne.s32 s17, $0x9800;
	s17 =	sadd.s32 $0x80, s18  }
0x34: {  	[spmem:s2] =	stream.indirect.scatter.add.f32 [tilespmem:s11], [sflag:$0x1], $0x10, s17, s12, $0xb8;
	[tilespmem:$0x8000] =	vst v63  }
0x35: {  	s17 =	sadd.s32 $0x100, s18  }
0x36: {  	[spmem:s2] =	stream.indirect.scatter.add.f32 [tilespmem:s11], [sflag:$0x1], $0x10, s17, s12, $0xb8;
	[tilespmem:$0x8000] =	vst v63  }
0x37: {  	s17 =	sadd.s32 $0x180, s18  }
0x38: {  	[spmem:s2] =	stream.indirect.scatter.add.f32 [tilespmem:s11], [sflag:$0x1], $0x10, s17, s12, $0xb8;
	[tilespmem:$0x8000] =	vst v63  }
0x39: {  	_ =	swait.ge [sflag:s13], $0x800  }
0x3a: {  	[sflag:s13] =	ssyncset.done $0x0  }
0x3b: {  	[sflag:s13] =	ssyncadd.s32 $0xFFFFF800  }
0x3c: {  	_ =	swait.ge [sflag:s13], $0x800  }
0x3d: {  	[sflag:s13] =	ssyncset.done $0x0  }
0x3e: {  	[sflag:s13] =	ssyncadd.s32 $0xFFFFF800  }
.Ltmp0:
0x3f: {  	_ =	swait.ge [sflag:s13], $0x800;
	(pc) =	sbr.rel @p0 .LBB2_2-.Ltmp0, $4  }
0x40: {  	[sflag:s13] =	ssyncset.done $0x0  }
0x41: {  	[sflag:s13] =	ssyncadd.s32 $0xFFFFF800  }
0x42: {  	_ =	swait.ge [sflag:s13], $0x800  }
0x43: {  	s17 =	smov.u32 s19;
	[sflag:s13] =	ssyncset.done $0x0  }
0x44: {  	s16 =	sshra.s32 s16, $0x2;
	[sflag:s13] =	ssyncadd.s32 $0xFFFFF800  }
0x45: {  	[spmem:s2] =	stream.indirect.scatter.add.f32 [tilespmem:s11], [sflag:$0x1], $0x10, s16, s12, $0xb8;
	[tilespmem:$0x8000] =	vst v63  }
0x46: {  	s17 =	sadd.s32 $0x80, s16  }
0x47: {  	[spmem:s2] =	stream.indirect.scatter.add.f32 [tilespmem:s11], [sflag:$0x1], $0x10, s17, s12, $0xb8;
	[tilespmem:$0x8000] =	vst v63  }
0x48: {  	s31 =	sadd.s32 $0x100, s16  }
0x49: {  	[spmem:s2] =	stream.indirect.scatter.add.f32 [tilespmem:s11], [sflag:$0x1], $0x10, s31, s12, $0xb8;
	[tilespmem:$0x8000] =	vst v63  }
0x4a: {  	s16 =	sadd.s32 $0x180, s16  }
0x4b: {  	[spmem:s2] =	stream.indirect.scatter.add.f32 [tilespmem:s11], [sflag:$0x1], $0x10, s16, s12, $0xb8;
	[tilespmem:$0x8000] =	vst v63  }
0x4c: {  	_ =	swait.ge [sflag:s13], $0x800  }
0x4d: {  	[sflag:s13] =	ssyncset.done $0x0  }
0x4e: {  	[sflag:s13] =	ssyncadd.s32 $0xFFFFF800  }
0x4f: {  	_ =	swait.ge [sflag:s13], $0x800  }
0x50: {  	[sflag:s13] =	ssyncset.done $0x0  }
0x51: {  	[sflag:s13] =	ssyncadd.s32 $0xFFFFF800  }
0x52: {  	_ =	swait.ge [sflag:s13], $0x800  }
0x53: {  	[sflag:s13] =	ssyncset.done $0x0  }
0x54: {  	[sflag:s13] =	ssyncadd.s32 $0xFFFFF800  }
0x55: {  	_ =	swait.ge [sflag:s13], $0x800  }
0x56: {  	[sflag:s13] =	ssyncset.done $0x0  }
0x57: {  	[sflag:s13] =	ssyncadd.s32 $0xFFFFF800  }
0x58: {  	[bflag:$0x0] =	sbarrier.arrive $0xFFFF  }
0x59: {  	[tilespmem:s10], [sflag:$0x2] =	stream.linear.gather [spmem:s7], $0x2800, $0x38;
	[tilespmem:$0x8000] =	vst v63  }
0x5a: {  	s15 =	sadd.s32 $0x1, s15;
	_ =	swait.ge [sflag:s9], $0x2800  }
0x5b: {  	p0 =	sne.s32 s15, s8;
	[sflag:s9] =	ssyncset.done $0x0  }
.Ltmp1:
0x5c: {  	[sflag:s9] =	ssyncadd.s32 $0xFFFFD800;
	(pc) =	sbr.rel @p0 .LBB2_1-.Ltmp1, $4  }
0x5d: {  	[hbm4b:s14+s3] =	stream.linear.scatter [tilespmem:s10], [sflag:$0x2], $0x2800, $0x38;
	[tilespmem:$0x8000] =	vst v63  }
0x5e: {  	_ =	swait.ge [sflag:s9], $0x2800  }
0x5f: {  	[sflag:s9] =	ssyncset.done $0x0  }
0x60: {  	[sflag:s9] =	ssyncadd.s32 $0xFFFFD800  }
0x61: {  	_ =	sfence.sel $0x180000  }
0x62: {  	[bflag:$0x0] =	sbarrier.arrive $0xFFFF  }
0x63: {  	p0 =	sne.s32 s0, $0x0;
	_ =	strace $0x90000047  }
0x64: {  	s0 =	sadd.s32 @!p0 $0x100000, s1;
	[bflag:$0x2] =	sbarrier.arrive $0xFFFF  }
0x65: {  	[sflag:s0] =	ssyncadd.tile.s32 @!p0 $0x1;
	_ =	shalt  }
.Lfunc_end2:
_tile_overlayer_lowered:
.L_overlay_start_2:
0x66: {  	(tag) =	ssettag $0x2  }
0x67: {  	s0 =	rddreg [dreg:$0x0];
	s2 =	stileid.u32  }
0x68: {  	s1 =	rddreg [dreg:$0x1];
	p0 =	sne.s32 s2, $0x0  }
0x69: {  	s3 =	rddreg [dreg:$0x2];
	[bflag:$0x3] =	sbarrier.arrive $0xFFFF;
	s2 =	simm.s32 @!p0 $0x1C02  }
0x6a: {  	[timem:s3], [sflag:s2] =	dma.local @!p0 [hbm:s0], s1  }
0x6b: {  	s0 =	simm.s32 @!p0 $0x2  }
0x6c: {  	_ =	swait.ge @!p0 [sflag:s0], s1  }
0x6d: {  	s1 =	ssub.s32 @!p0 $0x0, s1;
	[sflag:s0] =	ssyncset.done @!p0 $0x0  }
0x6e: {  	[sflag:s0] =	ssyncadd.s32 @!p0 s1  }
0x6f: {  	[bflag:$0x3] =	sbarrier.arrive $0xFFFF  }
0x70: {  	_ =	shalt  }

</sc_bundles>
